<compile_context>
chip_gen: v7x
topology: tpu7x:2x2x1
jax: 0.10.2.dev20260603
libtpu: 0.0.44.dev20260713+nightly
codegen_flags: <defaults>
</compile_context>

<pallas_src>
import functools

import jax
import jax.numpy as jnp
from jax import lax
from jax.experimental import pallas as pl
from jax.experimental.pallas import tpu as pltpu
from jax.experimental.pallas import tpu_sc as plsc

NC = 2
NS = 16
NW = NC * NS
K = 125


def _sc_mesh():
    return plsc.VectorSubcoreMesh(core_axis_name="c", subcore_axis_name="s")


def _make_deg_kernel(N, E, H):
    ch = E // (NW * K)

    @functools.partial(
        pl.kernel,
        out_type=jax.ShapeDtypeStruct((NC, N, H), jnp.float32),
        mesh=_sc_mesh(),
        scratch_types=[
            pltpu.VMEM((ch, K), jnp.int32),
            pltpu.VMEM((K, H), jnp.float32),
            pltpu.VMEM_SHARED((N, H), jnp.float32),
            pltpu.SemaphoreType.DMA,
        ],
    )
    def deg_kernel(dst_hbm, ones_hbm, zeros_hbm, out_hbm, didx, ones_v, dacc,
                   sem):
        cid = lax.axis_index("c")
        sid = lax.axis_index("s")
        wid = cid * NS + sid
        rpt = (N // NS) // 8 * 8
        tail = N - rpt * NS
        pltpu.sync_copy(dst_hbm.at[wid], didx)
        pltpu.sync_copy(ones_hbm, ones_v)
        pltpu.sync_copy(zeros_hbm.at[pl.ds(sid * rpt, rpt)],
                        dacc.at[pl.ds(sid * rpt, rpt)])
        if tail:
            @pl.when(sid == 0)
            def _():
                pltpu.sync_copy(zeros_hbm.at[pl.ds(rpt * NS, tail)],
                                dacc.at[pl.ds(rpt * NS, tail)])
        plsc.subcore_barrier()

        def fire(c, carry):
            pltpu.async_copy(ones_v, dacc.at[didx.at[c]], sem, add=True)
            return carry

        lax.fori_loop(0, ch, fire, 0)

        def drain(c, carry):
            pltpu.make_async_copy(ones_v, dacc.at[didx.at[0]], sem).wait()
            return carry

        lax.fori_loop(0, ch, drain, 0)
        plsc.subcore_barrier()
        pltpu.sync_copy(dacc.at[pl.ds(sid * rpt, rpt)],
                        out_hbm.at[cid, pl.ds(sid * rpt, rpt)])
        if tail:
            @pl.when(sid == 0)
            def _():
                pltpu.sync_copy(dacc.at[pl.ds(rpt * NS, tail)],
                                out_hbm.at[cid, pl.ds(rpt * NS, tail)])

    return deg_kernel


def _make_agg_kernel(N, E, H):
    ch = E // (NW * K)

    @functools.partial(
        pl.kernel,
        out_type=jax.ShapeDtypeStruct((NC, N, H), jnp.float32),
        mesh=_sc_mesh(),
        scratch_types=[
            pltpu.VMEM((ch, K), jnp.int32),
            pltpu.VMEM((8, K), jnp.int32),
            pltpu.VMEM((8, K), jnp.int32),
            pltpu.VMEM((K, H), jnp.float32),
            pltpu.VMEM((K, H), jnp.float32),
            pltpu.VMEM_SHARED((N, H), jnp.float32),
            pltpu.SemaphoreType.DMA,
            pltpu.SemaphoreType.DMA,
            pltpu.SemaphoreType.DMA,
            pltpu.SemaphoreType.DMA,
            pltpu.SemaphoreType.DMA,
            pltpu.SemaphoreType.DMA,
        ],
    )
    def agg_kernel(y_hbm, src_hbm, dst4d_hbm, zeros_hbm, out_hbm,
                   sidx, didx0, didx1, rows0, rows1, acc,
                   i0, i1, g0, g1, s0, s1):
        cid = lax.axis_index("c")
        sid = lax.axis_index("s")
        wid = cid * NS + sid
        rpt = (N // NS) // 8 * 8
        tail = N - rpt * NS
        pltpu.sync_copy(src_hbm.at[wid], sidx)
        @pl.when(cid == 0)
        def _():
            pltpu.sync_copy(y_hbm.at[pl.ds(sid * rpt, rpt)],
                            acc.at[pl.ds(sid * rpt, rpt)])
        @pl.when(cid == 1)
        def _():
            pltpu.sync_copy(zeros_hbm.at[pl.ds(sid * rpt, rpt)],
                            acc.at[pl.ds(sid * rpt, rpt)])
        if tail:
            @pl.when((sid == 0) & (cid == 0))
            def _():
                pltpu.sync_copy(y_hbm.at[pl.ds(rpt * NS, tail)],
                                acc.at[pl.ds(rpt * NS, tail)])
            @pl.when((sid == 0) & (cid == 1))
            def _():
                pltpu.sync_copy(zeros_hbm.at[pl.ds(rpt * NS, tail)],
                                acc.at[pl.ds(rpt * NS, tail)])
        plsc.subcore_barrier()

        didx = (didx0, didx1)
        rows = (rows0, rows1)
        isem = (i0, i1)
        gsem = (g0, g1)
        ssem = (s0, s1)

        def pair(p, carry):
            for b in (0, 1):
                c = 2 * p + b

                @pl.when(c >= 2)
                def _():
                    pltpu.make_async_copy(
                        rows[b], acc.at[didx[b].at[0]], ssem[b]).wait()

                pltpu.async_copy(dst4d_hbm.at[wid, c],
                                 didx[b].at[pl.ds(0, 1)], isem[b])
                pltpu.async_copy(y_hbm.at[sidx.at[c]], rows[b], gsem[b])
                pltpu.make_async_copy(dst4d_hbm.at[wid, c],
                                      didx[b].at[pl.ds(0, 1)], isem[b]).wait()
                pltpu.make_async_copy(
                    y_hbm.at[sidx.at[c]], rows[b], gsem[b]).wait()
                pltpu.async_copy(
                    rows[b], acc.at[didx[b].at[0]], ssem[b], add=True)
            return carry

        lax.fori_loop(0, ch // 2, pair, 0)
        for b in (0, 1):
            pltpu.make_async_copy(
                rows[b], acc.at[didx[b].at[0]], ssem[b]).wait()
        plsc.subcore_barrier()
        pltpu.sync_copy(acc.at[pl.ds(sid * rpt, rpt)],
                        out_hbm.at[cid, pl.ds(sid * rpt, rpt)])
        if tail:
            @pl.when(sid == 0)
            def _():
                pltpu.sync_copy(acc.at[pl.ds(rpt * NS, tail)],
                                out_hbm.at[cid, pl.ds(rpt * NS, tail)])

    return agg_kernel


def _row_specs(R, *shapes):
    specs = []
    for s in shapes:
        if s[0] == "rows2":
            specs.append(pl.BlockSpec((R, s[1]), lambda i: (i, 0)))
        elif s[0] == "core3":
            c = s[2]
            specs.append(
                pl.BlockSpec((1, R, s[1]), lambda i, c=c: (c, i, 0)))
        else:
            specs.append(pl.BlockSpec(s[1], lambda i: tuple(0 for _ in s[1])))
    return specs


def _dinv_block(d0, d1):
    deg = 1.0 + d0[0, :, 0:1] + d1[0, :, 0:1]
    return lax.rsqrt(deg)


def _tc_pre(x, W, degs, R):
    N, D = x.shape
    H = W.shape[1]

    def body(d0, d1, x_ref, w_ref, y_ref):
        dinv = _dinv_block(d0[...], d1[...])
        xw = jnp.dot(x_ref[...], w_ref[...],
                     preferred_element_type=jnp.float32)
        y_ref[...] = dinv * xw

    return pl.pallas_call(
        body,
        grid=(N // R,),
        in_specs=_row_specs(R, ("core3", 8, 0), ("core3", 8, 1),
                            ("rows2", D), ("full", (D, H))),
        out_specs=pl.BlockSpec((R, H), lambda i: (i, 0)),
        out_shape=jax.ShapeDtypeStruct((N, H), jnp.float32),
    )(degs, degs, x, W)


def _tc_mid(P, degs, b, g, be, Wn, R):
    _, N, H = P.shape[0], P.shape[1], P.shape[2]
    Hn = Wn.shape[1]

    def body(d0, d1, p0, p1, b_ref, g_ref, be_ref, w_ref, o_ref):
        dinv = _dinv_block(d0[...], d1[...])
        h = dinv * (p0[0] + p1[0]) + b_ref[...]
        h = jnp.maximum(h, 0.0)
        mu = jnp.mean(h, axis=-1, keepdims=True)
        var = jnp.mean((h - mu) ** 2, axis=-1, keepdims=True)
        h = (h - mu) * lax.rsqrt(var + 1e-5) * g_ref[...] + be_ref[...]
        o_ref[...] = dinv * jnp.dot(h, w_ref[...],
                                    preferred_element_type=jnp.float32)

    return pl.pallas_call(
        body,
        grid=(N // R,),
        in_specs=_row_specs(R, ("core3", 8, 0), ("core3", 8, 1),
                            ("core3", H, 0), ("core3", H, 1),
                            ("full", (1, H)), ("full", (1, H)),
                            ("full", (1, H)), ("full", (H, Hn))),
        out_specs=pl.BlockSpec((R, Hn), lambda i: (i, 0)),
        out_shape=jax.ShapeDtypeStruct((N, Hn), jnp.float32),
    )(degs, degs, P, P, b.reshape(1, -1), g.reshape(1, -1),
      be.reshape(1, -1), Wn)


def _tc_final(P, degs, b3, Wa, ba, Wb, bb, R):
    N, H = P.shape[1], P.shape[2]
    O = Wb.shape[1]

    def body(d0, d1, p0, p1, b_ref, wa_ref, ba_ref, wb_ref, bb_ref,
             o_ref):
        dinv = _dinv_block(d0[...], d1[...])
        h = dinv * (p0[0] + p1[0]) + b_ref[...]
        h = jnp.maximum(h, 0.0)
        t = jnp.dot(h, wa_ref[...],
                    preferred_element_type=jnp.float32) + ba_ref[...]
        u = jnp.dot(t, wb_ref[...],
                    preferred_element_type=jnp.float32) + bb_ref[...]
        o_ref[...] = jax.nn.sigmoid(u)

    return pl.pallas_call(
        body,
        grid=(N // R,),
        in_specs=_row_specs(R, ("core3", 8, 0), ("core3", 8, 1),
                            ("core3", H, 0), ("core3", H, 1),
                            ("full", (1, H)),
                            ("full", (H, H)), ("full", (1, H)),
                            ("full", (H, O)), ("full", (1, O))),
        out_specs=pl.BlockSpec((R, O), lambda i: (i, 0)),
        out_shape=jax.ShapeDtypeStruct((N, O), jnp.float32),
    )(degs, degs, P, P, b3.reshape(1, -1), Wa, ba.reshape(1, -1),
      Wb, bb.reshape(1, -1))


def kernel(x, edge_index, batch, W1, b1, W2, b2, W3, b3,
           g1, be1, g2, be2, Wa, ba, Wb, bb):
    N, D = x.shape
    E = edge_index.shape[1]
    H = W1.shape[1]
    assert E % (NW * K) == 0 and N % NS == 0

    ch = E // (NW * K)
    src3d = edge_index[0].astype(jnp.int32).reshape(NW, ch, K)
    dst3d = edge_index[1].astype(jnp.int32).reshape(NW, ch, K)
    dst4d = dst3d.reshape(NW, ch, 1, K)
    zeros_nh = jnp.zeros((N, H), jnp.float32)
    ones_kh = jnp.ones((K, H), jnp.float32)

    R = 2000
    deg_k = _make_deg_kernel(N, E, H)
    agg_k = _make_agg_kernel(N, E, H)

    degs = deg_k(dst3d, ones_kh, zeros_nh)[:, :, :8]
    y1 = _tc_pre(x, W1, degs, R)
    P1 = agg_k(y1, src3d, dst4d, zeros_nh)
    y2 = _tc_mid(P1, degs, b1, g1, be1, W2, R)
    P2 = agg_k(y2, src3d, dst4d, zeros_nh)
    y3 = _tc_mid(P2, degs, b2, g2, be2, W3, R)
    P3 = agg_k(y3, src3d, dst4d, zeros_nh)
    return _tc_final(P3, degs, b3, Wa, ba, Wb, bb, R)

# --- scband reference (transcript-rebuilt; emitter-appended) ---
"""Pipeline reference for scband-gnnstack-22308060135655 (READ-ONLY COPY).

The authoritative reference and input builder live on the scoring server;
editing this copy changes nothing except your own understanding.
"""

import jax, jax.numpy as jnp
import numpy as np

N = 10000
E = 320000
D = 128
H = 128
O = 40


def setup_inputs(seed: int = 0) -> dict:
    key = jax.random.key(seed)
    ks = jax.random.split(key, 16)
    def w(k, shape, scale=0.05):
        return jax.random.normal(k, shape, dtype=jnp.float32) * scale
    inp = {
        "x": jax.random.normal(ks[0], (N, D), dtype=jnp.float32),
        "edge_index": jax.random.randint(ks[1], (2, E), 0, N),
        "batch": jnp.zeros((N,), dtype=jnp.int32),
        "W1": w(ks[2], (D, H)), "b1": jnp.zeros((H,), jnp.float32),
        "W2": w(ks[3], (H, H)), "b2": jnp.zeros((H,), jnp.float32),
        "W3": w(ks[4], (H, H)), "b3": jnp.zeros((H,), jnp.float32),
        "g1": jnp.ones((H,), jnp.float32), "be1": jnp.zeros((H,), jnp.float32),
        "g2": jnp.ones((H,), jnp.float32), "be2": jnp.zeros((H,), jnp.float32),
        "Wa": w(ks[5], (H, H)), "ba": jnp.zeros((H,), jnp.float32),
        "Wb": w(ks[6], (H, O)), "bb": jnp.zeros((O,), jnp.float32),
    }
    return inp


def _gcn_conv(x, W, b, src, dst, n):
    # PyG GCNConv: linear, add self-loops, symmetric normalization, scatter-add, bias
    x = x @ W
    loops = jnp.arange(n, dtype=src.dtype)
    src2 = jnp.concatenate([src, loops])
    dst2 = jnp.concatenate([dst, loops])
    deg = jnp.zeros((n,), dtype=x.dtype).at[dst2].add(1.0)
    dinv = jnp.where(deg > 0, 1.0 / jnp.sqrt(deg), 0.0)
    norm = dinv[src2] * dinv[dst2]
    msg = x[src2] * norm[:, None]
    out = jnp.zeros_like(x).at[dst2].add(msg)
    return out + b


def _layernorm(x, g, b, eps=1e-5):
    mu = jnp.mean(x, axis=-1, keepdims=True)
    var = jnp.mean((x - mu) ** 2, axis=-1, keepdims=True)
    return (x - mu) / jnp.sqrt(var + eps) * g + b


def reference(x, edge_index, batch, W1, b1, W2, b2, W3, b3, g1, be1, g2, be2, Wa, ba, Wb, bb):
    src = edge_index[0]
    dst = edge_index[1]
    n = x.shape[0]
    # layer 0
    h = _gcn_conv(x, W1, b1, src, dst, n)
    h = jax.nn.relu(h)
    # dropout is identity in eval mode
    h = _layernorm(h, g1, be1)
    # layer 1
    h = _gcn_conv(h, W2, b2, src, dst, n)
    h = jax.nn.relu(h)
    h = _layernorm(h, g2, be2)
    # layer 2 (no LN after last conv)
    h = _gcn_conv(h, W3, b3, src, dst, n)
    h = jax.nn.relu(h)
    # post MP (dropout identity in eval)
    h = h @ Wa + ba
    h = h @ Wb + bb
    return jax.nn.sigmoid(h)

if __name__ == "__main__":
    import jax
    _d = setup_inputs()
    print(jax.jit(kernel)(*tuple(_d.values())))

</pallas_src>

<mosaic_0001>
#map = affine_map<(d0, d1) -> (0, 0)>
#map1 = affine_map<(d0, d1) -> (0, 0, 0)>
#map2 = affine_map<(d0, d1) -> (0, 0, 0, 0)>
module attributes {stable_mosaic.version = 14 : i64} {
  func.func @agg_kernel(%arg0: i32, %arg1: i32, %arg2: memref<10000x128xf32, #tpu.memory_space<hbm>>, %arg3: memref<32x80x125xi32, #tpu.memory_space<hbm>>, %arg4: memref<32x80x1x125xi32, #tpu.memory_space<hbm>>, %arg5: memref<10000x128xf32, #tpu.memory_space<hbm>>, %arg6: memref<2x10000x128xf32, #tpu.memory_space<hbm>>, %arg7: memref<80x125xi32, #tpu.memory_space<vmem>>, %arg8: memref<8x125xi32, #tpu.memory_space<vmem>>, %arg9: memref<8x125xi32, #tpu.memory_space<vmem>>, %arg10: memref<125x128xf32, #tpu.memory_space<vmem>>, %arg11: memref<125x128xf32, #tpu.memory_space<vmem>>, %arg12: memref<10000x128xf32, #tpu.memory_space<vmem_shared>>, %arg13: memref<!tpu.dma_semaphore, #tpu.memory_space<semaphore_mem>>, %arg14: memref<!tpu.dma_semaphore, #tpu.memory_space<semaphore_mem>>, %arg15: memref<!tpu.dma_semaphore, #tpu.memory_space<semaphore_mem>>, %arg16: memref<!tpu.dma_semaphore, #tpu.memory_space<semaphore_mem>>, %arg17: memref<!tpu.dma_semaphore, #tpu.memory_space<semaphore_mem>>, %arg18: memref<!tpu.dma_semaphore, #tpu.memory_space<semaphore_mem>>) attributes {dimension_semantics = [#tpu.dimension_semantics<core_parallel>, #tpu.dimension_semantics<subcore_parallel>], iteration_bounds = array<i64: 2, 16>, scalar_prefetch = 0 : i64, scratch_operands = 12 : i64, tpu.core_type = #tpu.core_type<sc_vector_subcore>, window_params = [{transform_indices = #map}, {transform_indices = #map1}, {transform_indices = #map2}, {transform_indices = #map}, {transform_indices = #map1}]} {
    %mul3A = arith.constant 16 : i32
    %mul3A_0 = arith.muli %arg0, %mul3A : i32
    %add3A = arith.addi %mul3A_0, %arg1 : i32
    "tpu.region"() ({
      %run_scoped3A = tpu.sem_alloc : memref<!tpu.dma_semaphore, #tpu.memory_space<semaphore_mem>>
      %dma_start3A = arith.constant 0 : i32
      %dma_start3A_51 = arith.constant 0 : i32
      %dma_start3A_52 = tpu.memref_slice %arg3[%add3A, %dma_start3A, %dma_start3A_51] : memref<32x80x125xi32, #tpu.memory_space<hbm>> -> memref<1x80x125xi32, #tpu.memory_space<hbm>>
      %dma_start3A_53 = tpu.memref_squeeze %dma_start3A_52 : memref<1x80x125xi32, #tpu.memory_space<hbm>> -> memref<80x125xi32, #tpu.memory_space<hbm>>
      %dma_start3A_54 = arith.constant 0 : i32
      %dma_start3A_55 = arith.constant 0 : i32
      %dma_start3A_56 = tpu.memref_slice %arg3[%add3A, %dma_start3A_54, %dma_start3A_55] : memref<32x80x125xi32, #tpu.memory_space<hbm>> -> memref<1x80x125xi32, #tpu.memory_space<hbm>>
      %dma_start3A_57 = tpu.memref_squeeze %dma_start3A_56 : memref<1x80x125xi32, #tpu.memory_space<hbm>> -> memref<80x125xi32, #tpu.memory_space<hbm>>
      tpu.enqueue_dma source(%dma_start3A_57 : memref<80x125xi32, #tpu.memory_space<hbm>>) target(%arg7 : memref<80x125xi32, #tpu.memory_space<vmem>>) target_semaphore(%run_scoped3A : memref<!tpu.dma_semaphore, #tpu.memory_space<semaphore_mem>>)
      %dma_wait3A_58 = arith.constant 0 : i32
      %dma_wait3A_59 = arith.constant 0 : i32
      %dma_wait3A_60 = tpu.memref_slice %arg3[%add3A, %dma_wait3A_58, %dma_wait3A_59] : memref<32x80x125xi32, #tpu.memory_space<hbm>> -> memref<1x80x125xi32, #tpu.memory_space<hbm>>
      %dma_wait3A_61 = tpu.memref_squeeze %dma_wait3A_60 : memref<1x80x125xi32, #tpu.memory_space<hbm>> -> memref<80x125xi32, #tpu.memory_space<hbm>>
      %dma_wait3A_62 = arith.constant 0 : i32
      %dma_wait3A_63 = arith.constant 0 : i32
      %dma_wait3A_64 = tpu.memref_slice %arg3[%add3A, %dma_wait3A_62, %dma_wait3A_63] : memref<32x80x125xi32, #tpu.memory_space<hbm>> -> memref<1x80x125xi32, #tpu.memory_space<hbm>>
      %dma_wait3A_65 = tpu.memref_squeeze %dma_wait3A_64 : memref<1x80x125xi32, #tpu.memory_space<hbm>> -> memref<80x125xi32, #tpu.memory_space<hbm>>
      tpu.wait_dma2 semaphore(%run_scoped3A : memref<!tpu.dma_semaphore, #tpu.memory_space<semaphore_mem>>) src(%dma_wait3A_65 : memref<80x125xi32, #tpu.memory_space<hbm>>) dst(%arg7 : memref<80x125xi32, #tpu.memory_space<vmem>>)
      tpu.yield
    }) : () -> ()
    %eq3A = arith.constant 0 : i32
    %eq3A_1 = arith.cmpi eq, %arg0, %eq3A : i32
    %convert_element_type3A = arith.extui %eq3A_1 : i1 to i32
    %cond3A = arith.constant 0 : i32
    %cond3A_2 = arith.cmpi ne, %convert_element_type3A, %cond3A : i32
    scf.if %cond3A_2 {
      %mul3A_51 = arith.constant 624 : i32
      %mul3A_52 = arith.muli %arg1, %mul3A_51 : i32
      %mul3A_53 = arith.constant 624 : i32
      %mul3A_54 = arith.muli %arg1, %mul3A_53 : i32
      "tpu.region"() ({
        %run_scoped3A = tpu.sem_alloc : memref<!tpu.dma_semaphore, #tpu.memory_space<semaphore_mem>>
        %dma_start3A = arith.constant 0 : i32
        %dma_start3A_55 = tpu.memref_slice %arg12[%mul3A_54, %dma_start3A] : memref<10000x128xf32, #tpu.memory_space<vmem_shared>> -> memref<624x128xf32, #tpu.memory_space<vmem_shared>>
        %dma_start3A_56 = arith.constant 0 : i32
        %dma_start3A_57 = tpu.memref_slice %arg2[%mul3A_52, %dma_start3A_56] : memref<10000x128xf32, #tpu.memory_space<hbm>> -> memref<624x128xf32, #tpu.memory_space<hbm>>
        tpu.enqueue_dma source(%dma_start3A_57 : memref<624x128xf32, #tpu.memory_space<hbm>>) target(%dma_start3A_55 : memref<624x128xf32, #tpu.memory_space<vmem_shared>>) target_semaphore(%run_scoped3A : memref<!tpu.dma_semaphore, #tpu.memory_space<semaphore_mem>>)
        %dma_wait3A_58 = arith.constant 0 : i32
        %dma_wait3A_59 = tpu.memref_slice %arg12[%mul3A_54, %dma_wait3A_58] : memref<10000x128xf32, #tpu.memory_space<vmem_shared>> -> memref<624x128xf32, #tpu.memory_space<vmem_shared>>
        %dma_wait3A_60 = arith.constant 0 : i32
        %dma_wait3A_61 = tpu.memref_slice %arg2[%mul3A_52, %dma_wait3A_60] : memref<10000x128xf32, #tpu.memory_space<hbm>> -> memref<624x128xf32, #tpu.memory_space<hbm>>
        tpu.wait_dma2 semaphore(%run_scoped3A : memref<!tpu.dma_semaphore, #tpu.memory_space<semaphore_mem>>) src(%dma_wait3A_61 : memref<624x128xf32, #tpu.memory_space<hbm>>) dst(%dma_wait3A_59 : memref<624x128xf32, #tpu.memory_space<vmem_shared>>)
        tpu.yield
      }) : () -> ()
    } else {
    }
    %eq3A_3 = arith.constant 1 : i32
    %eq3A_4 = arith.cmpi eq, %arg0, %eq3A_3 : i32
    %convert_element_type3A_5 = arith.extui %eq3A_4 : i1 to i32
    %cond3A_6 = arith.constant 0 : i32
    %cond3A_7 = arith.cmpi ne, %convert_element_type3A_5, %cond3A_6 : i32
    scf.if %cond3A_7 {
      %mul3A_51 = arith.constant 624 : i32
      %mul3A_52 = arith.muli %arg1, %mul3A_51 : i32
      %mul3A_53 = arith.constant 624 : i32
      %mul3A_54 = arith.muli %arg1, %mul3A_53 : i32
      "tpu.region"() ({
        %run_scoped3A = tpu.sem_alloc : memref<!tpu.dma_semaphore, #tpu.memory_space<semaphore_mem>>
        %dma_start3A = arith.constant 0 : i32
        %dma_start3A_55 = tpu.memref_slice %arg12[%mul3A_54, %dma_start3A] : memref<10000x128xf32, #tpu.memory_space<vmem_shared>> -> memref<624x128xf32, #tpu.memory_space<vmem_shared>>
        %dma_start3A_56 = arith.constant 0 : i32
        %dma_start3A_57 = tpu.memref_slice %arg5[%mul3A_52, %dma_start3A_56] : memref<10000x128xf32, #tpu.memory_space<hbm>> -> memref<624x128xf32, #tpu.memory_space<hbm>>
        tpu.enqueue_dma source(%dma_start3A_57 : memref<624x128xf32, #tpu.memory_space<hbm>>) target(%dma_start3A_55 : memref<624x128xf32, #tpu.memory_space<vmem_shared>>) target_semaphore(%run_scoped3A : memref<!tpu.dma_semaphore, #tpu.memory_space<semaphore_mem>>)
        %dma_wait3A_58 = arith.constant 0 : i32
        %dma_wait3A_59 = tpu.memref_slice %arg12[%mul3A_54, %dma_wait3A_58] : memref<10000x128xf32, #tpu.memory_space<vmem_shared>> -> memref<624x128xf32, #tpu.memory_space<vmem_shared>>
        %dma_wait3A_60 = arith.constant 0 : i32
        %dma_wait3A_61 = tpu.memref_slice %arg5[%mul3A_52, %dma_wait3A_60] : memref<10000x128xf32, #tpu.memory_space<hbm>> -> memref<624x128xf32, #tpu.memory_space<hbm>>
        tpu.wait_dma2 semaphore(%run_scoped3A : memref<!tpu.dma_semaphore, #tpu.memory_space<semaphore_mem>>) src(%dma_wait3A_61 : memref<624x128xf32, #tpu.memory_space<hbm>>) dst(%dma_wait3A_59 : memref<624x128xf32, #tpu.memory_space<vmem_shared>>)
        tpu.yield
      }) : () -> ()
    } else {
    }
    %eq3A_8 = arith.constant 0 : i32
    %eq3A_9 = arith.cmpi eq, %arg1, %eq3A_8 : i32
    %eq3A_10 = arith.constant 0 : i32
    %eq3A_11 = arith.cmpi eq, %arg0, %eq3A_10 : i32
    %and3A = arith.andi %eq3A_9, %eq3A_11 : i1
    %convert_element_type3A_12 = arith.extui %and3A : i1 to i32
    %cond3A_13 = arith.constant 0 : i32
    %cond3A_14 = arith.cmpi ne, %convert_element_type3A_12, %cond3A_13 : i32
    scf.if %cond3A_14 {
      "tpu.region"() ({
        %run_scoped3A = tpu.sem_alloc : memref<!tpu.dma_semaphore, #tpu.memory_space<semaphore_mem>>
        %dma_start3A = arith.constant 9984 : i32
        %dma_start3A_51 = arith.constant 0 : i32
        %dma_start3A_52 = tpu.memref_slice %arg12[%dma_start3A, %dma_start3A_51] : memref<10000x128xf32, #tpu.memory_space<vmem_shared>> -> memref<16x128xf32, #tpu.memory_space<vmem_shared>>
        %dma_start3A_53 = arith.constant 9984 : i32
        %dma_start3A_54 = arith.constant 0 : i32
        %dma_start3A_55 = tpu.memref_slice %arg2[%dma_start3A_53, %dma_start3A_54] : memref<10000x128xf32, #tpu.memory_space<hbm>> -> memref<16x128xf32, #tpu.memory_space<hbm>>
        tpu.enqueue_dma source(%dma_start3A_55 : memref<16x128xf32, #tpu.memory_space<hbm>>) target(%dma_start3A_52 : memref<16x128xf32, #tpu.memory_space<vmem_shared>>) target_semaphore(%run_scoped3A : memref<!tpu.dma_semaphore, #tpu.memory_space<semaphore_mem>>)
        %dma_wait3A_56 = arith.constant 9984 : i32
        %dma_wait3A_57 = arith.constant 0 : i32
        %dma_wait3A_58 = tpu.memref_slice %arg12[%dma_wait3A_56, %dma_wait3A_57] : memref<10000x128xf32, #tpu.memory_space<vmem_shared>> -> memref<16x128xf32, #tpu.memory_space<vmem_shared>>
        %dma_wait3A_59 = arith.constant 9984 : i32
        %dma_wait3A_60 = arith.constant 0 : i32
        %dma_wait3A_61 = tpu.memref_slice %arg2[%dma_wait3A_59, %dma_wait3A_60] : memref<10000x128xf32, #tpu.memory_space<hbm>> -> memref<16x128xf32, #tpu.memory_space<hbm>>
        tpu.wait_dma2 semaphore(%run_scoped3A : memref<!tpu.dma_semaphore, #tpu.memory_space<semaphore_mem>>) src(%dma_wait3A_61 : memref<16x128xf32, #tpu.memory_space<hbm>>) dst(%dma_wait3A_58 : memref<16x128xf32, #tpu.memory_space<vmem_shared>>)
        tpu.yield
      }) : () -> ()
    } else {
    }
    %eq3A_15 = arith.constant 0 : i32
    %eq3A_16 = arith.cmpi eq, %arg1, %eq3A_15 : i32
    %eq3A_17 = arith.constant 1 : i32
    %eq3A_18 = arith.cmpi eq, %arg0, %eq3A_17 : i32
    %and3A_19 = arith.andi %eq3A_16, %eq3A_18 : i1
    %convert_element_type3A_20 = arith.extui %and3A_19 : i1 to i32
    %cond3A_21 = arith.constant 0 : i32
    %cond3A_22 = arith.cmpi ne, %convert_element_type3A_20, %cond3A_21 : i32
    scf.if %cond3A_22 {
      "tpu.region"() ({
        %run_scoped3A = tpu.sem_alloc : memref<!tpu.dma_semaphore, #tpu.memory_space<semaphore_mem>>
        %dma_start3A = arith.constant 9984 : i32
        %dma_start3A_51 = arith.constant 0 : i32
        %dma_start3A_52 = tpu.memref_slice %arg12[%dma_start3A, %dma_start3A_51] : memref<10000x128xf32, #tpu.memory_space<vmem_shared>> -> memref<16x128xf32, #tpu.memory_space<vmem_shared>>
        %dma_start3A_53 = arith.constant 9984 : i32
        %dma_start3A_54 = arith.constant 0 : i32
        %dma_start3A_55 = tpu.memref_slice %arg5[%dma_start3A_53, %dma_start3A_54] : memref<10000x128xf32, #tpu.memory_space<hbm>> -> memref<16x128xf32, #tpu.memory_space<hbm>>
        tpu.enqueue_dma source(%dma_start3A_55 : memref<16x128xf32, #tpu.memory_space<hbm>>) target(%dma_start3A_52 : memref<16x128xf32, #tpu.memory_space<vmem_shared>>) target_semaphore(%run_scoped3A : memref<!tpu.dma_semaphore, #tpu.memory_space<semaphore_mem>>)
        %dma_wait3A_56 = arith.constant 9984 : i32
        %dma_wait3A_57 = arith.constant 0 : i32
        %dma_wait3A_58 = tpu.memref_slice %arg12[%dma_wait3A_56, %dma_wait3A_57] : memref<10000x128xf32, #tpu.memory_space<vmem_shared>> -> memref<16x128xf32, #tpu.memory_space<vmem_shared>>
        %dma_wait3A_59 = arith.constant 9984 : i32
        %dma_wait3A_60 = arith.constant 0 : i32
        %dma_wait3A_61 = tpu.memref_slice %arg5[%dma_wait3A_59, %dma_wait3A_60] : memref<10000x128xf32, #tpu.memory_space<hbm>> -> memref<16x128xf32, #tpu.memory_space<hbm>>
        tpu.wait_dma2 semaphore(%run_scoped3A : memref<!tpu.dma_semaphore, #tpu.memory_space<semaphore_mem>>) src(%dma_wait3A_61 : memref<16x128xf32, #tpu.memory_space<hbm>>) dst(%dma_wait3A_58 : memref<16x128xf32, #tpu.memory_space<vmem_shared>>)
        tpu.yield
      }) : () -> ()
    } else {
    }
    %barrier3A = arith.constant 0 : index
    tpu.barrier barrier_id(%barrier3A)
    %scan3A = arith.constant 0 : i32
    %scan3A_23 = arith.constant 0 : i32
    %scan3A_24 = arith.constant 40 : i32
    %scan3A_25 = arith.addi %scan3A_23, %scan3A_24 : i32
    %scan3A_26 = arith.constant 1 : i32
    scf.for %scan3A_51 = %scan3A_23 to %scan3A_25 step %scan3A_26  : i32 {
      %mul3A_52 = arith.constant 2 : i32
      %mul3A_53 = arith.muli %mul3A_52, %scan3A_51 : i32
      %add3A_54 = arith.constant 0 : i32
      %add3A_55 = arith.addi %mul3A_53, %add3A_54 : i32
      %ge3A = arith.constant 2 : i32
      %ge3A_56 = arith.cmpi sge, %add3A_55, %ge3A : i32
      %convert_element_type3A_57 = arith.extui %ge3A_56 : i1 to i32
      %cond3A_58 = arith.constant 0 : i32
      %cond3A_59 = arith.cmpi ne, %convert_element_type3A_57, %cond3A_58 : i32
      scf.if %cond3A_59 {
        %dma_wait3A_162 = arith.constant 0 : i32
        %dma_wait3A_163 = arith.constant 0 : i32
        %dma_wait3A_164 = tpu.memref_slice %arg8[%dma_wait3A_162, %dma_wait3A_163] : memref<8x125xi32, #tpu.memory_space<vmem>> -> memref<1x125xi32, #tpu.memory_space<vmem>>
        %dma_wait3A_165 = tpu.memref_squeeze %dma_wait3A_164 : memref<1x125xi32, #tpu.memory_space<vmem>> -> memref<125xi32, #tpu.memory_space<vmem>>
        %dma_wait3A_166 = arith.constant 0 : i32
        %dma_wait3A_167 = arith.constant 0 : i32
        %dma_wait3A_168 = tpu.memref_slice %arg12[%dma_wait3A_166, %dma_wait3A_167] : memref<10000x128xf32, #tpu.memory_space<vmem_shared>> -> memref<10000x128xf32, #tpu.memory_space<vmem_shared>>
        tpu.wait_indirect_dma semaphore(%arg17 : memref<!tpu.dma_semaphore, #tpu.memory_space<semaphore_mem>>) src(%arg10 : memref<125x128xf32, #tpu.memory_space<vmem>>) dst(%dma_wait3A_168 : memref<10000x128xf32, #tpu.memory_space<vmem_shared>>)
      } else {
      }
      %dma_start3A = arith.constant 0 : i32
      %dma_start3A_60 = arith.constant 0 : i32
      %dma_start3A_61 = tpu.memref_slice %arg8[%dma_start3A, %dma_start3A_60] : memref<8x125xi32, #tpu.memory_space<vmem>> -> memref<1x125xi32, #tpu.memory_space<vmem>>
      %dma_start3A_62 = arith.constant 0 : i32
      %dma_start3A_63 = arith.constant 0 : i32
      %dma_start3A_64 = tpu.memref_slice %arg4[%add3A, %add3A_55, %dma_start3A_62, %dma_start3A_63] : memref<32x80x1x125xi32, #tpu.memory_space<hbm>> -> memref<1x1x1x125xi32, #tpu.memory_space<hbm>>
      %dma_start3A_65 = tpu.memref_squeeze %dma_start3A_64 : memref<1x1x1x125xi32, #tpu.memory_space<hbm>> -> memref<1x125xi32, #tpu.memory_space<hbm>>
      %dma_start3A_66 = arith.constant 0 : i32
      %dma_start3A_67 = arith.constant 0 : i32
      %dma_start3A_68 = tpu.memref_slice %arg8[%dma_start3A_66, %dma_start3A_67] : memref<8x125xi32, #tpu.memory_space<vmem>> -> memref<1x125xi32, #tpu.memory_space<vmem>>
      %dma_start3A_69 = arith.constant 0 : i32
      %dma_start3A_70 = arith.constant 0 : i32
      %dma_start3A_71 = tpu.memref_slice %arg4[%add3A, %add3A_55, %dma_start3A_69, %dma_start3A_70] : memref<32x80x1x125xi32, #tpu.memory_space<hbm>> -> memref<1x1x1x125xi32, #tpu.memory_space<hbm>>
      %dma_start3A_72 = tpu.memref_squeeze %dma_start3A_71 : memref<1x1x1x125xi32, #tpu.memory_space<hbm>> -> memref<1x125xi32, #tpu.memory_space<hbm>>
      tpu.enqueue_dma source(%dma_start3A_72 : memref<1x125xi32, #tpu.memory_space<hbm>>) target(%dma_start3A_68 : memref<1x125xi32, #tpu.memory_space<vmem>>) target_semaphore(%arg13 : memref<!tpu.dma_semaphore, #tpu.memory_space<semaphore_mem>>)
      %dma_start3A_73 = arith.constant 0 : i32
      %dma_start3A_74 = tpu.memref_slice %arg7[%add3A_55, %dma_start3A_73] : memref<80x125xi32, #tpu.memory_space<vmem>> -> memref<1x125xi32, #tpu.memory_space<vmem>>
      %dma_start3A_75 = tpu.memref_squeeze %dma_start3A_74 : memref<1x125xi32, #tpu.memory_space<vmem>> -> memref<125xi32, #tpu.memory_space<vmem>>
      %dma_start3A_76 = arith.constant 0 : i32
      %dma_start3A_77 = arith.constant 0 : i32
      %dma_start3A_78 = tpu.memref_slice %arg2[%dma_start3A_76, %dma_start3A_77] : memref<10000x128xf32, #tpu.memory_space<hbm>> -> memref<10000x128xf32, #tpu.memory_space<hbm>>
      tpu.enqueue_indirect_dma source(%dma_start3A_78 : memref<10000x128xf32, #tpu.memory_space<hbm>>) target(%arg10 : memref<125x128xf32, #tpu.memory_space<vmem>>) offsets(%dma_start3A_75 : memref<125xi32, #tpu.memory_space<vmem>>) semaphore(%arg15 : memref<!tpu.dma_semaphore, #tpu.memory_space<semaphore_mem>>)
      %dma_wait3A_79 = arith.constant 0 : i32
      %dma_wait3A_80 = arith.constant 0 : i32
      %dma_wait3A_81 = tpu.memref_slice %arg8[%dma_wait3A_79, %dma_wait3A_80] : memref<8x125xi32, #tpu.memory_space<vmem>> -> memref<1x125xi32, #tpu.memory_space<vmem>>
      %dma_wait3A_82 = arith.constant 0 : i32
      %dma_wait3A_83 = arith.constant 0 : i32
      %dma_wait3A_84 = tpu.memref_slice %arg4[%add3A, %add3A_55, %dma_wait3A_82, %dma_wait3A_83] : memref<32x80x1x125xi32, #tpu.memory_space<hbm>> -> memref<1x1x1x125xi32, #tpu.memory_space<hbm>>
      %dma_wait3A_85 = tpu.memref_squeeze %dma_wait3A_84 : memref<1x1x1x125xi32, #tpu.memory_space<hbm>> -> memref<1x125xi32, #tpu.memory_space<hbm>>
      %dma_wait3A_86 = arith.constant 0 : i32
      %dma_wait3A_87 = arith.constant 0 : i32
      %dma_wait3A_88 = tpu.memref_slice %arg8[%dma_wait3A_86, %dma_wait3A_87] : memref<8x125xi32, #tpu.memory_space<vmem>> -> memref<1x125xi32, #tpu.memory_space<vmem>>
      %dma_wait3A_89 = arith.constant 0 : i32
      %dma_wait3A_90 = arith.constant 0 : i32
      %dma_wait3A_91 = tpu.memref_slice %arg4[%add3A, %add3A_55, %dma_wait3A_89, %dma_wait3A_90] : memref<32x80x1x125xi32, #tpu.memory_space<hbm>> -> memref<1x1x1x125xi32, #tpu.memory_space<hbm>>
      %dma_wait3A_92 = tpu.memref_squeeze %dma_wait3A_91 : memref<1x1x1x125xi32, #tpu.memory_space<hbm>> -> memref<1x125xi32, #tpu.memory_space<hbm>>
      tpu.wait_dma2 semaphore(%arg13 : memref<!tpu.dma_semaphore, #tpu.memory_space<semaphore_mem>>) src(%dma_wait3A_92 : memref<1x125xi32, #tpu.memory_space<hbm>>) dst(%dma_wait3A_88 : memref<1x125xi32, #tpu.memory_space<vmem>>)
      %dma_wait3A_93 = arith.constant 0 : i32
      %dma_wait3A_94 = tpu.memref_slice %arg7[%add3A_55, %dma_wait3A_93] : memref<80x125xi32, #tpu.memory_space<vmem>> -> memref<1x125xi32, #tpu.memory_space<vmem>>
      %dma_wait3A_95 = tpu.memref_squeeze %dma_wait3A_94 : memref<1x125xi32, #tpu.memory_space<vmem>> -> memref<125xi32, #tpu.memory_space<vmem>>
      %dma_wait3A_96 = arith.constant 0 : i32
      %dma_wait3A_97 = arith.constant 0 : i32
      %dma_wait3A_98 = tpu.memref_slice %arg2[%dma_wait3A_96, %dma_wait3A_97] : memref<10000x128xf32, #tpu.memory_space<hbm>> -> memref<10000x128xf32, #tpu.memory_space<hbm>>
      tpu.wait_indirect_dma semaphore(%arg15 : memref<!tpu.dma_semaphore, #tpu.memory_space<semaphore_mem>>) src(%dma_wait3A_98 : memref<10000x128xf32, #tpu.memory_space<hbm>>) dst(%arg10 : memref<125x128xf32, #tpu.memory_space<vmem>>)
      %dma_start3A_99 = arith.constant 0 : i32
      %dma_start3A_100 = arith.constant 0 : i32
      %dma_start3A_101 = tpu.memref_slice %arg8[%dma_start3A_99, %dma_start3A_100] : memref<8x125xi32, #tpu.memory_space<vmem>> -> memref<1x125xi32, #tpu.memory_space<vmem>>
      %dma_start3A_102 = tpu.memref_squeeze %dma_start3A_101 : memref<1x125xi32, #tpu.memory_space<vmem>> -> memref<125xi32, #tpu.memory_space<vmem>>
      %dma_start3A_103 = arith.constant 0 : i32
      %dma_start3A_104 = arith.constant 0 : i32
      %dma_start3A_105 = tpu.memref_slice %arg12[%dma_start3A_103, %dma_start3A_104] : memref<10000x128xf32, #tpu.memory_space<vmem_shared>> -> memref<10000x128xf32, #tpu.memory_space<vmem_shared>>
      tpu.enqueue_indirect_dma source(%arg10 : memref<125x128xf32, #tpu.memory_space<vmem>>) target(%dma_start3A_105 : memref<10000x128xf32, #tpu.memory_space<vmem_shared>>) offsets(%dma_start3A_102 : memref<125xi32, #tpu.memory_space<vmem>>) semaphore(%arg17 : memref<!tpu.dma_semaphore, #tpu.memory_space<semaphore_mem>>) {add = true}
      %mul3A_106 = arith.constant 2 : i32
      %mul3A_107 = arith.muli %mul3A_106, %scan3A_51 : i32
      %add3A_108 = arith.constant 1 : i32
      %add3A_109 = arith.addi %mul3A_107, %add3A_108 : i32
      %ge3A_110 = arith.constant 2 : i32
      %ge3A_111 = arith.cmpi sge, %add3A_109, %ge3A_110 : i32
      %convert_element_type3A_112 = arith.extui %ge3A_111 : i1 to i32
      %cond3A_113 = arith.constant 0 : i32
      %cond3A_114 = arith.cmpi ne, %convert_element_type3A_112, %cond3A_113 : i32
      scf.if %cond3A_114 {
        %dma_wait3A_162 = arith.constant 0 : i32
        %dma_wait3A_163 = arith.constant 0 : i32
        %dma_wait3A_164 = tpu.memref_slice %arg9[%dma_wait3A_162, %dma_wait3A_163] : memref<8x125xi32, #tpu.memory_space<vmem>> -> memref<1x125xi32, #tpu.memory_space<vmem>>
        %dma_wait3A_165 = tpu.memref_squeeze %dma_wait3A_164 : memref<1x125xi32, #tpu.memory_space<vmem>> -> memref<125xi32, #tpu.memory_space<vmem>>
        %dma_wait3A_166 = arith.constant 0 : i32
        %dma_wait3A_167 = arith.constant 0 : i32
        %dma_wait3A_168 = tpu.memref_slice %arg12[%dma_wait3A_166, %dma_wait3A_167] : memref<10000x128xf32, #tpu.memory_space<vmem_shared>> -> memref<10000x128xf32, #tpu.memory_space<vmem_shared>>
        tpu.wait_indirect_dma semaphore(%arg18 : memref<!tpu.dma_semaphore, #tpu.memory_space<semaphore_mem>>) src(%arg11 : memref<125x128xf32, #tpu.memory_space<vmem>>) dst(%dma_wait3A_168 : memref<10000x128xf32, #tpu.memory_space<vmem_shared>>)
      } else {
      }
      %dma_start3A_115 = arith.constant 0 : i32
      %dma_start3A_116 = arith.constant 0 : i32
      %dma_start3A_117 = tpu.memref_slice %arg9[%dma_start3A_115, %dma_start3A_116] : memref<8x125xi32, #tpu.memory_space<vmem>> -> memref<1x125xi32, #tpu.memory_space<vmem>>
      %dma_start3A_118 = arith.constant 0 : i32
      %dma_start3A_119 = arith.constant 0 : i32
      %dma_start3A_120 = tpu.memref_slice %arg4[%add3A, %add3A_109, %dma_start3A_118, %dma_start3A_119] : memref<32x80x1x125xi32, #tpu.memory_space<hbm>> -> memref<1x1x1x125xi32, #tpu.memory_space<hbm>>
      %dma_start3A_121 = tpu.memref_squeeze %dma_start3A_120 : memref<1x1x1x125xi32, #tpu.memory_space<hbm>> -> memref<1x125xi32, #tpu.memory_space<hbm>>
      %dma_start3A_122 = arith.constant 0 : i32
      %dma_start3A_123 = arith.constant 0 : i32
      %dma_start3A_124 = tpu.memref_slice %arg9[%dma_start3A_122, %dma_start3A_123] : memref<8x125xi32, #tpu.memory_space<vmem>> -> memref<1x125xi32, #tpu.memory_space<vmem>>
      %dma_start3A_125 = arith.constant 0 : i32
      %dma_start3A_126 = arith.constant 0 : i32
      %dma_start3A_127 = tpu.memref_slice %arg4[%add3A, %add3A_109, %dma_start3A_125, %dma_start3A_126] : memref<32x80x1x125xi32, #tpu.memory_space<hbm>> -> memref<1x1x1x125xi32, #tpu.memory_space<hbm>>
      %dma_start3A_128 = tpu.memref_squeeze %dma_start3A_127 : memref<1x1x1x125xi32, #tpu.memory_space<hbm>> -> memref<1x125xi32, #tpu.memory_space<hbm>>
      tpu.enqueue_dma source(%dma_start3A_128 : memref<1x125xi32, #tpu.memory_space<hbm>>) target(%dma_start3A_124 : memref<1x125xi32, #tpu.memory_space<vmem>>) target_semaphore(%arg14 : memref<!tpu.dma_semaphore, #tpu.memory_space<semaphore_mem>>)
      %dma_start3A_129 = arith.constant 0 : i32
      %dma_start3A_130 = tpu.memref_slice %arg7[%add3A_109, %dma_start3A_129] : memref<80x125xi32, #tpu.memory_space<vmem>> -> memref<1x125xi32, #tpu.memory_space<vmem>>
      %dma_start3A_131 = tpu.memref_squeeze %dma_start3A_130 : memref<1x125xi32, #tpu.memory_space<vmem>> -> memref<125xi32, #tpu.memory_space<vmem>>
      %dma_start3A_132 = arith.constant 0 : i32
      %dma_start3A_133 = arith.constant 0 : i32
      %dma_start3A_134 = tpu.memref_slice %arg2[%dma_start3A_132, %dma_start3A_133] : memref<10000x128xf32, #tpu.memory_space<hbm>> -> memref<10000x128xf32, #tpu.memory_space<hbm>>
      tpu.enqueue_indirect_dma source(%dma_start3A_134 : memref<10000x128xf32, #tpu.memory_space<hbm>>) target(%arg11 : memref<125x128xf32, #tpu.memory_space<vmem>>) offsets(%dma_start3A_131 : memref<125xi32, #tpu.memory_space<vmem>>) semaphore(%arg16 : memref<!tpu.dma_semaphore, #tpu.memory_space<semaphore_mem>>)
      %dma_wait3A_135 = arith.constant 0 : i32
      %dma_wait3A_136 = arith.constant 0 : i32
      %dma_wait3A_137 = tpu.memref_slice %arg9[%dma_wait3A_135, %dma_wait3A_136] : memref<8x125xi32, #tpu.memory_space<vmem>> -> memref<1x125xi32, #tpu.memory_space<vmem>>
      %dma_wait3A_138 = arith.constant 0 : i32
      %dma_wait3A_139 = arith.constant 0 : i32
      %dma_wait3A_140 = tpu.memref_slice %arg4[%add3A, %add3A_109, %dma_wait3A_138, %dma_wait3A_139] : memref<32x80x1x125xi32, #tpu.memory_space<hbm>> -> memref<1x1x1x125xi32, #tpu.memory_space<hbm>>
      %dma_wait3A_141 = tpu.memref_squeeze %dma_wait3A_140 : memref<1x1x1x125xi32, #tpu.memory_space<hbm>> -> memref<1x125xi32, #tpu.memory_space<hbm>>
      %dma_wait3A_142 = arith.constant 0 : i32
      %dma_wait3A_143 = arith.constant 0 : i32
      %dma_wait3A_144 = tpu.memref_slice %arg9[%dma_wait3A_142, %dma_wait3A_143] : memref<8x125xi32, #tpu.memory_space<vmem>> -> memref<1x125xi32, #tpu.memory_space<vmem>>
      %dma_wait3A_145 = arith.constant 0 : i32
      %dma_wait3A_146 = arith.constant 0 : i32
      %dma_wait3A_147 = tpu.memref_slice %arg4[%add3A, %add3A_109, %dma_wait3A_145, %dma_wait3A_146] : memref<32x80x1x125xi32, #tpu.memory_space<hbm>> -> memref<1x1x1x125xi32, #tpu.memory_space<hbm>>
      %dma_wait3A_148 = tpu.memref_squeeze %dma_wait3A_147 : memref<1x1x1x125xi32, #tpu.memory_space<hbm>> -> memref<1x125xi32, #tpu.memory_space<hbm>>
      tpu.wait_dma2 semaphore(%arg14 : memref<!tpu.dma_semaphore, #tpu.memory_space<semaphore_mem>>) src(%dma_wait3A_148 : memref<1x125xi32, #tpu.memory_space<hbm>>) dst(%dma_wait3A_144 : memref<1x125xi32, #tpu.memory_space<vmem>>)
      %dma_wait3A_149 = arith.constant 0 : i32
      %dma_wait3A_150 = tpu.memref_slice %arg7[%add3A_109, %dma_wait3A_149] : memref<80x125xi32, #tpu.memory_space<vmem>> -> memref<1x125xi32, #tpu.memory_space<vmem>>
      %dma_wait3A_151 = tpu.memref_squeeze %dma_wait3A_150 : memref<1x125xi32, #tpu.memory_space<vmem>> -> memref<125xi32, #tpu.memory_space<vmem>>
      %dma_wait3A_152 = arith.constant 0 : i32
      %dma_wait3A_153 = arith.constant 0 : i32
      %dma_wait3A_154 = tpu.memref_slice %arg2[%dma_wait3A_152, %dma_wait3A_153] : memref<10000x128xf32, #tpu.memory_space<hbm>> -> memref<10000x128xf32, #tpu.memory_space<hbm>>
      tpu.wait_indirect_dma semaphore(%arg16 : memref<!tpu.dma_semaphore, #tpu.memory_space<semaphore_mem>>) src(%dma_wait3A_154 : memref<10000x128xf32, #tpu.memory_space<hbm>>) dst(%arg11 : memref<125x128xf32, #tpu.memory_space<vmem>>)
      %dma_start3A_155 = arith.constant 0 : i32
      %dma_start3A_156 = arith.constant 0 : i32
      %dma_start3A_157 = tpu.memref_slice %arg9[%dma_start3A_155, %dma_start3A_156] : memref<8x125xi32, #tpu.memory_space<vmem>> -> memref<1x125xi32, #tpu.memory_space<vmem>>
      %dma_start3A_158 = tpu.memref_squeeze %dma_start3A_157 : memref<1x125xi32, #tpu.memory_space<vmem>> -> memref<125xi32, #tpu.memory_space<vmem>>
      %dma_start3A_159 = arith.constant 0 : i32
      %dma_start3A_160 = arith.constant 0 : i32
      %dma_start3A_161 = tpu.memref_slice %arg12[%dma_start3A_159, %dma_start3A_160] : memref<10000x128xf32, #tpu.memory_space<vmem_shared>> -> memref<10000x128xf32, #tpu.memory_space<vmem_shared>>
      tpu.enqueue_indirect_dma source(%arg11 : memref<125x128xf32, #tpu.memory_space<vmem>>) target(%dma_start3A_161 : memref<10000x128xf32, #tpu.memory_space<vmem_shared>>) offsets(%dma_start3A_158 : memref<125xi32, #tpu.memory_space<vmem>>) semaphore(%arg18 : memref<!tpu.dma_semaphore, #tpu.memory_space<semaphore_mem>>) {add = true}
    }
    %scan3A_27 = arith.constant 40 : i32
    %dma_wait3A = arith.constant 0 : i32
    %dma_wait3A_28 = arith.constant 0 : i32
    %dma_wait3A_29 = tpu.memref_slice %arg8[%dma_wait3A, %dma_wait3A_28] : memref<8x125xi32, #tpu.memory_space<vmem>> -> memref<1x125xi32, #tpu.memory_space<vmem>>
    %dma_wait3A_30 = tpu.memref_squeeze %dma_wait3A_29 : memref<1x125xi32, #tpu.memory_space<vmem>> -> memref<125xi32, #tpu.memory_space<vmem>>
    %dma_wait3A_31 = arith.constant 0 : i32
    %dma_wait3A_32 = arith.constant 0 : i32
    %dma_wait3A_33 = tpu.memref_slice %arg12[%dma_wait3A_31, %dma_wait3A_32] : memref<10000x128xf32, #tpu.memory_space<vmem_shared>> -> memref<10000x128xf32, #tpu.memory_space<vmem_shared>>
    tpu.wait_indirect_dma semaphore(%arg17 : memref<!tpu.dma_semaphore, #tpu.memory_space<semaphore_mem>>) src(%arg10 : memref<125x128xf32, #tpu.memory_space<vmem>>) dst(%dma_wait3A_33 : memref<10000x128xf32, #tpu.memory_space<vmem_shared>>)
    %dma_wait3A_34 = arith.constant 0 : i32
    %dma_wait3A_35 = arith.constant 0 : i32
    %dma_wait3A_36 = tpu.memref_slice %arg9[%dma_wait3A_34, %dma_wait3A_35] : memref<8x125xi32, #tpu.memory_space<vmem>> -> memref<1x125xi32, #tpu.memory_space<vmem>>
    %dma_wait3A_37 = tpu.memref_squeeze %dma_wait3A_36 : memref<1x125xi32, #tpu.memory_space<vmem>> -> memref<125xi32, #tpu.memory_space<vmem>>
    %dma_wait3A_38 = arith.constant 0 : i32
    %dma_wait3A_39 = arith.constant 0 : i32
    %dma_wait3A_40 = tpu.memref_slice %arg12[%dma_wait3A_38, %dma_wait3A_39] : memref<10000x128xf32, #tpu.memory_space<vmem_shared>> -> memref<10000x128xf32, #tpu.memory_space<vmem_shared>>
    tpu.wait_indirect_dma semaphore(%arg18 : memref<!tpu.dma_semaphore, #tpu.memory_space<semaphore_mem>>) src(%arg11 : memref<125x128xf32, #tpu.memory_space<vmem>>) dst(%dma_wait3A_40 : memref<10000x128xf32, #tpu.memory_space<vmem_shared>>)
    %barrier3A_41 = arith.constant 0 : index
    tpu.barrier barrier_id(%barrier3A_41)
    %mul3A_42 = arith.constant 624 : i32
    %mul3A_43 = arith.muli %arg1, %mul3A_42 : i32
    %mul3A_44 = arith.constant 624 : i32
    %mul3A_45 = arith.muli %arg1, %mul3A_44 : i32
    "tpu.region"() ({
      %run_scoped3A = tpu.sem_alloc : memref<!tpu.dma_semaphore, #tpu.memory_space<semaphore_mem>>
      %dma_start3A = arith.constant 0 : i32
      %dma_start3A_51 = tpu.memref_slice %arg6[%arg0, %mul3A_45, %dma_start3A] : memref<2x10000x128xf32, #tpu.memory_space<hbm>> -> memref<1x624x128xf32, #tpu.memory_space<hbm>>
      %dma_start3A_52 = tpu.memref_squeeze %dma_start3A_51 : memref<1x624x128xf32, #tpu.memory_space<hbm>> -> memref<624x128xf32, #tpu.memory_space<hbm>>
      %dma_start3A_53 = arith.constant 0 : i32
      %dma_start3A_54 = tpu.memref_slice %arg12[%mul3A_43, %dma_start3A_53] : memref<10000x128xf32, #tpu.memory_space<vmem_shared>> -> memref<624x128xf32, #tpu.memory_space<vmem_shared>>
      tpu.enqueue_dma source(%dma_start3A_54 : memref<624x128xf32, #tpu.memory_space<vmem_shared>>) target(%dma_start3A_52 : memref<624x128xf32, #tpu.memory_space<hbm>>) target_semaphore(%run_scoped3A : memref<!tpu.dma_semaphore, #tpu.memory_space<semaphore_mem>>)
      %dma_wait3A_55 = arith.constant 0 : i32
      %dma_wait3A_56 = tpu.memref_slice %arg6[%arg0, %mul3A_45, %dma_wait3A_55] : memref<2x10000x128xf32, #tpu.memory_space<hbm>> -> memref<1x624x128xf32, #tpu.memory_space<hbm>>
      %dma_wait3A_57 = tpu.memref_squeeze %dma_wait3A_56 : memref<1x624x128xf32, #tpu.memory_space<hbm>> -> memref<624x128xf32, #tpu.memory_space<hbm>>
      %dma_wait3A_58 = arith.constant 0 : i32
      %dma_wait3A_59 = tpu.memref_slice %arg12[%mul3A_43, %dma_wait3A_58] : memref<10000x128xf32, #tpu.memory_space<vmem_shared>> -> memref<624x128xf32, #tpu.memory_space<vmem_shared>>
      tpu.wait_dma2 semaphore(%run_scoped3A : memref<!tpu.dma_semaphore, #tpu.memory_space<semaphore_mem>>) src(%dma_wait3A_59 : memref<624x128xf32, #tpu.memory_space<vmem_shared>>) dst(%dma_wait3A_57 : memref<624x128xf32, #tpu.memory_space<hbm>>)
      tpu.yield
    }) : () -> ()
    %eq3A_46 = arith.constant 0 : i32
    %eq3A_47 = arith.cmpi eq, %arg1, %eq3A_46 : i32
    %convert_element_type3A_48 = arith.extui %eq3A_47 : i1 to i32
    %cond3A_49 = arith.constant 0 : i32
    %cond3A_50 = arith.cmpi ne, %convert_element_type3A_48, %cond3A_49 : i32
    scf.if %cond3A_50 {
      "tpu.region"() ({
        %run_scoped3A = tpu.sem_alloc : memref<!tpu.dma_semaphore, #tpu.memory_space<semaphore_mem>>
        %dma_start3A = arith.constant 9984 : i32
        %dma_start3A_51 = arith.constant 0 : i32
        %dma_start3A_52 = tpu.memref_slice %arg6[%arg0, %dma_start3A, %dma_start3A_51] : memref<2x10000x128xf32, #tpu.memory_space<hbm>> -> memref<1x16x128xf32, #tpu.memory_space<hbm>>
        %dma_start3A_53 = tpu.memref_squeeze %dma_start3A_52 : memref<1x16x128xf32, #tpu.memory_space<hbm>> -> memref<16x128xf32, #tpu.memory_space<hbm>>
        %dma_start3A_54 = arith.constant 9984 : i32
        %dma_start3A_55 = arith.constant 0 : i32
        %dma_start3A_56 = tpu.memref_slice %arg12[%dma_start3A_54, %dma_start3A_55] : memref<10000x128xf32, #tpu.memory_space<vmem_shared>> -> memref<16x128xf32, #tpu.memory_space<vmem_shared>>
        tpu.enqueue_dma source(%dma_start3A_56 : memref<16x128xf32, #tpu.memory_space<vmem_shared>>) target(%dma_start3A_53 : memref<16x128xf32, #tpu.memory_space<hbm>>) target_semaphore(%run_scoped3A : memref<!tpu.dma_semaphore, #tpu.memory_space<semaphore_mem>>)
        %dma_wait3A_57 = arith.constant 9984 : i32
        %dma_wait3A_58 = arith.constant 0 : i32
        %dma_wait3A_59 = tpu.memref_slice %arg6[%arg0, %dma_wait3A_57, %dma_wait3A_58] : memref<2x10000x128xf32, #tpu.memory_space<hbm>> -> memref<1x16x128xf32, #tpu.memory_space<hbm>>
        %dma_wait3A_60 = tpu.memref_squeeze %dma_wait3A_59 : memref<1x16x128xf32, #tpu.memory_space<hbm>> -> memref<16x128xf32, #tpu.memory_space<hbm>>
        %dma_wait3A_61 = arith.constant 9984 : i32
        %dma_wait3A_62 = arith.constant 0 : i32
        %dma_wait3A_63 = tpu.memref_slice %arg12[%dma_wait3A_61, %dma_wait3A_62] : memref<10000x128xf32, #tpu.memory_space<vmem_shared>> -> memref<16x128xf32, #tpu.memory_space<vmem_shared>>
        tpu.wait_dma2 semaphore(%run_scoped3A : memref<!tpu.dma_semaphore, #tpu.memory_space<semaphore_mem>>) src(%dma_wait3A_63 : memref<16x128xf32, #tpu.memory_space<vmem_shared>>) dst(%dma_wait3A_60 : memref<16x128xf32, #tpu.memory_space<hbm>>)
        tpu.yield
      }) : () -> ()
    } else {
    }
    return
  }
}

#map = affine_map<(d0, d1) -> (0, 0, 0)>
#map1 = affine_map<(d0, d1) -> (0, 0)>
module attributes {stable_mosaic.version = 14 : i64} {
  func.func @deg_kernel(%arg0: i32, %arg1: i32, %arg2: memref<32x80x125xi32, #tpu.memory_space<hbm>>, %arg3: memref<125x128xf32, #tpu.memory_space<hbm>>, %arg4: memref<10000x128xf32, #tpu.memory_space<hbm>>, %arg5: memref<2x10000x128xf32, #tpu.memory_space<hbm>>, %arg6: memref<80x125xi32, #tpu.memory_space<vmem>>, %arg7: memref<125x128xf32, #tpu.memory_space<vmem>>, %arg8: memref<10000x128xf32, #tpu.memory_space<vmem_shared>>, %arg9: memref<!tpu.dma_semaphore, #tpu.memory_space<semaphore_mem>>) attributes {dimension_semantics = [#tpu.dimension_semantics<core_parallel>, #tpu.dimension_semantics<subcore_parallel>], iteration_bounds = array<i64: 2, 16>, scalar_prefetch = 0 : i64, scratch_operands = 4 : i64, tpu.core_type = #tpu.core_type<sc_vector_subcore>, window_params = [{transform_indices = #map}, {transform_indices = #map1}, {transform_indices = #map1}, {transform_indices = #map}]} {
    %mul3A = arith.constant 16 : i32
    %mul3A_0 = arith.muli %arg0, %mul3A : i32
    %add3A = arith.addi %mul3A_0, %arg1 : i32
    "tpu.region"() ({
      %run_scoped3A = tpu.sem_alloc : memref<!tpu.dma_semaphore, #tpu.memory_space<semaphore_mem>>
      %dma_start3A = arith.constant 0 : i32
      %dma_start3A_28 = arith.constant 0 : i32
      %dma_start3A_29 = tpu.memref_slice %arg2[%add3A, %dma_start3A, %dma_start3A_28] : memref<32x80x125xi32, #tpu.memory_space<hbm>> -> memref<1x80x125xi32, #tpu.memory_space<hbm>>
      %dma_start3A_30 = tpu.memref_squeeze %dma_start3A_29 : memref<1x80x125xi32, #tpu.memory_space<hbm>> -> memref<80x125xi32, #tpu.memory_space<hbm>>
      %dma_start3A_31 = arith.constant 0 : i32
      %dma_start3A_32 = arith.constant 0 : i32
      %dma_start3A_33 = tpu.memref_slice %arg2[%add3A, %dma_start3A_31, %dma_start3A_32] : memref<32x80x125xi32, #tpu.memory_space<hbm>> -> memref<1x80x125xi32, #tpu.memory_space<hbm>>
      %dma_start3A_34 = tpu.memref_squeeze %dma_start3A_33 : memref<1x80x125xi32, #tpu.memory_space<hbm>> -> memref<80x125xi32, #tpu.memory_space<hbm>>
      tpu.enqueue_dma source(%dma_start3A_34 : memref<80x125xi32, #tpu.memory_space<hbm>>) target(%arg6 : memref<80x125xi32, #tpu.memory_space<vmem>>) target_semaphore(%run_scoped3A : memref<!tpu.dma_semaphore, #tpu.memory_space<semaphore_mem>>)
      %dma_wait3A = arith.constant 0 : i32
      %dma_wait3A_35 = arith.constant 0 : i32
      %dma_wait3A_36 = tpu.memref_slice %arg2[%add3A, %dma_wait3A, %dma_wait3A_35] : memref<32x80x125xi32, #tpu.memory_space<hbm>> -> memref<1x80x125xi32, #tpu.memory_space<hbm>>
      %dma_wait3A_37 = tpu.memref_squeeze %dma_wait3A_36 : memref<1x80x125xi32, #tpu.memory_space<hbm>> -> memref<80x125xi32, #tpu.memory_space<hbm>>
      %dma_wait3A_38 = arith.constant 0 : i32
      %dma_wait3A_39 = arith.constant 0 : i32
      %dma_wait3A_40 = tpu.memref_slice %arg2[%add3A, %dma_wait3A_38, %dma_wait3A_39] : memref<32x80x125xi32, #tpu.memory_space<hbm>> -> memref<1x80x125xi32, #tpu.memory_space<hbm>>
      %dma_wait3A_41 = tpu.memref_squeeze %dma_wait3A_40 : memref<1x80x125xi32, #tpu.memory_space<hbm>> -> memref<80x125xi32, #tpu.memory_space<hbm>>
      tpu.wait_dma2 semaphore(%run_scoped3A : memref<!tpu.dma_semaphore, #tpu.memory_space<semaphore_mem>>) src(%dma_wait3A_41 : memref<80x125xi32, #tpu.memory_space<hbm>>) dst(%arg6 : memref<80x125xi32, #tpu.memory_space<vmem>>)
      tpu.yield
    }) : () -> ()
    "tpu.region"() ({
      %run_scoped3A = tpu.sem_alloc : memref<!tpu.dma_semaphore, #tpu.memory_space<semaphore_mem>>
      tpu.enqueue_dma source(%arg3 : memref<125x128xf32, #tpu.memory_space<hbm>>) target(%arg7 : memref<125x128xf32, #tpu.memory_space<vmem>>) target_semaphore(%run_scoped3A : memref<!tpu.dma_semaphore, #tpu.memory_space<semaphore_mem>>)
      tpu.wait_dma2 semaphore(%run_scoped3A : memref<!tpu.dma_semaphore, #tpu.memory_space<semaphore_mem>>) src(%arg3 : memref<125x128xf32, #tpu.memory_space<hbm>>) dst(%arg7 : memref<125x128xf32, #tpu.memory_space<vmem>>)
      tpu.yield
    }) : () -> ()
    %mul3A_1 = arith.constant 624 : i32
    %mul3A_2 = arith.muli %arg1, %mul3A_1 : i32
    %mul3A_3 = arith.constant 624 : i32
    %mul3A_4 = arith.muli %arg1, %mul3A_3 : i32
    "tpu.region"() ({
      %run_scoped3A = tpu.sem_alloc : memref<!tpu.dma_semaphore, #tpu.memory_space<semaphore_mem>>
      %dma_start3A = arith.constant 0 : i32
      %dma_start3A_28 = tpu.memref_slice %arg8[%mul3A_4, %dma_start3A] : memref<10000x128xf32, #tpu.memory_space<vmem_shared>> -> memref<624x128xf32, #tpu.memory_space<vmem_shared>>
      %dma_start3A_29 = arith.constant 0 : i32
      %dma_start3A_30 = tpu.memref_slice %arg4[%mul3A_2, %dma_start3A_29] : memref<10000x128xf32, #tpu.memory_space<hbm>> -> memref<624x128xf32, #tpu.memory_space<hbm>>
      tpu.enqueue_dma source(%dma_start3A_30 : memref<624x128xf32, #tpu.memory_space<hbm>>) target(%dma_start3A_28 : memref<624x128xf32, #tpu.memory_space<vmem_shared>>) target_semaphore(%run_scoped3A : memref<!tpu.dma_semaphore, #tpu.memory_space<semaphore_mem>>)
      %dma_wait3A = arith.constant 0 : i32
      %dma_wait3A_31 = tpu.memref_slice %arg8[%mul3A_4, %dma_wait3A] : memref<10000x128xf32, #tpu.memory_space<vmem_shared>> -> memref<624x128xf32, #tpu.memory_space<vmem_shared>>
      %dma_wait3A_32 = arith.constant 0 : i32
      %dma_wait3A_33 = tpu.memref_slice %arg4[%mul3A_2, %dma_wait3A_32] : memref<10000x128xf32, #tpu.memory_space<hbm>> -> memref<624x128xf32, #tpu.memory_space<hbm>>
      tpu.wait_dma2 semaphore(%run_scoped3A : memref<!tpu.dma_semaphore, #tpu.memory_space<semaphore_mem>>) src(%dma_wait3A_33 : memref<624x128xf32, #tpu.memory_space<hbm>>) dst(%dma_wait3A_31 : memref<624x128xf32, #tpu.memory_space<vmem_shared>>)
      tpu.yield
    }) : () -> ()
    %eq3A = arith.constant 0 : i32
    %eq3A_5 = arith.cmpi eq, %arg1, %eq3A : i32
    %convert_element_type3A = arith.extui %eq3A_5 : i1 to i32
    %cond3A = arith.constant 0 : i32
    %cond3A_6 = arith.cmpi ne, %convert_element_type3A, %cond3A : i32
    scf.if %cond3A_6 {
      "tpu.region"() ({
        %run_scoped3A = tpu.sem_alloc : memref<!tpu.dma_semaphore, #tpu.memory_space<semaphore_mem>>
        %dma_start3A = arith.constant 9984 : i32
        %dma_start3A_28 = arith.constant 0 : i32
        %dma_start3A_29 = tpu.memref_slice %arg8[%dma_start3A, %dma_start3A_28] : memref<10000x128xf32, #tpu.memory_space<vmem_shared>> -> memref<16x128xf32, #tpu.memory_space<vmem_shared>>
        %dma_start3A_30 = arith.constant 9984 : i32
        %dma_start3A_31 = arith.constant 0 : i32
        %dma_start3A_32 = tpu.memref_slice %arg4[%dma_start3A_30, %dma_start3A_31] : memref<10000x128xf32, #tpu.memory_space<hbm>> -> memref<16x128xf32, #tpu.memory_space<hbm>>
        tpu.enqueue_dma source(%dma_start3A_32 : memref<16x128xf32, #tpu.memory_space<hbm>>) target(%dma_start3A_29 : memref<16x128xf32, #tpu.memory_space<vmem_shared>>) target_semaphore(%run_scoped3A : memref<!tpu.dma_semaphore, #tpu.memory_space<semaphore_mem>>)
        %dma_wait3A = arith.constant 9984 : i32
        %dma_wait3A_33 = arith.constant 0 : i32
        %dma_wait3A_34 = tpu.memref_slice %arg8[%dma_wait3A, %dma_wait3A_33] : memref<10000x128xf32, #tpu.memory_space<vmem_shared>> -> memref<16x128xf32, #tpu.memory_space<vmem_shared>>
        %dma_wait3A_35 = arith.constant 9984 : i32
        %dma_wait3A_36 = arith.constant 0 : i32
        %dma_wait3A_37 = tpu.memref_slice %arg4[%dma_wait3A_35, %dma_wait3A_36] : memref<10000x128xf32, #tpu.memory_space<hbm>> -> memref<16x128xf32, #tpu.memory_space<hbm>>
        tpu.wait_dma2 semaphore(%run_scoped3A : memref<!tpu.dma_semaphore, #tpu.memory_space<semaphore_mem>>) src(%dma_wait3A_37 : memref<16x128xf32, #tpu.memory_space<hbm>>) dst(%dma_wait3A_34 : memref<16x128xf32, #tpu.memory_space<vmem_shared>>)
        tpu.yield
      }) : () -> ()
    } else {
    }
    %barrier3A = arith.constant 0 : index
    tpu.barrier barrier_id(%barrier3A)
    %scan3A = arith.constant 0 : i32
    %scan3A_7 = arith.constant 0 : i32
    %scan3A_8 = arith.constant 80 : i32
    %scan3A_9 = arith.addi %scan3A_7, %scan3A_8 : i32
    %scan3A_10 = arith.constant 1 : i32
    scf.for %scan3A_28 = %scan3A_7 to %scan3A_9 step %scan3A_10  : i32 {
      %dma_start3A = arith.constant 0 : i32
      %dma_start3A_29 = tpu.memref_slice %arg6[%scan3A_28, %dma_start3A] : memref<80x125xi32, #tpu.memory_space<vmem>> -> memref<1x125xi32, #tpu.memory_space<vmem>>
      %dma_start3A_30 = tpu.memref_squeeze %dma_start3A_29 : memref<1x125xi32, #tpu.memory_space<vmem>> -> memref<125xi32, #tpu.memory_space<vmem>>
      %dma_start3A_31 = arith.constant 0 : i32
      %dma_start3A_32 = arith.constant 0 : i32
      %dma_start3A_33 = tpu.memref_slice %arg8[%dma_start3A_31, %dma_start3A_32] : memref<10000x128xf32, #tpu.memory_space<vmem_shared>> -> memref<10000x128xf32, #tpu.memory_space<vmem_shared>>
      tpu.enqueue_indirect_dma source(%arg7 : memref<125x128xf32, #tpu.memory_space<vmem>>) target(%dma_start3A_33 : memref<10000x128xf32, #tpu.memory_space<vmem_shared>>) offsets(%dma_start3A_30 : memref<125xi32, #tpu.memory_space<vmem>>) semaphore(%arg9 : memref<!tpu.dma_semaphore, #tpu.memory_space<semaphore_mem>>) {add = true}
    }
    %scan3A_11 = arith.constant 80 : i32
    %scan3A_12 = arith.constant 0 : i32
    %scan3A_13 = arith.constant 0 : i32
    %scan3A_14 = arith.constant 80 : i32
    %scan3A_15 = arith.addi %scan3A_13, %scan3A_14 : i32
    %scan3A_16 = arith.constant 1 : i32
    scf.for %scan3A_28 = %scan3A_13 to %scan3A_15 step %scan3A_16  : i32 {
      %dma_wait3A = arith.constant 0 : i32
      %dma_wait3A_29 = arith.constant 0 : i32
      %dma_wait3A_30 = tpu.memref_slice %arg6[%dma_wait3A, %dma_wait3A_29] : memref<80x125xi32, #tpu.memory_space<vmem>> -> memref<1x125xi32, #tpu.memory_space<vmem>>
      %dma_wait3A_31 = tpu.memref_squeeze %dma_wait3A_30 : memref<1x125xi32, #tpu.memory_space<vmem>> -> memref<125xi32, #tpu.memory_space<vmem>>
      %dma_wait3A_32 = arith.constant 0 : i32
      %dma_wait3A_33 = arith.constant 0 : i32
      %dma_wait3A_34 = tpu.memref_slice %arg8[%dma_wait3A_32, %dma_wait3A_33] : memref<10000x128xf32, #tpu.memory_space<vmem_shared>> -> memref<10000x128xf32, #tpu.memory_space<vmem_shared>>
      tpu.wait_indirect_dma semaphore(%arg9 : memref<!tpu.dma_semaphore, #tpu.memory_space<semaphore_mem>>) src(%arg7 : memref<125x128xf32, #tpu.memory_space<vmem>>) dst(%dma_wait3A_34 : memref<10000x128xf32, #tpu.memory_space<vmem_shared>>)
    }
    %scan3A_17 = arith.constant 80 : i32
    %barrier3A_18 = arith.constant 0 : index
    tpu.barrier barrier_id(%barrier3A_18)
    %mul3A_19 = arith.constant 624 : i32
    %mul3A_20 = arith.muli %arg1, %mul3A_19 : i32
    %mul3A_21 = arith.constant 624 : i32
    %mul3A_22 = arith.muli %arg1, %mul3A_21 : i32
    "tpu.region"() ({
      %run_scoped3A = tpu.sem_alloc : memref<!tpu.dma_semaphore, #tpu.memory_space<semaphore_mem>>
      %dma_start3A = arith.constant 0 : i32
      %dma_start3A_28 = tpu.memref_slice %arg5[%arg0, %mul3A_22, %dma_start3A] : memref<2x10000x128xf32, #tpu.memory_space<hbm>> -> memref<1x624x128xf32, #tpu.memory_space<hbm>>
      %dma_start3A_29 = tpu.memref_squeeze %dma_start3A_28 : memref<1x624x128xf32, #tpu.memory_space<hbm>> -> memref<624x128xf32, #tpu.memory_space<hbm>>
      %dma_start3A_30 = arith.constant 0 : i32
      %dma_start3A_31 = tpu.memref_slice %arg8[%mul3A_20, %dma_start3A_30] : memref<10000x128xf32, #tpu.memory_space<vmem_shared>> -> memref<624x128xf32, #tpu.memory_space<vmem_shared>>
      tpu.enqueue_dma source(%dma_start3A_31 : memref<624x128xf32, #tpu.memory_space<vmem_shared>>) target(%dma_start3A_29 : memref<624x128xf32, #tpu.memory_space<hbm>>) target_semaphore(%run_scoped3A : memref<!tpu.dma_semaphore, #tpu.memory_space<semaphore_mem>>)
      %dma_wait3A = arith.constant 0 : i32
      %dma_wait3A_32 = tpu.memref_slice %arg5[%arg0, %mul3A_22, %dma_wait3A] : memref<2x10000x128xf32, #tpu.memory_space<hbm>> -> memref<1x624x128xf32, #tpu.memory_space<hbm>>
      %dma_wait3A_33 = tpu.memref_squeeze %dma_wait3A_32 : memref<1x624x128xf32, #tpu.memory_space<hbm>> -> memref<624x128xf32, #tpu.memory_space<hbm>>
      %dma_wait3A_34 = arith.constant 0 : i32
      %dma_wait3A_35 = tpu.memref_slice %arg8[%mul3A_20, %dma_wait3A_34] : memref<10000x128xf32, #tpu.memory_space<vmem_shared>> -> memref<624x128xf32, #tpu.memory_space<vmem_shared>>
      tpu.wait_dma2 semaphore(%run_scoped3A : memref<!tpu.dma_semaphore, #tpu.memory_space<semaphore_mem>>) src(%dma_wait3A_35 : memref<624x128xf32, #tpu.memory_space<vmem_shared>>) dst(%dma_wait3A_33 : memref<624x128xf32, #tpu.memory_space<hbm>>)
      tpu.yield
    }) : () -> ()
    %eq3A_23 = arith.constant 0 : i32
    %eq3A_24 = arith.cmpi eq, %arg1, %eq3A_23 : i32
    %convert_element_type3A_25 = arith.extui %eq3A_24 : i1 to i32
    %cond3A_26 = arith.constant 0 : i32
    %cond3A_27 = arith.cmpi ne, %convert_element_type3A_25, %cond3A_26 : i32
    scf.if %cond3A_27 {
      "tpu.region"() ({
        %run_scoped3A = tpu.sem_alloc : memref<!tpu.dma_semaphore, #tpu.memory_space<semaphore_mem>>
        %dma_start3A = arith.constant 9984 : i32
        %dma_start3A_28 = arith.constant 0 : i32
        %dma_start3A_29 = tpu.memref_slice %arg5[%arg0, %dma_start3A, %dma_start3A_28] : memref<2x10000x128xf32, #tpu.memory_space<hbm>> -> memref<1x16x128xf32, #tpu.memory_space<hbm>>
        %dma_start3A_30 = tpu.memref_squeeze %dma_start3A_29 : memref<1x16x128xf32, #tpu.memory_space<hbm>> -> memref<16x128xf32, #tpu.memory_space<hbm>>
        %dma_start3A_31 = arith.constant 9984 : i32
        %dma_start3A_32 = arith.constant 0 : i32
        %dma_start3A_33 = tpu.memref_slice %arg8[%dma_start3A_31, %dma_start3A_32] : memref<10000x128xf32, #tpu.memory_space<vmem_shared>> -> memref<16x128xf32, #tpu.memory_space<vmem_shared>>
        tpu.enqueue_dma source(%dma_start3A_33 : memref<16x128xf32, #tpu.memory_space<vmem_shared>>) target(%dma_start3A_30 : memref<16x128xf32, #tpu.memory_space<hbm>>) target_semaphore(%run_scoped3A : memref<!tpu.dma_semaphore, #tpu.memory_space<semaphore_mem>>)
        %dma_wait3A = arith.constant 9984 : i32
        %dma_wait3A_34 = arith.constant 0 : i32
        %dma_wait3A_35 = tpu.memref_slice %arg5[%arg0, %dma_wait3A, %dma_wait3A_34] : memref<2x10000x128xf32, #tpu.memory_space<hbm>> -> memref<1x16x128xf32, #tpu.memory_space<hbm>>
        %dma_wait3A_36 = tpu.memref_squeeze %dma_wait3A_35 : memref<1x16x128xf32, #tpu.memory_space<hbm>> -> memref<16x128xf32, #tpu.memory_space<hbm>>
        %dma_wait3A_37 = arith.constant 9984 : i32
        %dma_wait3A_38 = arith.constant 0 : i32
        %dma_wait3A_39 = tpu.memref_slice %arg8[%dma_wait3A_37, %dma_wait3A_38] : memref<10000x128xf32, #tpu.memory_space<vmem_shared>> -> memref<16x128xf32, #tpu.memory_space<vmem_shared>>
        tpu.wait_dma2 semaphore(%run_scoped3A : memref<!tpu.dma_semaphore, #tpu.memory_space<semaphore_mem>>) src(%dma_wait3A_39 : memref<16x128xf32, #tpu.memory_space<vmem_shared>>) dst(%dma_wait3A_36 : memref<16x128xf32, #tpu.memory_space<hbm>>)
        tpu.yield
      }) : () -> ()
    } else {
    }
    return
  }
}

#map = affine_map<(d0, d1) -> (0, 0)>
#map1 = affine_map<(d0, d1) -> (0, 0, 0)>
#map2 = affine_map<(d0, d1) -> (0, 0, 0, 0)>
module attributes {stable_mosaic.version = 14 : i64} {
  func.func @agg_kernel(%arg0: i32, %arg1: i32, %arg2: memref<10000x128xf32, #tpu.memory_space<hbm>>, %arg3: memref<32x80x125xi32, #tpu.memory_space<hbm>>, %arg4: memref<32x80x1x125xi32, #tpu.memory_space<hbm>>, %arg5: memref<10000x128xf32, #tpu.memory_space<hbm>>, %arg6: memref<2x10000x128xf32, #tpu.memory_space<hbm>>, %arg7: memref<80x125xi32, #tpu.memory_space<vmem>>, %arg8: memref<8x125xi32, #tpu.memory_space<vmem>>, %arg9: memref<8x125xi32, #tpu.memory_space<vmem>>, %arg10: memref<125x128xf32, #tpu.memory_space<vmem>>, %arg11: memref<125x128xf32, #tpu.memory_space<vmem>>, %arg12: memref<10000x128xf32, #tpu.memory_space<vmem_shared>>, %arg13: memref<!tpu.dma_semaphore, #tpu.memory_space<semaphore_mem>>, %arg14: memref<!tpu.dma_semaphore, #tpu.memory_space<semaphore_mem>>, %arg15: memref<!tpu.dma_semaphore, #tpu.memory_space<semaphore_mem>>, %arg16: memref<!tpu.dma_semaphore, #tpu.memory_space<semaphore_mem>>, %arg17: memref<!tpu.dma_semaphore, #tpu.memory_space<semaphore_mem>>, %arg18: memref<!tpu.dma_semaphore, #tpu.memory_space<semaphore_mem>>) attributes {dimension_semantics = [#tpu.dimension_semantics<core_parallel>, #tpu.dimension_semantics<subcore_parallel>], iteration_bounds = array<i64: 2, 16>, scalar_prefetch = 0 : i64, scratch_operands = 12 : i64, tpu.core_type = #tpu.core_type<sc_vector_subcore>, window_params = [{transform_indices = #map}, {transform_indices = #map1}, {transform_indices = #map2}, {transform_indices = #map}, {transform_indices = #map1}]} {
    %mul3A = arith.constant 16 : i32
    %mul3A_0 = arith.muli %arg0, %mul3A : i32
    %add3A = arith.addi %mul3A_0, %arg1 : i32
    "tpu.region"() ({
      %run_scoped3A = tpu.sem_alloc : memref<!tpu.dma_semaphore, #tpu.memory_space<semaphore_mem>>
      %dma_start3A = arith.constant 0 : i32
      %dma_start3A_51 = arith.constant 0 : i32
      %dma_start3A_52 = tpu.memref_slice %arg3[%add3A, %dma_start3A, %dma_start3A_51] : memref<32x80x125xi32, #tpu.memory_space<hbm>> -> memref<1x80x125xi32, #tpu.memory_space<hbm>>
      %dma_start3A_53 = tpu.memref_squeeze %dma_start3A_52 : memref<1x80x125xi32, #tpu.memory_space<hbm>> -> memref<80x125xi32, #tpu.memory_space<hbm>>
      %dma_start3A_54 = arith.constant 0 : i32
      %dma_start3A_55 = arith.constant 0 : i32
      %dma_start3A_56 = tpu.memref_slice %arg3[%add3A, %dma_start3A_54, %dma_start3A_55] : memref<32x80x125xi32, #tpu.memory_space<hbm>> -> memref<1x80x125xi32, #tpu.memory_space<hbm>>
      %dma_start3A_57 = tpu.memref_squeeze %dma_start3A_56 : memref<1x80x125xi32, #tpu.memory_space<hbm>> -> memref<80x125xi32, #tpu.memory_space<hbm>>
      tpu.enqueue_dma source(%dma_start3A_57 : memref<80x125xi32, #tpu.memory_space<hbm>>) target(%arg7 : memref<80x125xi32, #tpu.memory_space<vmem>>) target_semaphore(%run_scoped3A : memref<!tpu.dma_semaphore, #tpu.memory_space<semaphore_mem>>)
      %dma_wait3A_58 = arith.constant 0 : i32
      %dma_wait3A_59 = arith.constant 0 : i32
      %dma_wait3A_60 = tpu.memref_slice %arg3[%add3A, %dma_wait3A_58, %dma_wait3A_59] : memref<32x80x125xi32, #tpu.memory_space<hbm>> -> memref<1x80x125xi32, #tpu.memory_space<hbm>>
      %dma_wait3A_61 = tpu.memref_squeeze %dma_wait3A_60 : memref<1x80x125xi32, #tpu.memory_space<hbm>> -> memref<80x125xi32, #tpu.memory_space<hbm>>
      %dma_wait3A_62 = arith.constant 0 : i32
      %dma_wait3A_63 = arith.constant 0 : i32
      %dma_wait3A_64 = tpu.memref_slice %arg3[%add3A, %dma_wait3A_62, %dma_wait3A_63] : memref<32x80x125xi32, #tpu.memory_space<hbm>> -> memref<1x80x125xi32, #tpu.memory_space<hbm>>
      %dma_wait3A_65 = tpu.memref_squeeze %dma_wait3A_64 : memref<1x80x125xi32, #tpu.memory_space<hbm>> -> memref<80x125xi32, #tpu.memory_space<hbm>>
      tpu.wait_dma2 semaphore(%run_scoped3A : memref<!tpu.dma_semaphore, #tpu.memory_space<semaphore_mem>>) src(%dma_wait3A_65 : memref<80x125xi32, #tpu.memory_space<hbm>>) dst(%arg7 : memref<80x125xi32, #tpu.memory_space<vmem>>)
      tpu.yield
    }) : () -> ()
    %eq3A = arith.constant 0 : i32
    %eq3A_1 = arith.cmpi eq, %arg0, %eq3A : i32
    %convert_element_type3A = arith.extui %eq3A_1 : i1 to i32
    %cond3A = arith.constant 0 : i32
    %cond3A_2 = arith.cmpi ne, %convert_element_type3A, %cond3A : i32
    scf.if %cond3A_2 {
      %mul3A_51 = arith.constant 624 : i32
      %mul3A_52 = arith.muli %arg1, %mul3A_51 : i32
      %mul3A_53 = arith.constant 624 : i32
      %mul3A_54 = arith.muli %arg1, %mul3A_53 : i32
      "tpu.region"() ({
        %run_scoped3A = tpu.sem_alloc : memref<!tpu.dma_semaphore, #tpu.memory_space<semaphore_mem>>
        %dma_start3A = arith.constant 0 : i32
        %dma_start3A_55 = tpu.memref_slice %arg12[%mul3A_54, %dma_start3A] : memref<10000x128xf32, #tpu.memory_space<vmem_shared>> -> memref<624x128xf32, #tpu.memory_space<vmem_shared>>
        %dma_start3A_56 = arith.constant 0 : i32
        %dma_start3A_57 = tpu.memref_slice %arg2[%mul3A_52, %dma_start3A_56] : memref<10000x128xf32, #tpu.memory_space<hbm>> -> memref<624x128xf32, #tpu.memory_space<hbm>>
        tpu.enqueue_dma source(%dma_start3A_57 : memref<624x128xf32, #tpu.memory_space<hbm>>) target(%dma_start3A_55 : memref<624x128xf32, #tpu.memory_space<vmem_shared>>) target_semaphore(%run_scoped3A : memref<!tpu.dma_semaphore, #tpu.memory_space<semaphore_mem>>)
        %dma_wait3A_58 = arith.constant 0 : i32
        %dma_wait3A_59 = tpu.memref_slice %arg12[%mul3A_54, %dma_wait3A_58] : memref<10000x128xf32, #tpu.memory_space<vmem_shared>> -> memref<624x128xf32, #tpu.memory_space<vmem_shared>>
        %dma_wait3A_60 = arith.constant 0 : i32
        %dma_wait3A_61 = tpu.memref_slice %arg2[%mul3A_52, %dma_wait3A_60] : memref<10000x128xf32, #tpu.memory_space<hbm>> -> memref<624x128xf32, #tpu.memory_space<hbm>>
        tpu.wait_dma2 semaphore(%run_scoped3A : memref<!tpu.dma_semaphore, #tpu.memory_space<semaphore_mem>>) src(%dma_wait3A_61 : memref<624x128xf32, #tpu.memory_space<hbm>>) dst(%dma_wait3A_59 : memref<624x128xf32, #tpu.memory_space<vmem_shared>>)
        tpu.yield
      }) : () -> ()
    } else {
    }
    %eq3A_3 = arith.constant 1 : i32
    %eq3A_4 = arith.cmpi eq, %arg0, %eq3A_3 : i32
    %convert_element_type3A_5 = arith.extui %eq3A_4 : i1 to i32
    %cond3A_6 = arith.constant 0 : i32
    %cond3A_7 = arith.cmpi ne, %convert_element_type3A_5, %cond3A_6 : i32
    scf.if %cond3A_7 {
      %mul3A_51 = arith.constant 624 : i32
      %mul3A_52 = arith.muli %arg1, %mul3A_51 : i32
      %mul3A_53 = arith.constant 624 : i32
      %mul3A_54 = arith.muli %arg1, %mul3A_53 : i32
      "tpu.region"() ({
        %run_scoped3A = tpu.sem_alloc : memref<!tpu.dma_semaphore, #tpu.memory_space<semaphore_mem>>
        %dma_start3A = arith.constant 0 : i32
        %dma_start3A_55 = tpu.memref_slice %arg12[%mul3A_54, %dma_start3A] : memref<10000x128xf32, #tpu.memory_space<vmem_shared>> -> memref<624x128xf32, #tpu.memory_space<vmem_shared>>
        %dma_start3A_56 = arith.constant 0 : i32
        %dma_start3A_57 = tpu.memref_slice %arg5[%mul3A_52, %dma_start3A_56] : memref<10000x128xf32, #tpu.memory_space<hbm>> -> memref<624x128xf32, #tpu.memory_space<hbm>>
        tpu.enqueue_dma source(%dma_start3A_57 : memref<624x128xf32, #tpu.memory_space<hbm>>) target(%dma_start3A_55 : memref<624x128xf32, #tpu.memory_space<vmem_shared>>) target_semaphore(%run_scoped3A : memref<!tpu.dma_semaphore, #tpu.memory_space<semaphore_mem>>)
        %dma_wait3A_58 = arith.constant 0 : i32
        %dma_wait3A_59 = tpu.memref_slice %arg12[%mul3A_54, %dma_wait3A_58] : memref<10000x128xf32, #tpu.memory_space<vmem_shared>> -> memref<624x128xf32, #tpu.memory_space<vmem_shared>>
        %dma_wait3A_60 = arith.constant 0 : i32
        %dma_wait3A_61 = tpu.memref_slice %arg5[%mul3A_52, %dma_wait3A_60] : memref<10000x128xf32, #tpu.memory_space<hbm>> -> memref<624x128xf32, #tpu.memory_space<hbm>>
        tpu.wait_dma2 semaphore(%run_scoped3A : memref<!tpu.dma_semaphore, #tpu.memory_space<semaphore_mem>>) src(%dma_wait3A_61 : memref<624x128xf32, #tpu.memory_space<hbm>>) dst(%dma_wait3A_59 : memref<624x128xf32, #tpu.memory_space<vmem_shared>>)
        tpu.yield
      }) : () -> ()
    } else {
    }
    %eq3A_8 = arith.constant 0 : i32
    %eq3A_9 = arith.cmpi eq, %arg1, %eq3A_8 : i32
    %eq3A_10 = arith.constant 0 : i32
    %eq3A_11 = arith.cmpi eq, %arg0, %eq3A_10 : i32
    %and3A = arith.andi %eq3A_9, %eq3A_11 : i1
    %convert_element_type3A_12 = arith.extui %and3A : i1 to i32
    %cond3A_13 = arith.constant 0 : i32
    %cond3A_14 = arith.cmpi ne, %convert_element_type3A_12, %cond3A_13 : i32
    scf.if %cond3A_14 {
      "tpu.region"() ({
        %run_scoped3A = tpu.sem_alloc : memref<!tpu.dma_semaphore, #tpu.memory_space<semaphore_mem>>
        %dma_start3A = arith.constant 9984 : i32
        %dma_start3A_51 = arith.constant 0 : i32
        %dma_start3A_52 = tpu.memref_slice %arg12[%dma_start3A, %dma_start3A_51] : memref<10000x128xf32, #tpu.memory_space<vmem_shared>> -> memref<16x128xf32, #tpu.memory_space<vmem_shared>>
        %dma_start3A_53 = arith.constant 9984 : i32
        %dma_start3A_54 = arith.constant 0 : i32
        %dma_start3A_55 = tpu.memref_slice %arg2[%dma_start3A_53, %dma_start3A_54] : memref<10000x128xf32, #tpu.memory_space<hbm>> -> memref<16x128xf32, #tpu.memory_space<hbm>>
        tpu.enqueue_dma source(%dma_start3A_55 : memref<16x128xf32, #tpu.memory_space<hbm>>) target(%dma_start3A_52 : memref<16x128xf32, #tpu.memory_space<vmem_shared>>) target_semaphore(%run_scoped3A : memref<!tpu.dma_semaphore, #tpu.memory_space<semaphore_mem>>)
        %dma_wait3A_56 = arith.constant 9984 : i32
        %dma_wait3A_57 = arith.constant 0 : i32
        %dma_wait3A_58 = tpu.memref_slice %arg12[%dma_wait3A_56, %dma_wait3A_57] : memref<10000x128xf32, #tpu.memory_space<vmem_shared>> -> memref<16x128xf32, #tpu.memory_space<vmem_shared>>
        %dma_wait3A_59 = arith.constant 9984 : i32
        %dma_wait3A_60 = arith.constant 0 : i32
        %dma_wait3A_61 = tpu.memref_slice %arg2[%dma_wait3A_59, %dma_wait3A_60] : memref<10000x128xf32, #tpu.memory_space<hbm>> -> memref<16x128xf32, #tpu.memory_space<hbm>>
        tpu.wait_dma2 semaphore(%run_scoped3A : memref<!tpu.dma_semaphore, #tpu.memory_space<semaphore_mem>>) src(%dma_wait3A_61 : memref<16x128xf32, #tpu.memory_space<hbm>>) dst(%dma_wait3A_58 : memref<16x128xf32, #tpu.memory_space<vmem_shared>>)
        tpu.yield
      }) : () -> ()
    } else {
    }
    %eq3A_15 = arith.constant 0 : i32
    %eq3A_16 = arith.cmpi eq, %arg1, %eq3A_15 : i32
    %eq3A_17 = arith.constant 1 : i32
    %eq3A_18 = arith.cmpi eq, %arg0, %eq3A_17 : i32
    %and3A_19 = arith.andi %eq3A_16, %eq3A_18 : i1
    %convert_element_type3A_20 = arith.extui %and3A_19 : i1 to i32
    %cond3A_21 = arith.constant 0 : i32
    %cond3A_22 = arith.cmpi ne, %convert_element_type3A_20, %cond3A_21 : i32
    scf.if %cond3A_22 {
      "tpu.region"() ({
        %run_scoped3A = tpu.sem_alloc : memref<!tpu.dma_semaphore, #tpu.memory_space<semaphore_mem>>
        %dma_start3A = arith.constant 9984 : i32
        %dma_start3A_51 = arith.constant 0 : i32
        %dma_start3A_52 = tpu.memref_slice %arg12[%dma_start3A, %dma_start3A_51] : memref<10000x128xf32, #tpu.memory_space<vmem_shared>> -> memref<16x128xf32, #tpu.memory_space<vmem_shared>>
        %dma_start3A_53 = arith.constant 9984 : i32
        %dma_start3A_54 = arith.constant 0 : i32
        %dma_start3A_55 = tpu.memref_slice %arg5[%dma_start3A_53, %dma_start3A_54] : memref<10000x128xf32, #tpu.memory_space<hbm>> -> memref<16x128xf32, #tpu.memory_space<hbm>>
        tpu.enqueue_dma source(%dma_start3A_55 : memref<16x128xf32, #tpu.memory_space<hbm>>) target(%dma_start3A_52 : memref<16x128xf32, #tpu.memory_space<vmem_shared>>) target_semaphore(%run_scoped3A : memref<!tpu.dma_semaphore, #tpu.memory_space<semaphore_mem>>)
        %dma_wait3A_56 = arith.constant 9984 : i32
        %dma_wait3A_57 = arith.constant 0 : i32
        %dma_wait3A_58 = tpu.memref_slice %arg12[%dma_wait3A_56, %dma_wait3A_57] : memref<10000x128xf32, #tpu.memory_space<vmem_shared>> -> memref<16x128xf32, #tpu.memory_space<vmem_shared>>
        %dma_wait3A_59 = arith.constant 9984 : i32
        %dma_wait3A_60 = arith.constant 0 : i32
        %dma_wait3A_61 = tpu.memref_slice %arg5[%dma_wait3A_59, %dma_wait3A_60] : memref<10000x128xf32, #tpu.memory_space<hbm>> -> memref<16x128xf32, #tpu.memory_space<hbm>>
        tpu.wait_dma2 semaphore(%run_scoped3A : memref<!tpu.dma_semaphore, #tpu.memory_space<semaphore_mem>>) src(%dma_wait3A_61 : memref<16x128xf32, #tpu.memory_space<hbm>>) dst(%dma_wait3A_58 : memref<16x128xf32, #tpu.memory_space<vmem_shared>>)
        tpu.yield
      }) : () -> ()
    } else {
    }
    %barrier3A = arith.constant 0 : index
    tpu.barrier barrier_id(%barrier3A)
    %scan3A = arith.constant 0 : i32
    %scan3A_23 = arith.constant 0 : i32
    %scan3A_24 = arith.constant 40 : i32
    %scan3A_25 = arith.addi %scan3A_23, %scan3A_24 : i32
    %scan3A_26 = arith.constant 1 : i32
    scf.for %scan3A_51 = %scan3A_23 to %scan3A_25 step %scan3A_26  : i32 {
      %mul3A_52 = arith.constant 2 : i32
      %mul3A_53 = arith.muli %mul3A_52, %scan3A_51 : i32
      %add3A_54 = arith.constant 0 : i32
      %add3A_55 = arith.addi %mul3A_53, %add3A_54 : i32
      %ge3A = arith.constant 2 : i32
      %ge3A_56 = arith.cmpi sge, %add3A_55, %ge3A : i32
      %convert_element_type3A_57 = arith.extui %ge3A_56 : i1 to i32
      %cond3A_58 = arith.constant 0 : i32
      %cond3A_59 = arith.cmpi ne, %convert_element_type3A_57, %cond3A_58 : i32
      scf.if %cond3A_59 {
        %dma_wait3A_162 = arith.constant 0 : i32
        %dma_wait3A_163 = arith.constant 0 : i32
        %dma_wait3A_164 = tpu.memref_slice %arg8[%dma_wait3A_162, %dma_wait3A_163] : memref<8x125xi32, #tpu.memory_space<vmem>> -> memref<1x125xi32, #tpu.memory_space<vmem>>
        %dma_wait3A_165 = tpu.memref_squeeze %dma_wait3A_164 : memref<1x125xi32, #tpu.memory_space<vmem>> -> memref<125xi32, #tpu.memory_space<vmem>>
        %dma_wait3A_166 = arith.constant 0 : i32
        %dma_wait3A_167 = arith.constant 0 : i32
        %dma_wait3A_168 = tpu.memref_slice %arg12[%dma_wait3A_166, %dma_wait3A_167] : memref<10000x128xf32, #tpu.memory_space<vmem_shared>> -> memref<10000x128xf32, #tpu.memory_space<vmem_shared>>
        tpu.wait_indirect_dma semaphore(%arg17 : memref<!tpu.dma_semaphore, #tpu.memory_space<semaphore_mem>>) src(%arg10 : memref<125x128xf32, #tpu.memory_space<vmem>>) dst(%dma_wait3A_168 : memref<10000x128xf32, #tpu.memory_space<vmem_shared>>)
      } else {
      }
      %dma_start3A = arith.constant 0 : i32
      %dma_start3A_60 = arith.constant 0 : i32
      %dma_start3A_61 = tpu.memref_slice %arg8[%dma_start3A, %dma_start3A_60] : memref<8x125xi32, #tpu.memory_space<vmem>> -> memref<1x125xi32, #tpu.memory_space<vmem>>
      %dma_start3A_62 = arith.constant 0 : i32
      %dma_start3A_63 = arith.constant 0 : i32
      %dma_start3A_64 = tpu.memref_slice %arg4[%add3A, %add3A_55, %dma_start3A_62, %dma_start3A_63] : memref<32x80x1x125xi32, #tpu.memory_space<hbm>> -> memref<1x1x1x125xi32, #tpu.memory_space<hbm>>
      %dma_start3A_65 = tpu.memref_squeeze %dma_start3A_64 : memref<1x1x1x125xi32, #tpu.memory_space<hbm>> -> memref<1x125xi32, #tpu.memory_space<hbm>>
      %dma_start3A_66 = arith.constant 0 : i32
      %dma_start3A_67 = arith.constant 0 : i32
      %dma_start3A_68 = tpu.memref_slice %arg8[%dma_start3A_66, %dma_start3A_67] : memref<8x125xi32, #tpu.memory_space<vmem>> -> memref<1x125xi32, #tpu.memory_space<vmem>>
      %dma_start3A_69 = arith.constant 0 : i32
      %dma_start3A_70 = arith.constant 0 : i32
      %dma_start3A_71 = tpu.memref_slice %arg4[%add3A, %add3A_55, %dma_start3A_69, %dma_start3A_70] : memref<32x80x1x125xi32, #tpu.memory_space<hbm>> -> memref<1x1x1x125xi32, #tpu.memory_space<hbm>>
      %dma_start3A_72 = tpu.memref_squeeze %dma_start3A_71 : memref<1x1x1x125xi32, #tpu.memory_space<hbm>> -> memref<1x125xi32, #tpu.memory_space<hbm>>
      tpu.enqueue_dma source(%dma_start3A_72 : memref<1x125xi32, #tpu.memory_space<hbm>>) target(%dma_start3A_68 : memref<1x125xi32, #tpu.memory_space<vmem>>) target_semaphore(%arg13 : memref<!tpu.dma_semaphore, #tpu.memory_space<semaphore_mem>>)
      %dma_start3A_73 = arith.constant 0 : i32
      %dma_start3A_74 = tpu.memref_slice %arg7[%add3A_55, %dma_start3A_73] : memref<80x125xi32, #tpu.memory_space<vmem>> -> memref<1x125xi32, #tpu.memory_space<vmem>>
      %dma_start3A_75 = tpu.memref_squeeze %dma_start3A_74 : memref<1x125xi32, #tpu.memory_space<vmem>> -> memref<125xi32, #tpu.memory_space<vmem>>
      %dma_start3A_76 = arith.constant 0 : i32
      %dma_start3A_77 = arith.constant 0 : i32
      %dma_start3A_78 = tpu.memref_slice %arg2[%dma_start3A_76, %dma_start3A_77] : memref<10000x128xf32, #tpu.memory_space<hbm>> -> memref<10000x128xf32, #tpu.memory_space<hbm>>
      tpu.enqueue_indirect_dma source(%dma_start3A_78 : memref<10000x128xf32, #tpu.memory_space<hbm>>) target(%arg10 : memref<125x128xf32, #tpu.memory_space<vmem>>) offsets(%dma_start3A_75 : memref<125xi32, #tpu.memory_space<vmem>>) semaphore(%arg15 : memref<!tpu.dma_semaphore, #tpu.memory_space<semaphore_mem>>)
      %dma_wait3A_79 = arith.constant 0 : i32
      %dma_wait3A_80 = arith.constant 0 : i32
      %dma_wait3A_81 = tpu.memref_slice %arg8[%dma_wait3A_79, %dma_wait3A_80] : memref<8x125xi32, #tpu.memory_space<vmem>> -> memref<1x125xi32, #tpu.memory_space<vmem>>
      %dma_wait3A_82 = arith.constant 0 : i32
      %dma_wait3A_83 = arith.constant 0 : i32
      %dma_wait3A_84 = tpu.memref_slice %arg4[%add3A, %add3A_55, %dma_wait3A_82, %dma_wait3A_83] : memref<32x80x1x125xi32, #tpu.memory_space<hbm>> -> memref<1x1x1x125xi32, #tpu.memory_space<hbm>>
      %dma_wait3A_85 = tpu.memref_squeeze %dma_wait3A_84 : memref<1x1x1x125xi32, #tpu.memory_space<hbm>> -> memref<1x125xi32, #tpu.memory_space<hbm>>
      %dma_wait3A_86 = arith.constant 0 : i32
      %dma_wait3A_87 = arith.constant 0 : i32
      %dma_wait3A_88 = tpu.memref_slice %arg8[%dma_wait3A_86, %dma_wait3A_87] : memref<8x125xi32, #tpu.memory_space<vmem>> -> memref<1x125xi32, #tpu.memory_space<vmem>>
      %dma_wait3A_89 = arith.constant 0 : i32
      %dma_wait3A_90 = arith.constant 0 : i32
      %dma_wait3A_91 = tpu.memref_slice %arg4[%add3A, %add3A_55, %dma_wait3A_89, %dma_wait3A_90] : memref<32x80x1x125xi32, #tpu.memory_space<hbm>> -> memref<1x1x1x125xi32, #tpu.memory_space<hbm>>
      %dma_wait3A_92 = tpu.memref_squeeze %dma_wait3A_91 : memref<1x1x1x125xi32, #tpu.memory_space<hbm>> -> memref<1x125xi32, #tpu.memory_space<hbm>>
      tpu.wait_dma2 semaphore(%arg13 : memref<!tpu.dma_semaphore, #tpu.memory_space<semaphore_mem>>) src(%dma_wait3A_92 : memref<1x125xi32, #tpu.memory_space<hbm>>) dst(%dma_wait3A_88 : memref<1x125xi32, #tpu.memory_space<vmem>>)
      %dma_wait3A_93 = arith.constant 0 : i32
      %dma_wait3A_94 = tpu.memref_slice %arg7[%add3A_55, %dma_wait3A_93] : memref<80x125xi32, #tpu.memory_space<vmem>> -> memref<1x125xi32, #tpu.memory_space<vmem>>
      %dma_wait3A_95 = tpu.memref_squeeze %dma_wait3A_94 : memref<1x125xi32, #tpu.memory_space<vmem>> -> memref<125xi32, #tpu.memory_space<vmem>>
      %dma_wait3A_96 = arith.constant 0 : i32
      %dma_wait3A_97 = arith.constant 0 : i32
      %dma_wait3A_98 = tpu.memref_slice %arg2[%dma_wait3A_96, %dma_wait3A_97] : memref<10000x128xf32, #tpu.memory_space<hbm>> -> memref<10000x128xf32, #tpu.memory_space<hbm>>
      tpu.wait_indirect_dma semaphore(%arg15 : memref<!tpu.dma_semaphore, #tpu.memory_space<semaphore_mem>>) src(%dma_wait3A_98 : memref<10000x128xf32, #tpu.memory_space<hbm>>) dst(%arg10 : memref<125x128xf32, #tpu.memory_space<vmem>>)
      %dma_start3A_99 = arith.constant 0 : i32
      %dma_start3A_100 = arith.constant 0 : i32
      %dma_start3A_101 = tpu.memref_slice %arg8[%dma_start3A_99, %dma_start3A_100] : memref<8x125xi32, #tpu.memory_space<vmem>> -> memref<1x125xi32, #tpu.memory_space<vmem>>
      %dma_start3A_102 = tpu.memref_squeeze %dma_start3A_101 : memref<1x125xi32, #tpu.memory_space<vmem>> -> memref<125xi32, #tpu.memory_space<vmem>>
      %dma_start3A_103 = arith.constant 0 : i32
      %dma_start3A_104 = arith.constant 0 : i32
      %dma_start3A_105 = tpu.memref_slice %arg12[%dma_start3A_103, %dma_start3A_104] : memref<10000x128xf32, #tpu.memory_space<vmem_shared>> -> memref<10000x128xf32, #tpu.memory_space<vmem_shared>>
      tpu.enqueue_indirect_dma source(%arg10 : memref<125x128xf32, #tpu.memory_space<vmem>>) target(%dma_start3A_105 : memref<10000x128xf32, #tpu.memory_space<vmem_shared>>) offsets(%dma_start3A_102 : memref<125xi32, #tpu.memory_space<vmem>>) semaphore(%arg17 : memref<!tpu.dma_semaphore, #tpu.memory_space<semaphore_mem>>) {add = true}
      %mul3A_106 = arith.constant 2 : i32
      %mul3A_107 = arith.muli %mul3A_106, %scan3A_51 : i32
      %add3A_108 = arith.constant 1 : i32
      %add3A_109 = arith.addi %mul3A_107, %add3A_108 : i32
      %ge3A_110 = arith.constant 2 : i32
      %ge3A_111 = arith.cmpi sge, %add3A_109, %ge3A_110 : i32
      %convert_element_type3A_112 = arith.extui %ge3A_111 : i1 to i32
      %cond3A_113 = arith.constant 0 : i32
      %cond3A_114 = arith.cmpi ne, %convert_element_type3A_112, %cond3A_113 : i32
      scf.if %cond3A_114 {
        %dma_wait3A_162 = arith.constant 0 : i32
        %dma_wait3A_163 = arith.constant 0 : i32
        %dma_wait3A_164 = tpu.memref_slice %arg9[%dma_wait3A_162, %dma_wait3A_163] : memref<8x125xi32, #tpu.memory_space<vmem>> -> memref<1x125xi32, #tpu.memory_space<vmem>>
        %dma_wait3A_165 = tpu.memref_squeeze %dma_wait3A_164 : memref<1x125xi32, #tpu.memory_space<vmem>> -> memref<125xi32, #tpu.memory_space<vmem>>
        %dma_wait3A_166 = arith.constant 0 : i32
        %dma_wait3A_167 = arith.constant 0 : i32
        %dma_wait3A_168 = tpu.memref_slice %arg12[%dma_wait3A_166, %dma_wait3A_167] : memref<10000x128xf32, #tpu.memory_space<vmem_shared>> -> memref<10000x128xf32, #tpu.memory_space<vmem_shared>>
        tpu.wait_indirect_dma semaphore(%arg18 : memref<!tpu.dma_semaphore, #tpu.memory_space<semaphore_mem>>) src(%arg11 : memref<125x128xf32, #tpu.memory_space<vmem>>) dst(%dma_wait3A_168 : memref<10000x128xf32, #tpu.memory_space<vmem_shared>>)
      } else {
      }
      %dma_start3A_115 = arith.constant 0 : i32
      %dma_start3A_116 = arith.constant 0 : i32
      %dma_start3A_117 = tpu.memref_slice %arg9[%dma_start3A_115, %dma_start3A_116] : memref<8x125xi32, #tpu.memory_space<vmem>> -> memref<1x125xi32, #tpu.memory_space<vmem>>
      %dma_start3A_118 = arith.constant 0 : i32
      %dma_start3A_119 = arith.constant 0 : i32
      %dma_start3A_120 = tpu.memref_slice %arg4[%add3A, %add3A_109, %dma_start3A_118, %dma_start3A_119] : memref<32x80x1x125xi32, #tpu.memory_space<hbm>> -> memref<1x1x1x125xi32, #tpu.memory_space<hbm>>
      %dma_start3A_121 = tpu.memref_squeeze %dma_start3A_120 : memref<1x1x1x125xi32, #tpu.memory_space<hbm>> -> memref<1x125xi32, #tpu.memory_space<hbm>>
      %dma_start3A_122 = arith.constant 0 : i32
      %dma_start3A_123 = arith.constant 0 : i32
      %dma_start3A_124 = tpu.memref_slice %arg9[%dma_start3A_122, %dma_start3A_123] : memref<8x125xi32, #tpu.memory_space<vmem>> -> memref<1x125xi32, #tpu.memory_space<vmem>>
      %dma_start3A_125 = arith.constant 0 : i32
      %dma_start3A_126 = arith.constant 0 : i32
      %dma_start3A_127 = tpu.memref_slice %arg4[%add3A, %add3A_109, %dma_start3A_125, %dma_start3A_126] : memref<32x80x1x125xi32, #tpu.memory_space<hbm>> -> memref<1x1x1x125xi32, #tpu.memory_space<hbm>>
      %dma_start3A_128 = tpu.memref_squeeze %dma_start3A_127 : memref<1x1x1x125xi32, #tpu.memory_space<hbm>> -> memref<1x125xi32, #tpu.memory_space<hbm>>
      tpu.enqueue_dma source(%dma_start3A_128 : memref<1x125xi32, #tpu.memory_space<hbm>>) target(%dma_start3A_124 : memref<1x125xi32, #tpu.memory_space<vmem>>) target_semaphore(%arg14 : memref<!tpu.dma_semaphore, #tpu.memory_space<semaphore_mem>>)
      %dma_start3A_129 = arith.constant 0 : i32
      %dma_start3A_130 = tpu.memref_slice %arg7[%add3A_109, %dma_start3A_129] : memref<80x125xi32, #tpu.memory_space<vmem>> -> memref<1x125xi32, #tpu.memory_space<vmem>>
      %dma_start3A_131 = tpu.memref_squeeze %dma_start3A_130 : memref<1x125xi32, #tpu.memory_space<vmem>> -> memref<125xi32, #tpu.memory_space<vmem>>
      %dma_start3A_132 = arith.constant 0 : i32
      %dma_start3A_133 = arith.constant 0 : i32
      %dma_start3A_134 = tpu.memref_slice %arg2[%dma_start3A_132, %dma_start3A_133] : memref<10000x128xf32, #tpu.memory_space<hbm>> -> memref<10000x128xf32, #tpu.memory_space<hbm>>
      tpu.enqueue_indirect_dma source(%dma_start3A_134 : memref<10000x128xf32, #tpu.memory_space<hbm>>) target(%arg11 : memref<125x128xf32, #tpu.memory_space<vmem>>) offsets(%dma_start3A_131 : memref<125xi32, #tpu.memory_space<vmem>>) semaphore(%arg16 : memref<!tpu.dma_semaphore, #tpu.memory_space<semaphore_mem>>)
      %dma_wait3A_135 = arith.constant 0 : i32
      %dma_wait3A_136 = arith.constant 0 : i32
      %dma_wait3A_137 = tpu.memref_slice %arg9[%dma_wait3A_135, %dma_wait3A_136] : memref<8x125xi32, #tpu.memory_space<vmem>> -> memref<1x125xi32, #tpu.memory_space<vmem>>
      %dma_wait3A_138 = arith.constant 0 : i32
      %dma_wait3A_139 = arith.constant 0 : i32
      %dma_wait3A_140 = tpu.memref_slice %arg4[%add3A, %add3A_109, %dma_wait3A_138, %dma_wait3A_139] : memref<32x80x1x125xi32, #tpu.memory_space<hbm>> -> memref<1x1x1x125xi32, #tpu.memory_space<hbm>>
      %dma_wait3A_141 = tpu.memref_squeeze %dma_wait3A_140 : memref<1x1x1x125xi32, #tpu.memory_space<hbm>> -> memref<1x125xi32, #tpu.memory_space<hbm>>
      %dma_wait3A_142 = arith.constant 0 : i32
      %dma_wait3A_143 = arith.constant 0 : i32
      %dma_wait3A_144 = tpu.memref_slice %arg9[%dma_wait3A_142, %dma_wait3A_143] : memref<8x125xi32, #tpu.memory_space<vmem>> -> memref<1x125xi32, #tpu.memory_space<vmem>>
      %dma_wait3A_145 = arith.constant 0 : i32
      %dma_wait3A_146 = arith.constant 0 : i32
      %dma_wait3A_147 = tpu.memref_slice %arg4[%add3A, %add3A_109, %dma_wait3A_145, %dma_wait3A_146] : memref<32x80x1x125xi32, #tpu.memory_space<hbm>> -> memref<1x1x1x125xi32, #tpu.memory_space<hbm>>
      %dma_wait3A_148 = tpu.memref_squeeze %dma_wait3A_147 : memref<1x1x1x125xi32, #tpu.memory_space<hbm>> -> memref<1x125xi32, #tpu.memory_space<hbm>>
      tpu.wait_dma2 semaphore(%arg14 : memref<!tpu.dma_semaphore, #tpu.memory_space<semaphore_mem>>) src(%dma_wait3A_148 : memref<1x125xi32, #tpu.memory_space<hbm>>) dst(%dma_wait3A_144 : memref<1x125xi32, #tpu.memory_space<vmem>>)
      %dma_wait3A_149 = arith.constant 0 : i32
      %dma_wait3A_150 = tpu.memref_slice %arg7[%add3A_109, %dma_wait3A_149] : memref<80x125xi32, #tpu.memory_space<vmem>> -> memref<1x125xi32, #tpu.memory_space<vmem>>
      %dma_wait3A_151 = tpu.memref_squeeze %dma_wait3A_150 : memref<1x125xi32, #tpu.memory_space<vmem>> -> memref<125xi32, #tpu.memory_space<vmem>>
      %dma_wait3A_152 = arith.constant 0 : i32
      %dma_wait3A_153 = arith.constant 0 : i32
      %dma_wait3A_154 = tpu.memref_slice %arg2[%dma_wait3A_152, %dma_wait3A_153] : memref<10000x128xf32, #tpu.memory_space<hbm>> -> memref<10000x128xf32, #tpu.memory_space<hbm>>
      tpu.wait_indirect_dma semaphore(%arg16 : memref<!tpu.dma_semaphore, #tpu.memory_space<semaphore_mem>>) src(%dma_wait3A_154 : memref<10000x128xf32, #tpu.memory_space<hbm>>) dst(%arg11 : memref<125x128xf32, #tpu.memory_space<vmem>>)
      %dma_start3A_155 = arith.constant 0 : i32
      %dma_start3A_156 = arith.constant 0 : i32
      %dma_start3A_157 = tpu.memref_slice %arg9[%dma_start3A_155, %dma_start3A_156] : memref<8x125xi32, #tpu.memory_space<vmem>> -> memref<1x125xi32, #tpu.memory_space<vmem>>
      %dma_start3A_158 = tpu.memref_squeeze %dma_start3A_157 : memref<1x125xi32, #tpu.memory_space<vmem>> -> memref<125xi32, #tpu.memory_space<vmem>>
      %dma_start3A_159 = arith.constant 0 : i32
      %dma_start3A_160 = arith.constant 0 : i32
      %dma_start3A_161 = tpu.memref_slice %arg12[%dma_start3A_159, %dma_start3A_160] : memref<10000x128xf32, #tpu.memory_space<vmem_shared>> -> memref<10000x128xf32, #tpu.memory_space<vmem_shared>>
      tpu.enqueue_indirect_dma source(%arg11 : memref<125x128xf32, #tpu.memory_space<vmem>>) target(%dma_start3A_161 : memref<10000x128xf32, #tpu.memory_space<vmem_shared>>) offsets(%dma_start3A_158 : memref<125xi32, #tpu.memory_space<vmem>>) semaphore(%arg18 : memref<!tpu.dma_semaphore, #tpu.memory_space<semaphore_mem>>) {add = true}
    }
    %scan3A_27 = arith.constant 40 : i32
    %dma_wait3A = arith.constant 0 : i32
    %dma_wait3A_28 = arith.constant 0 : i32
    %dma_wait3A_29 = tpu.memref_slice %arg8[%dma_wait3A, %dma_wait3A_28] : memref<8x125xi32, #tpu.memory_space<vmem>> -> memref<1x125xi32, #tpu.memory_space<vmem>>
    %dma_wait3A_30 = tpu.memref_squeeze %dma_wait3A_29 : memref<1x125xi32, #tpu.memory_space<vmem>> -> memref<125xi32, #tpu.memory_space<vmem>>
    %dma_wait3A_31 = arith.constant 0 : i32
    %dma_wait3A_32 = arith.constant 0 : i32
    %dma_wait3A_33 = tpu.memref_slice %arg12[%dma_wait3A_31, %dma_wait3A_32] : memref<10000x128xf32, #tpu.memory_space<vmem_shared>> -> memref<10000x128xf32, #tpu.memory_space<vmem_shared>>
    tpu.wait_indirect_dma semaphore(%arg17 : memref<!tpu.dma_semaphore, #tpu.memory_space<semaphore_mem>>) src(%arg10 : memref<125x128xf32, #tpu.memory_space<vmem>>) dst(%dma_wait3A_33 : memref<10000x128xf32, #tpu.memory_space<vmem_shared>>)
    %dma_wait3A_34 = arith.constant 0 : i32
    %dma_wait3A_35 = arith.constant 0 : i32
    %dma_wait3A_36 = tpu.memref_slice %arg9[%dma_wait3A_34, %dma_wait3A_35] : memref<8x125xi32, #tpu.memory_space<vmem>> -> memref<1x125xi32, #tpu.memory_space<vmem>>
    %dma_wait3A_37 = tpu.memref_squeeze %dma_wait3A_36 : memref<1x125xi32, #tpu.memory_space<vmem>> -> memref<125xi32, #tpu.memory_space<vmem>>
    %dma_wait3A_38 = arith.constant 0 : i32
    %dma_wait3A_39 = arith.constant 0 : i32
    %dma_wait3A_40 = tpu.memref_slice %arg12[%dma_wait3A_38, %dma_wait3A_39] : memref<10000x128xf32, #tpu.memory_space<vmem_shared>> -> memref<10000x128xf32, #tpu.memory_space<vmem_shared>>
    tpu.wait_indirect_dma semaphore(%arg18 : memref<!tpu.dma_semaphore, #tpu.memory_space<semaphore_mem>>) src(%arg11 : memref<125x128xf32, #tpu.memory_space<vmem>>) dst(%dma_wait3A_40 : memref<10000x128xf32, #tpu.memory_space<vmem_shared>>)
    %barrier3A_41 = arith.constant 0 : index
    tpu.barrier barrier_id(%barrier3A_41)
    %mul3A_42 = arith.constant 624 : i32
    %mul3A_43 = arith.muli %arg1, %mul3A_42 : i32
    %mul3A_44 = arith.constant 624 : i32
    %mul3A_45 = arith.muli %arg1, %mul3A_44 : i32
    "tpu.region"() ({
      %run_scoped3A = tpu.sem_alloc : memref<!tpu.dma_semaphore, #tpu.memory_space<semaphore_mem>>
      %dma_start3A = arith.constant 0 : i32
      %dma_start3A_51 = tpu.memref_slice %arg6[%arg0, %mul3A_45, %dma_start3A] : memref<2x10000x128xf32, #tpu.memory_space<hbm>> -> memref<1x624x128xf32, #tpu.memory_space<hbm>>
      %dma_start3A_52 = tpu.memref_squeeze %dma_start3A_51 : memref<1x624x128xf32, #tpu.memory_space<hbm>> -> memref<624x128xf32, #tpu.memory_space<hbm>>
      %dma_start3A_53 = arith.constant 0 : i32
      %dma_start3A_54 = tpu.memref_slice %arg12[%mul3A_43, %dma_start3A_53] : memref<10000x128xf32, #tpu.memory_space<vmem_shared>> -> memref<624x128xf32, #tpu.memory_space<vmem_shared>>
      tpu.enqueue_dma source(%dma_start3A_54 : memref<624x128xf32, #tpu.memory_space<vmem_shared>>) target(%dma_start3A_52 : memref<624x128xf32, #tpu.memory_space<hbm>>) target_semaphore(%run_scoped3A : memref<!tpu.dma_semaphore, #tpu.memory_space<semaphore_mem>>)
      %dma_wait3A_55 = arith.constant 0 : i32
      %dma_wait3A_56 = tpu.memref_slice %arg6[%arg0, %mul3A_45, %dma_wait3A_55] : memref<2x10000x128xf32, #tpu.memory_space<hbm>> -> memref<1x624x128xf32, #tpu.memory_space<hbm>>
      %dma_wait3A_57 = tpu.memref_squeeze %dma_wait3A_56 : memref<1x624x128xf32, #tpu.memory_space<hbm>> -> memref<624x128xf32, #tpu.memory_space<hbm>>
      %dma_wait3A_58 = arith.constant 0 : i32
      %dma_wait3A_59 = tpu.memref_slice %arg12[%mul3A_43, %dma_wait3A_58] : memref<10000x128xf32, #tpu.memory_space<vmem_shared>> -> memref<624x128xf32, #tpu.memory_space<vmem_shared>>
      tpu.wait_dma2 semaphore(%run_scoped3A : memref<!tpu.dma_semaphore, #tpu.memory_space<semaphore_mem>>) src(%dma_wait3A_59 : memref<624x128xf32, #tpu.memory_space<vmem_shared>>) dst(%dma_wait3A_57 : memref<624x128xf32, #tpu.memory_space<hbm>>)
      tpu.yield
    }) : () -> ()
    %eq3A_46 = arith.constant 0 : i32
    %eq3A_47 = arith.cmpi eq, %arg1, %eq3A_46 : i32
    %convert_element_type3A_48 = arith.extui %eq3A_47 : i1 to i32
    %cond3A_49 = arith.constant 0 : i32
    %cond3A_50 = arith.cmpi ne, %convert_element_type3A_48, %cond3A_49 : i32
    scf.if %cond3A_50 {
      "tpu.region"() ({
        %run_scoped3A = tpu.sem_alloc : memref<!tpu.dma_semaphore, #tpu.memory_space<semaphore_mem>>
        %dma_start3A = arith.constant 9984 : i32
        %dma_start3A_51 = arith.constant 0 : i32
        %dma_start3A_52 = tpu.memref_slice %arg6[%arg0, %dma_start3A, %dma_start3A_51] : memref<2x10000x128xf32, #tpu.memory_space<hbm>> -> memref<1x16x128xf32, #tpu.memory_space<hbm>>
        %dma_start3A_53 = tpu.memref_squeeze %dma_start3A_52 : memref<1x16x128xf32, #tpu.memory_space<hbm>> -> memref<16x128xf32, #tpu.memory_space<hbm>>
        %dma_start3A_54 = arith.constant 9984 : i32
        %dma_start3A_55 = arith.constant 0 : i32
        %dma_start3A_56 = tpu.memref_slice %arg12[%dma_start3A_54, %dma_start3A_55] : memref<10000x128xf32, #tpu.memory_space<vmem_shared>> -> memref<16x128xf32, #tpu.memory_space<vmem_shared>>
        tpu.enqueue_dma source(%dma_start3A_56 : memref<16x128xf32, #tpu.memory_space<vmem_shared>>) target(%dma_start3A_53 : memref<16x128xf32, #tpu.memory_space<hbm>>) target_semaphore(%run_scoped3A : memref<!tpu.dma_semaphore, #tpu.memory_space<semaphore_mem>>)
        %dma_wait3A_57 = arith.constant 9984 : i32
        %dma_wait3A_58 = arith.constant 0 : i32
        %dma_wait3A_59 = tpu.memref_slice %arg6[%arg0, %dma_wait3A_57, %dma_wait3A_58] : memref<2x10000x128xf32, #tpu.memory_space<hbm>> -> memref<1x16x128xf32, #tpu.memory_space<hbm>>
        %dma_wait3A_60 = tpu.memref_squeeze %dma_wait3A_59 : memref<1x16x128xf32, #tpu.memory_space<hbm>> -> memref<16x128xf32, #tpu.memory_space<hbm>>
        %dma_wait3A_61 = arith.constant 9984 : i32
        %dma_wait3A_62 = arith.constant 0 : i32
        %dma_wait3A_63 = tpu.memref_slice %arg12[%dma_wait3A_61, %dma_wait3A_62] : memref<10000x128xf32, #tpu.memory_space<vmem_shared>> -> memref<16x128xf32, #tpu.memory_space<vmem_shared>>
        tpu.wait_dma2 semaphore(%run_scoped3A : memref<!tpu.dma_semaphore, #tpu.memory_space<semaphore_mem>>) src(%dma_wait3A_63 : memref<16x128xf32, #tpu.memory_space<vmem_shared>>) dst(%dma_wait3A_60 : memref<16x128xf32, #tpu.memory_space<hbm>>)
        tpu.yield
      }) : () -> ()
    } else {
    }
    return
  }
}

#map = affine_map<(d0, d1) -> (0, 0)>
#map1 = affine_map<(d0, d1) -> (0, 0, 0)>
#map2 = affine_map<(d0, d1) -> (0, 0, 0, 0)>
module attributes {stable_mosaic.version = 14 : i64} {
  func.func @agg_kernel(%arg0: i32, %arg1: i32, %arg2: memref<10000x128xf32, #tpu.memory_space<hbm>>, %arg3: memref<32x80x125xi32, #tpu.memory_space<hbm>>, %arg4: memref<32x80x1x125xi32, #tpu.memory_space<hbm>>, %arg5: memref<10000x128xf32, #tpu.memory_space<hbm>>, %arg6: memref<2x10000x128xf32, #tpu.memory_space<hbm>>, %arg7: memref<80x125xi32, #tpu.memory_space<vmem>>, %arg8: memref<8x125xi32, #tpu.memory_space<vmem>>, %arg9: memref<8x125xi32, #tpu.memory_space<vmem>>, %arg10: memref<125x128xf32, #tpu.memory_space<vmem>>, %arg11: memref<125x128xf32, #tpu.memory_space<vmem>>, %arg12: memref<10000x128xf32, #tpu.memory_space<vmem_shared>>, %arg13: memref<!tpu.dma_semaphore, #tpu.memory_space<semaphore_mem>>, %arg14: memref<!tpu.dma_semaphore, #tpu.memory_space<semaphore_mem>>, %arg15: memref<!tpu.dma_semaphore, #tpu.memory_space<semaphore_mem>>, %arg16: memref<!tpu.dma_semaphore, #tpu.memory_space<semaphore_mem>>, %arg17: memref<!tpu.dma_semaphore, #tpu.memory_space<semaphore_mem>>, %arg18: memref<!tpu.dma_semaphore, #tpu.memory_space<semaphore_mem>>) attributes {dimension_semantics = [#tpu.dimension_semantics<core_parallel>, #tpu.dimension_semantics<subcore_parallel>], iteration_bounds = array<i64: 2, 16>, scalar_prefetch = 0 : i64, scratch_operands = 12 : i64, tpu.core_type = #tpu.core_type<sc_vector_subcore>, window_params = [{transform_indices = #map}, {transform_indices = #map1}, {transform_indices = #map2}, {transform_indices = #map}, {transform_indices = #map1}]} {
    %mul3A = arith.constant 16 : i32
    %mul3A_0 = arith.muli %arg0, %mul3A : i32
    %add3A = arith.addi %mul3A_0, %arg1 : i32
    "tpu.region"() ({
      %run_scoped3A = tpu.sem_alloc : memref<!tpu.dma_semaphore, #tpu.memory_space<semaphore_mem>>
      %dma_start3A = arith.constant 0 : i32
      %dma_start3A_51 = arith.constant 0 : i32
      %dma_start3A_52 = tpu.memref_slice %arg3[%add3A, %dma_start3A, %dma_start3A_51] : memref<32x80x125xi32, #tpu.memory_space<hbm>> -> memref<1x80x125xi32, #tpu.memory_space<hbm>>
      %dma_start3A_53 = tpu.memref_squeeze %dma_start3A_52 : memref<1x80x125xi32, #tpu.memory_space<hbm>> -> memref<80x125xi32, #tpu.memory_space<hbm>>
      %dma_start3A_54 = arith.constant 0 : i32
      %dma_start3A_55 = arith.constant 0 : i32
      %dma_start3A_56 = tpu.memref_slice %arg3[%add3A, %dma_start3A_54, %dma_start3A_55] : memref<32x80x125xi32, #tpu.memory_space<hbm>> -> memref<1x80x125xi32, #tpu.memory_space<hbm>>
      %dma_start3A_57 = tpu.memref_squeeze %dma_start3A_56 : memref<1x80x125xi32, #tpu.memory_space<hbm>> -> memref<80x125xi32, #tpu.memory_space<hbm>>
      tpu.enqueue_dma source(%dma_start3A_57 : memref<80x125xi32, #tpu.memory_space<hbm>>) target(%arg7 : memref<80x125xi32, #tpu.memory_space<vmem>>) target_semaphore(%run_scoped3A : memref<!tpu.dma_semaphore, #tpu.memory_space<semaphore_mem>>)
      %dma_wait3A_58 = arith.constant 0 : i32
      %dma_wait3A_59 = arith.constant 0 : i32
      %dma_wait3A_60 = tpu.memref_slice %arg3[%add3A, %dma_wait3A_58, %dma_wait3A_59] : memref<32x80x125xi32, #tpu.memory_space<hbm>> -> memref<1x80x125xi32, #tpu.memory_space<hbm>>
      %dma_wait3A_61 = tpu.memref_squeeze %dma_wait3A_60 : memref<1x80x125xi32, #tpu.memory_space<hbm>> -> memref<80x125xi32, #tpu.memory_space<hbm>>
      %dma_wait3A_62 = arith.constant 0 : i32
      %dma_wait3A_63 = arith.constant 0 : i32
      %dma_wait3A_64 = tpu.memref_slice %arg3[%add3A, %dma_wait3A_62, %dma_wait3A_63] : memref<32x80x125xi32, #tpu.memory_space<hbm>> -> memref<1x80x125xi32, #tpu.memory_space<hbm>>
      %dma_wait3A_65 = tpu.memref_squeeze %dma_wait3A_64 : memref<1x80x125xi32, #tpu.memory_space<hbm>> -> memref<80x125xi32, #tpu.memory_space<hbm>>
      tpu.wait_dma2 semaphore(%run_scoped3A : memref<!tpu.dma_semaphore, #tpu.memory_space<semaphore_mem>>) src(%dma_wait3A_65 : memref<80x125xi32, #tpu.memory_space<hbm>>) dst(%arg7 : memref<80x125xi32, #tpu.memory_space<vmem>>)
      tpu.yield
    }) : () -> ()
    %eq3A = arith.constant 0 : i32
    %eq3A_1 = arith.cmpi eq, %arg0, %eq3A : i32
    %convert_element_type3A = arith.extui %eq3A_1 : i1 to i32
    %cond3A = arith.constant 0 : i32
    %cond3A_2 = arith.cmpi ne, %convert_element_type3A, %cond3A : i32
    scf.if %cond3A_2 {
      %mul3A_51 = arith.constant 624 : i32
      %mul3A_52 = arith.muli %arg1, %mul3A_51 : i32
      %mul3A_53 = arith.constant 624 : i32
      %mul3A_54 = arith.muli %arg1, %mul3A_53 : i32
      "tpu.region"() ({
        %run_scoped3A = tpu.sem_alloc : memref<!tpu.dma_semaphore, #tpu.memory_space<semaphore_mem>>
        %dma_start3A = arith.constant 0 : i32
        %dma_start3A_55 = tpu.memref_slice %arg12[%mul3A_54, %dma_start3A] : memref<10000x128xf32, #tpu.memory_space<vmem_shared>> -> memref<624x128xf32, #tpu.memory_space<vmem_shared>>
        %dma_start3A_56 = arith.constant 0 : i32
        %dma_start3A_57 = tpu.memref_slice %arg2[%mul3A_52, %dma_start3A_56] : memref<10000x128xf32, #tpu.memory_space<hbm>> -> memref<624x128xf32, #tpu.memory_space<hbm>>
        tpu.enqueue_dma source(%dma_start3A_57 : memref<624x128xf32, #tpu.memory_space<hbm>>) target(%dma_start3A_55 : memref<624x128xf32, #tpu.memory_space<vmem_shared>>) target_semaphore(%run_scoped3A : memref<!tpu.dma_semaphore, #tpu.memory_space<semaphore_mem>>)
        %dma_wait3A_58 = arith.constant 0 : i32
        %dma_wait3A_59 = tpu.memref_slice %arg12[%mul3A_54, %dma_wait3A_58] : memref<10000x128xf32, #tpu.memory_space<vmem_shared>> -> memref<624x128xf32, #tpu.memory_space<vmem_shared>>
        %dma_wait3A_60 = arith.constant 0 : i32
        %dma_wait3A_61 = tpu.memref_slice %arg2[%mul3A_52, %dma_wait3A_60] : memref<10000x128xf32, #tpu.memory_space<hbm>> -> memref<624x128xf32, #tpu.memory_space<hbm>>
        tpu.wait_dma2 semaphore(%run_scoped3A : memref<!tpu.dma_semaphore, #tpu.memory_space<semaphore_mem>>) src(%dma_wait3A_61 : memref<624x128xf32, #tpu.memory_space<hbm>>) dst(%dma_wait3A_59 : memref<624x128xf32, #tpu.memory_space<vmem_shared>>)
        tpu.yield
      }) : () -> ()
    } else {
    }
    %eq3A_3 = arith.constant 1 : i32
    %eq3A_4 = arith.cmpi eq, %arg0, %eq3A_3 : i32
    %convert_element_type3A_5 = arith.extui %eq3A_4 : i1 to i32
    %cond3A_6 = arith.constant 0 : i32
    %cond3A_7 = arith.cmpi ne, %convert_element_type3A_5, %cond3A_6 : i32
    scf.if %cond3A_7 {
      %mul3A_51 = arith.constant 624 : i32
      %mul3A_52 = arith.muli %arg1, %mul3A_51 : i32
      %mul3A_53 = arith.constant 624 : i32
      %mul3A_54 = arith.muli %arg1, %mul3A_53 : i32
      "tpu.region"() ({
        %run_scoped3A = tpu.sem_alloc : memref<!tpu.dma_semaphore, #tpu.memory_space<semaphore_mem>>
        %dma_start3A = arith.constant 0 : i32
        %dma_start3A_55 = tpu.memref_slice %arg12[%mul3A_54, %dma_start3A] : memref<10000x128xf32, #tpu.memory_space<vmem_shared>> -> memref<624x128xf32, #tpu.memory_space<vmem_shared>>
        %dma_start3A_56 = arith.constant 0 : i32
        %dma_start3A_57 = tpu.memref_slice %arg5[%mul3A_52, %dma_start3A_56] : memref<10000x128xf32, #tpu.memory_space<hbm>> -> memref<624x128xf32, #tpu.memory_space<hbm>>
        tpu.enqueue_dma source(%dma_start3A_57 : memref<624x128xf32, #tpu.memory_space<hbm>>) target(%dma_start3A_55 : memref<624x128xf32, #tpu.memory_space<vmem_shared>>) target_semaphore(%run_scoped3A : memref<!tpu.dma_semaphore, #tpu.memory_space<semaphore_mem>>)
        %dma_wait3A_58 = arith.constant 0 : i32
        %dma_wait3A_59 = tpu.memref_slice %arg12[%mul3A_54, %dma_wait3A_58] : memref<10000x128xf32, #tpu.memory_space<vmem_shared>> -> memref<624x128xf32, #tpu.memory_space<vmem_shared>>
        %dma_wait3A_60 = arith.constant 0 : i32
        %dma_wait3A_61 = tpu.memref_slice %arg5[%mul3A_52, %dma_wait3A_60] : memref<10000x128xf32, #tpu.memory_space<hbm>> -> memref<624x128xf32, #tpu.memory_space<hbm>>
        tpu.wait_dma2 semaphore(%run_scoped3A : memref<!tpu.dma_semaphore, #tpu.memory_space<semaphore_mem>>) src(%dma_wait3A_61 : memref<624x128xf32, #tpu.memory_space<hbm>>) dst(%dma_wait3A_59 : memref<624x128xf32, #tpu.memory_space<vmem_shared>>)
        tpu.yield
      }) : () -> ()
    } else {
    }
    %eq3A_8 = arith.constant 0 : i32
    %eq3A_9 = arith.cmpi eq, %arg1, %eq3A_8 : i32
    %eq3A_10 = arith.constant 0 : i32
    %eq3A_11 = arith.cmpi eq, %arg0, %eq3A_10 : i32
    %and3A = arith.andi %eq3A_9, %eq3A_11 : i1
    %convert_element_type3A_12 = arith.extui %and3A : i1 to i32
    %cond3A_13 = arith.constant 0 : i32
    %cond3A_14 = arith.cmpi ne, %convert_element_type3A_12, %cond3A_13 : i32
    scf.if %cond3A_14 {
      "tpu.region"() ({
        %run_scoped3A = tpu.sem_alloc : memref<!tpu.dma_semaphore, #tpu.memory_space<semaphore_mem>>
        %dma_start3A = arith.constant 9984 : i32
        %dma_start3A_51 = arith.constant 0 : i32
        %dma_start3A_52 = tpu.memref_slice %arg12[%dma_start3A, %dma_start3A_51] : memref<10000x128xf32, #tpu.memory_space<vmem_shared>> -> memref<16x128xf32, #tpu.memory_space<vmem_shared>>
        %dma_start3A_53 = arith.constant 9984 : i32
        %dma_start3A_54 = arith.constant 0 : i32
        %dma_start3A_55 = tpu.memref_slice %arg2[%dma_start3A_53, %dma_start3A_54] : memref<10000x128xf32, #tpu.memory_space<hbm>> -> memref<16x128xf32, #tpu.memory_space<hbm>>
        tpu.enqueue_dma source(%dma_start3A_55 : memref<16x128xf32, #tpu.memory_space<hbm>>) target(%dma_start3A_52 : memref<16x128xf32, #tpu.memory_space<vmem_shared>>) target_semaphore(%run_scoped3A : memref<!tpu.dma_semaphore, #tpu.memory_space<semaphore_mem>>)
        %dma_wait3A_56 = arith.constant 9984 : i32
        %dma_wait3A_57 = arith.constant 0 : i32
        %dma_wait3A_58 = tpu.memref_slice %arg12[%dma_wait3A_56, %dma_wait3A_57] : memref<10000x128xf32, #tpu.memory_space<vmem_shared>> -> memref<16x128xf32, #tpu.memory_space<vmem_shared>>
        %dma_wait3A_59 = arith.constant 9984 : i32
        %dma_wait3A_60 = arith.constant 0 : i32
        %dma_wait3A_61 = tpu.memref_slice %arg2[%dma_wait3A_59, %dma_wait3A_60] : memref<10000x128xf32, #tpu.memory_space<hbm>> -> memref<16x128xf32, #tpu.memory_space<hbm>>
        tpu.wait_dma2 semaphore(%run_scoped3A : memref<!tpu.dma_semaphore, #tpu.memory_space<semaphore_mem>>) src(%dma_wait3A_61 : memref<16x128xf32, #tpu.memory_space<hbm>>) dst(%dma_wait3A_58 : memref<16x128xf32, #tpu.memory_space<vmem_shared>>)
        tpu.yield
      }) : () -> ()
    } else {
    }
    %eq3A_15 = arith.constant 0 : i32
    %eq3A_16 = arith.cmpi eq, %arg1, %eq3A_15 : i32
    %eq3A_17 = arith.constant 1 : i32
    %eq3A_18 = arith.cmpi eq, %arg0, %eq3A_17 : i32
    %and3A_19 = arith.andi %eq3A_16, %eq3A_18 : i1
    %convert_element_type3A_20 = arith.extui %and3A_19 : i1 to i32
    %cond3A_21 = arith.constant 0 : i32
    %cond3A_22 = arith.cmpi ne, %convert_element_type3A_20, %cond3A_21 : i32
    scf.if %cond3A_22 {
      "tpu.region"() ({
        %run_scoped3A = tpu.sem_alloc : memref<!tpu.dma_semaphore, #tpu.memory_space<semaphore_mem>>
        %dma_start3A = arith.constant 9984 : i32
        %dma_start3A_51 = arith.constant 0 : i32
        %dma_start3A_52 = tpu.memref_slice %arg12[%dma_start3A, %dma_start3A_51] : memref<10000x128xf32, #tpu.memory_space<vmem_shared>> -> memref<16x128xf32, #tpu.memory_space<vmem_shared>>
        %dma_start3A_53 = arith.constant 9984 : i32
        %dma_start3A_54 = arith.constant 0 : i32
        %dma_start3A_55 = tpu.memref_slice %arg5[%dma_start3A_53, %dma_start3A_54] : memref<10000x128xf32, #tpu.memory_space<hbm>> -> memref<16x128xf32, #tpu.memory_space<hbm>>
        tpu.enqueue_dma source(%dma_start3A_55 : memref<16x128xf32, #tpu.memory_space<hbm>>) target(%dma_start3A_52 : memref<16x128xf32, #tpu.memory_space<vmem_shared>>) target_semaphore(%run_scoped3A : memref<!tpu.dma_semaphore, #tpu.memory_space<semaphore_mem>>)
        %dma_wait3A_56 = arith.constant 9984 : i32
        %dma_wait3A_57 = arith.constant 0 : i32
        %dma_wait3A_58 = tpu.memref_slice %arg12[%dma_wait3A_56, %dma_wait3A_57] : memref<10000x128xf32, #tpu.memory_space<vmem_shared>> -> memref<16x128xf32, #tpu.memory_space<vmem_shared>>
        %dma_wait3A_59 = arith.constant 9984 : i32
        %dma_wait3A_60 = arith.constant 0 : i32
        %dma_wait3A_61 = tpu.memref_slice %arg5[%dma_wait3A_59, %dma_wait3A_60] : memref<10000x128xf32, #tpu.memory_space<hbm>> -> memref<16x128xf32, #tpu.memory_space<hbm>>
        tpu.wait_dma2 semaphore(%run_scoped3A : memref<!tpu.dma_semaphore, #tpu.memory_space<semaphore_mem>>) src(%dma_wait3A_61 : memref<16x128xf32, #tpu.memory_space<hbm>>) dst(%dma_wait3A_58 : memref<16x128xf32, #tpu.memory_space<vmem_shared>>)
        tpu.yield
      }) : () -> ()
    } else {
    }
    %barrier3A = arith.constant 0 : index
    tpu.barrier barrier_id(%barrier3A)
    %scan3A = arith.constant 0 : i32
    %scan3A_23 = arith.constant 0 : i32
    %scan3A_24 = arith.constant 40 : i32
    %scan3A_25 = arith.addi %scan3A_23, %scan3A_24 : i32
    %scan3A_26 = arith.constant 1 : i32
    scf.for %scan3A_51 = %scan3A_23 to %scan3A_25 step %scan3A_26  : i32 {
      %mul3A_52 = arith.constant 2 : i32
      %mul3A_53 = arith.muli %mul3A_52, %scan3A_51 : i32
      %add3A_54 = arith.constant 0 : i32
      %add3A_55 = arith.addi %mul3A_53, %add3A_54 : i32
      %ge3A = arith.constant 2 : i32
      %ge3A_56 = arith.cmpi sge, %add3A_55, %ge3A : i32
      %convert_element_type3A_57 = arith.extui %ge3A_56 : i1 to i32
      %cond3A_58 = arith.constant 0 : i32
      %cond3A_59 = arith.cmpi ne, %convert_element_type3A_57, %cond3A_58 : i32
      scf.if %cond3A_59 {
        %dma_wait3A_162 = arith.constant 0 : i32
        %dma_wait3A_163 = arith.constant 0 : i32
        %dma_wait3A_164 = tpu.memref_slice %arg8[%dma_wait3A_162, %dma_wait3A_163] : memref<8x125xi32, #tpu.memory_space<vmem>> -> memref<1x125xi32, #tpu.memory_space<vmem>>
        %dma_wait3A_165 = tpu.memref_squeeze %dma_wait3A_164 : memref<1x125xi32, #tpu.memory_space<vmem>> -> memref<125xi32, #tpu.memory_space<vmem>>
        %dma_wait3A_166 = arith.constant 0 : i32
        %dma_wait3A_167 = arith.constant 0 : i32
        %dma_wait3A_168 = tpu.memref_slice %arg12[%dma_wait3A_166, %dma_wait3A_167] : memref<10000x128xf32, #tpu.memory_space<vmem_shared>> -> memref<10000x128xf32, #tpu.memory_space<vmem_shared>>
        tpu.wait_indirect_dma semaphore(%arg17 : memref<!tpu.dma_semaphore, #tpu.memory_space<semaphore_mem>>) src(%arg10 : memref<125x128xf32, #tpu.memory_space<vmem>>) dst(%dma_wait3A_168 : memref<10000x128xf32, #tpu.memory_space<vmem_shared>>)
      } else {
      }
      %dma_start3A = arith.constant 0 : i32
      %dma_start3A_60 = arith.constant 0 : i32
      %dma_start3A_61 = tpu.memref_slice %arg8[%dma_start3A, %dma_start3A_60] : memref<8x125xi32, #tpu.memory_space<vmem>> -> memref<1x125xi32, #tpu.memory_space<vmem>>
      %dma_start3A_62 = arith.constant 0 : i32
      %dma_start3A_63 = arith.constant 0 : i32
      %dma_start3A_64 = tpu.memref_slice %arg4[%add3A, %add3A_55, %dma_start3A_62, %dma_start3A_63] : memref<32x80x1x125xi32, #tpu.memory_space<hbm>> -> memref<1x1x1x125xi32, #tpu.memory_space<hbm>>
      %dma_start3A_65 = tpu.memref_squeeze %dma_start3A_64 : memref<1x1x1x125xi32, #tpu.memory_space<hbm>> -> memref<1x125xi32, #tpu.memory_space<hbm>>
      %dma_start3A_66 = arith.constant 0 : i32
      %dma_start3A_67 = arith.constant 0 : i32
      %dma_start3A_68 = tpu.memref_slice %arg8[%dma_start3A_66, %dma_start3A_67] : memref<8x125xi32, #tpu.memory_space<vmem>> -> memref<1x125xi32, #tpu.memory_space<vmem>>
      %dma_start3A_69 = arith.constant 0 : i32
      %dma_start3A_70 = arith.constant 0 : i32
      %dma_start3A_71 = tpu.memref_slice %arg4[%add3A, %add3A_55, %dma_start3A_69, %dma_start3A_70] : memref<32x80x1x125xi32, #tpu.memory_space<hbm>> -> memref<1x1x1x125xi32, #tpu.memory_space<hbm>>
      %dma_start3A_72 = tpu.memref_squeeze %dma_start3A_71 : memref<1x1x1x125xi32, #tpu.memory_space<hbm>> -> memref<1x125xi32, #tpu.memory_space<hbm>>
      tpu.enqueue_dma source(%dma_start3A_72 : memref<1x125xi32, #tpu.memory_space<hbm>>) target(%dma_start3A_68 : memref<1x125xi32, #tpu.memory_space<vmem>>) target_semaphore(%arg13 : memref<!tpu.dma_semaphore, #tpu.memory_space<semaphore_mem>>)
      %dma_start3A_73 = arith.constant 0 : i32
      %dma_start3A_74 = tpu.memref_slice %arg7[%add3A_55, %dma_start3A_73] : memref<80x125xi32, #tpu.memory_space<vmem>> -> memref<1x125xi32, #tpu.memory_space<vmem>>
      %dma_start3A_75 = tpu.memref_squeeze %dma_start3A_74 : memref<1x125xi32, #tpu.memory_space<vmem>> -> memref<125xi32, #tpu.memory_space<vmem>>
      %dma_start3A_76 = arith.constant 0 : i32
      %dma_start3A_77 = arith.constant 0 : i32
      %dma_start3A_78 = tpu.memref_slice %arg2[%dma_start3A_76, %dma_start3A_77] : memref<10000x128xf32, #tpu.memory_space<hbm>> -> memref<10000x128xf32, #tpu.memory_space<hbm>>
      tpu.enqueue_indirect_dma source(%dma_start3A_78 : memref<10000x128xf32, #tpu.memory_space<hbm>>) target(%arg10 : memref<125x128xf32, #tpu.memory_space<vmem>>) offsets(%dma_start3A_75 : memref<125xi32, #tpu.memory_space<vmem>>) semaphore(%arg15 : memref<!tpu.dma_semaphore, #tpu.memory_space<semaphore_mem>>)
      %dma_wait3A_79 = arith.constant 0 : i32
      %dma_wait3A_80 = arith.constant 0 : i32
      %dma_wait3A_81 = tpu.memref_slice %arg8[%dma_wait3A_79, %dma_wait3A_80] : memref<8x125xi32, #tpu.memory_space<vmem>> -> memref<1x125xi32, #tpu.memory_space<vmem>>
      %dma_wait3A_82 = arith.constant 0 : i32
      %dma_wait3A_83 = arith.constant 0 : i32
      %dma_wait3A_84 = tpu.memref_slice %arg4[%add3A, %add3A_55, %dma_wait3A_82, %dma_wait3A_83] : memref<32x80x1x125xi32, #tpu.memory_space<hbm>> -> memref<1x1x1x125xi32, #tpu.memory_space<hbm>>
      %dma_wait3A_85 = tpu.memref_squeeze %dma_wait3A_84 : memref<1x1x1x125xi32, #tpu.memory_space<hbm>> -> memref<1x125xi32, #tpu.memory_space<hbm>>
      %dma_wait3A_86 = arith.constant 0 : i32
      %dma_wait3A_87 = arith.constant 0 : i32
      %dma_wait3A_88 = tpu.memref_slice %arg8[%dma_wait3A_86, %dma_wait3A_87] : memref<8x125xi32, #tpu.memory_space<vmem>> -> memref<1x125xi32, #tpu.memory_space<vmem>>
      %dma_wait3A_89 = arith.constant 0 : i32
      %dma_wait3A_90 = arith.constant 0 : i32
      %dma_wait3A_91 = tpu.memref_slice %arg4[%add3A, %add3A_55, %dma_wait3A_89, %dma_wait3A_90] : memref<32x80x1x125xi32, #tpu.memory_space<hbm>> -> memref<1x1x1x125xi32, #tpu.memory_space<hbm>>
      %dma_wait3A_92 = tpu.memref_squeeze %dma_wait3A_91 : memref<1x1x1x125xi32, #tpu.memory_space<hbm>> -> memref<1x125xi32, #tpu.memory_space<hbm>>
      tpu.wait_dma2 semaphore(%arg13 : memref<!tpu.dma_semaphore, #tpu.memory_space<semaphore_mem>>) src(%dma_wait3A_92 : memref<1x125xi32, #tpu.memory_space<hbm>>) dst(%dma_wait3A_88 : memref<1x125xi32, #tpu.memory_space<vmem>>)
      %dma_wait3A_93 = arith.constant 0 : i32
      %dma_wait3A_94 = tpu.memref_slice %arg7[%add3A_55, %dma_wait3A_93] : memref<80x125xi32, #tpu.memory_space<vmem>> -> memref<1x125xi32, #tpu.memory_space<vmem>>
      %dma_wait3A_95 = tpu.memref_squeeze %dma_wait3A_94 : memref<1x125xi32, #tpu.memory_space<vmem>> -> memref<125xi32, #tpu.memory_space<vmem>>
      %dma_wait3A_96 = arith.constant 0 : i32
      %dma_wait3A_97 = arith.constant 0 : i32
      %dma_wait3A_98 = tpu.memref_slice %arg2[%dma_wait3A_96, %dma_wait3A_97] : memref<10000x128xf32, #tpu.memory_space<hbm>> -> memref<10000x128xf32, #tpu.memory_space<hbm>>
      tpu.wait_indirect_dma semaphore(%arg15 : memref<!tpu.dma_semaphore, #tpu.memory_space<semaphore_mem>>) src(%dma_wait3A_98 : memref<10000x128xf32, #tpu.memory_space<hbm>>) dst(%arg10 : memref<125x128xf32, #tpu.memory_space<vmem>>)
      %dma_start3A_99 = arith.constant 0 : i32
      %dma_start3A_100 = arith.constant 0 : i32
      %dma_start3A_101 = tpu.memref_slice %arg8[%dma_start3A_99, %dma_start3A_100] : memref<8x125xi32, #tpu.memory_space<vmem>> -> memref<1x125xi32, #tpu.memory_space<vmem>>
      %dma_start3A_102 = tpu.memref_squeeze %dma_start3A_101 : memref<1x125xi32, #tpu.memory_space<vmem>> -> memref<125xi32, #tpu.memory_space<vmem>>
      %dma_start3A_103 = arith.constant 0 : i32
      %dma_start3A_104 = arith.constant 0 : i32
      %dma_start3A_105 = tpu.memref_slice %arg12[%dma_start3A_103, %dma_start3A_104] : memref<10000x128xf32, #tpu.memory_space<vmem_shared>> -> memref<10000x128xf32, #tpu.memory_space<vmem_shared>>
      tpu.enqueue_indirect_dma source(%arg10 : memref<125x128xf32, #tpu.memory_space<vmem>>) target(%dma_start3A_105 : memref<10000x128xf32, #tpu.memory_space<vmem_shared>>) offsets(%dma_start3A_102 : memref<125xi32, #tpu.memory_space<vmem>>) semaphore(%arg17 : memref<!tpu.dma_semaphore, #tpu.memory_space<semaphore_mem>>) {add = true}
      %mul3A_106 = arith.constant 2 : i32
      %mul3A_107 = arith.muli %mul3A_106, %scan3A_51 : i32
      %add3A_108 = arith.constant 1 : i32
      %add3A_109 = arith.addi %mul3A_107, %add3A_108 : i32
      %ge3A_110 = arith.constant 2 : i32
      %ge3A_111 = arith.cmpi sge, %add3A_109, %ge3A_110 : i32
      %convert_element_type3A_112 = arith.extui %ge3A_111 : i1 to i32
      %cond3A_113 = arith.constant 0 : i32
      %cond3A_114 = arith.cmpi ne, %convert_element_type3A_112, %cond3A_113 : i32
      scf.if %cond3A_114 {
        %dma_wait3A_162 = arith.constant 0 : i32
        %dma_wait3A_163 = arith.constant 0 : i32
        %dma_wait3A_164 = tpu.memref_slice %arg9[%dma_wait3A_162, %dma_wait3A_163] : memref<8x125xi32, #tpu.memory_space<vmem>> -> memref<1x125xi32, #tpu.memory_space<vmem>>
        %dma_wait3A_165 = tpu.memref_squeeze %dma_wait3A_164 : memref<1x125xi32, #tpu.memory_space<vmem>> -> memref<125xi32, #tpu.memory_space<vmem>>
        %dma_wait3A_166 = arith.constant 0 : i32
        %dma_wait3A_167 = arith.constant 0 : i32
        %dma_wait3A_168 = tpu.memref_slice %arg12[%dma_wait3A_166, %dma_wait3A_167] : memref<10000x128xf32, #tpu.memory_space<vmem_shared>> -> memref<10000x128xf32, #tpu.memory_space<vmem_shared>>
        tpu.wait_indirect_dma semaphore(%arg18 : memref<!tpu.dma_semaphore, #tpu.memory_space<semaphore_mem>>) src(%arg11 : memref<125x128xf32, #tpu.memory_space<vmem>>) dst(%dma_wait3A_168 : memref<10000x128xf32, #tpu.memory_space<vmem_shared>>)
      } else {
      }
      %dma_start3A_115 = arith.constant 0 : i32
      %dma_start3A_116 = arith.constant 0 : i32
      %dma_start3A_117 = tpu.memref_slice %arg9[%dma_start3A_115, %dma_start3A_116] : memref<8x125xi32, #tpu.memory_space<vmem>> -> memref<1x125xi32, #tpu.memory_space<vmem>>
      %dma_start3A_118 = arith.constant 0 : i32
      %dma_start3A_119 = arith.constant 0 : i32
      %dma_start3A_120 = tpu.memref_slice %arg4[%add3A, %add3A_109, %dma_start3A_118, %dma_start3A_119] : memref<32x80x1x125xi32, #tpu.memory_space<hbm>> -> memref<1x1x1x125xi32, #tpu.memory_space<hbm>>
      %dma_start3A_121 = tpu.memref_squeeze %dma_start3A_120 : memref<1x1x1x125xi32, #tpu.memory_space<hbm>> -> memref<1x125xi32, #tpu.memory_space<hbm>>
      %dma_start3A_122 = arith.constant 0 : i32
      %dma_start3A_123 = arith.constant 0 : i32
      %dma_start3A_124 = tpu.memref_slice %arg9[%dma_start3A_122, %dma_start3A_123] : memref<8x125xi32, #tpu.memory_space<vmem>> -> memref<1x125xi32, #tpu.memory_space<vmem>>
      %dma_start3A_125 = arith.constant 0 : i32
      %dma_start3A_126 = arith.constant 0 : i32
      %dma_start3A_127 = tpu.memref_slice %arg4[%add3A, %add3A_109, %dma_start3A_125, %dma_start3A_126] : memref<32x80x1x125xi32, #tpu.memory_space<hbm>> -> memref<1x1x1x125xi32, #tpu.memory_space<hbm>>
      %dma_start3A_128 = tpu.memref_squeeze %dma_start3A_127 : memref<1x1x1x125xi32, #tpu.memory_space<hbm>> -> memref<1x125xi32, #tpu.memory_space<hbm>>
      tpu.enqueue_dma source(%dma_start3A_128 : memref<1x125xi32, #tpu.memory_space<hbm>>) target(%dma_start3A_124 : memref<1x125xi32, #tpu.memory_space<vmem>>) target_semaphore(%arg14 : memref<!tpu.dma_semaphore, #tpu.memory_space<semaphore_mem>>)
      %dma_start3A_129 = arith.constant 0 : i32
      %dma_start3A_130 = tpu.memref_slice %arg7[%add3A_109, %dma_start3A_129] : memref<80x125xi32, #tpu.memory_space<vmem>> -> memref<1x125xi32, #tpu.memory_space<vmem>>
      %dma_start3A_131 = tpu.memref_squeeze %dma_start3A_130 : memref<1x125xi32, #tpu.memory_space<vmem>> -> memref<125xi32, #tpu.memory_space<vmem>>
      %dma_start3A_132 = arith.constant 0 : i32
      %dma_start3A_133 = arith.constant 0 : i32
      %dma_start3A_134 = tpu.memref_slice %arg2[%dma_start3A_132, %dma_start3A_133] : memref<10000x128xf32, #tpu.memory_space<hbm>> -> memref<10000x128xf32, #tpu.memory_space<hbm>>
      tpu.enqueue_indirect_dma source(%dma_start3A_134 : memref<10000x128xf32, #tpu.memory_space<hbm>>) target(%arg11 : memref<125x128xf32, #tpu.memory_space<vmem>>) offsets(%dma_start3A_131 : memref<125xi32, #tpu.memory_space<vmem>>) semaphore(%arg16 : memref<!tpu.dma_semaphore, #tpu.memory_space<semaphore_mem>>)
      %dma_wait3A_135 = arith.constant 0 : i32
      %dma_wait3A_136 = arith.constant 0 : i32
      %dma_wait3A_137 = tpu.memref_slice %arg9[%dma_wait3A_135, %dma_wait3A_136] : memref<8x125xi32, #tpu.memory_space<vmem>> -> memref<1x125xi32, #tpu.memory_space<vmem>>
      %dma_wait3A_138 = arith.constant 0 : i32
      %dma_wait3A_139 = arith.constant 0 : i32
      %dma_wait3A_140 = tpu.memref_slice %arg4[%add3A, %add3A_109, %dma_wait3A_138, %dma_wait3A_139] : memref<32x80x1x125xi32, #tpu.memory_space<hbm>> -> memref<1x1x1x125xi32, #tpu.memory_space<hbm>>
      %dma_wait3A_141 = tpu.memref_squeeze %dma_wait3A_140 : memref<1x1x1x125xi32, #tpu.memory_space<hbm>> -> memref<1x125xi32, #tpu.memory_space<hbm>>
      %dma_wait3A_142 = arith.constant 0 : i32
      %dma_wait3A_143 = arith.constant 0 : i32
      %dma_wait3A_144 = tpu.memref_slice %arg9[%dma_wait3A_142, %dma_wait3A_143] : memref<8x125xi32, #tpu.memory_space<vmem>> -> memref<1x125xi32, #tpu.memory_space<vmem>>
      %dma_wait3A_145 = arith.constant 0 : i32
      %dma_wait3A_146 = arith.constant 0 : i32
      %dma_wait3A_147 = tpu.memref_slice %arg4[%add3A, %add3A_109, %dma_wait3A_145, %dma_wait3A_146] : memref<32x80x1x125xi32, #tpu.memory_space<hbm>> -> memref<1x1x1x125xi32, #tpu.memory_space<hbm>>
      %dma_wait3A_148 = tpu.memref_squeeze %dma_wait3A_147 : memref<1x1x1x125xi32, #tpu.memory_space<hbm>> -> memref<1x125xi32, #tpu.memory_space<hbm>>
      tpu.wait_dma2 semaphore(%arg14 : memref<!tpu.dma_semaphore, #tpu.memory_space<semaphore_mem>>) src(%dma_wait3A_148 : memref<1x125xi32, #tpu.memory_space<hbm>>) dst(%dma_wait3A_144 : memref<1x125xi32, #tpu.memory_space<vmem>>)
      %dma_wait3A_149 = arith.constant 0 : i32
      %dma_wait3A_150 = tpu.memref_slice %arg7[%add3A_109, %dma_wait3A_149] : memref<80x125xi32, #tpu.memory_space<vmem>> -> memref<1x125xi32, #tpu.memory_space<vmem>>
      %dma_wait3A_151 = tpu.memref_squeeze %dma_wait3A_150 : memref<1x125xi32, #tpu.memory_space<vmem>> -> memref<125xi32, #tpu.memory_space<vmem>>
      %dma_wait3A_152 = arith.constant 0 : i32
      %dma_wait3A_153 = arith.constant 0 : i32
      %dma_wait3A_154 = tpu.memref_slice %arg2[%dma_wait3A_152, %dma_wait3A_153] : memref<10000x128xf32, #tpu.memory_space<hbm>> -> memref<10000x128xf32, #tpu.memory_space<hbm>>
      tpu.wait_indirect_dma semaphore(%arg16 : memref<!tpu.dma_semaphore, #tpu.memory_space<semaphore_mem>>) src(%dma_wait3A_154 : memref<10000x128xf32, #tpu.memory_space<hbm>>) dst(%arg11 : memref<125x128xf32, #tpu.memory_space<vmem>>)
      %dma_start3A_155 = arith.constant 0 : i32
      %dma_start3A_156 = arith.constant 0 : i32
      %dma_start3A_157 = tpu.memref_slice %arg9[%dma_start3A_155, %dma_start3A_156] : memref<8x125xi32, #tpu.memory_space<vmem>> -> memref<1x125xi32, #tpu.memory_space<vmem>>
      %dma_start3A_158 = tpu.memref_squeeze %dma_start3A_157 : memref<1x125xi32, #tpu.memory_space<vmem>> -> memref<125xi32, #tpu.memory_space<vmem>>
      %dma_start3A_159 = arith.constant 0 : i32
      %dma_start3A_160 = arith.constant 0 : i32
      %dma_start3A_161 = tpu.memref_slice %arg12[%dma_start3A_159, %dma_start3A_160] : memref<10000x128xf32, #tpu.memory_space<vmem_shared>> -> memref<10000x128xf32, #tpu.memory_space<vmem_shared>>
      tpu.enqueue_indirect_dma source(%arg11 : memref<125x128xf32, #tpu.memory_space<vmem>>) target(%dma_start3A_161 : memref<10000x128xf32, #tpu.memory_space<vmem_shared>>) offsets(%dma_start3A_158 : memref<125xi32, #tpu.memory_space<vmem>>) semaphore(%arg18 : memref<!tpu.dma_semaphore, #tpu.memory_space<semaphore_mem>>) {add = true}
    }
    %scan3A_27 = arith.constant 40 : i32
    %dma_wait3A = arith.constant 0 : i32
    %dma_wait3A_28 = arith.constant 0 : i32
    %dma_wait3A_29 = tpu.memref_slice %arg8[%dma_wait3A, %dma_wait3A_28] : memref<8x125xi32, #tpu.memory_space<vmem>> -> memref<1x125xi32, #tpu.memory_space<vmem>>
    %dma_wait3A_30 = tpu.memref_squeeze %dma_wait3A_29 : memref<1x125xi32, #tpu.memory_space<vmem>> -> memref<125xi32, #tpu.memory_space<vmem>>
    %dma_wait3A_31 = arith.constant 0 : i32
    %dma_wait3A_32 = arith.constant 0 : i32
    %dma_wait3A_33 = tpu.memref_slice %arg12[%dma_wait3A_31, %dma_wait3A_32] : memref<10000x128xf32, #tpu.memory_space<vmem_shared>> -> memref<10000x128xf32, #tpu.memory_space<vmem_shared>>
    tpu.wait_indirect_dma semaphore(%arg17 : memref<!tpu.dma_semaphore, #tpu.memory_space<semaphore_mem>>) src(%arg10 : memref<125x128xf32, #tpu.memory_space<vmem>>) dst(%dma_wait3A_33 : memref<10000x128xf32, #tpu.memory_space<vmem_shared>>)
    %dma_wait3A_34 = arith.constant 0 : i32
    %dma_wait3A_35 = arith.constant 0 : i32
    %dma_wait3A_36 = tpu.memref_slice %arg9[%dma_wait3A_34, %dma_wait3A_35] : memref<8x125xi32, #tpu.memory_space<vmem>> -> memref<1x125xi32, #tpu.memory_space<vmem>>
    %dma_wait3A_37 = tpu.memref_squeeze %dma_wait3A_36 : memref<1x125xi32, #tpu.memory_space<vmem>> -> memref<125xi32, #tpu.memory_space<vmem>>
    %dma_wait3A_38 = arith.constant 0 : i32
    %dma_wait3A_39 = arith.constant 0 : i32
    %dma_wait3A_40 = tpu.memref_slice %arg12[%dma_wait3A_38, %dma_wait3A_39] : memref<10000x128xf32, #tpu.memory_space<vmem_shared>> -> memref<10000x128xf32, #tpu.memory_space<vmem_shared>>
    tpu.wait_indirect_dma semaphore(%arg18 : memref<!tpu.dma_semaphore, #tpu.memory_space<semaphore_mem>>) src(%arg11 : memref<125x128xf32, #tpu.memory_space<vmem>>) dst(%dma_wait3A_40 : memref<10000x128xf32, #tpu.memory_space<vmem_shared>>)
    %barrier3A_41 = arith.constant 0 : index
    tpu.barrier barrier_id(%barrier3A_41)
    %mul3A_42 = arith.constant 624 : i32
    %mul3A_43 = arith.muli %arg1, %mul3A_42 : i32
    %mul3A_44 = arith.constant 624 : i32
    %mul3A_45 = arith.muli %arg1, %mul3A_44 : i32
    "tpu.region"() ({
      %run_scoped3A = tpu.sem_alloc : memref<!tpu.dma_semaphore, #tpu.memory_space<semaphore_mem>>
      %dma_start3A = arith.constant 0 : i32
      %dma_start3A_51 = tpu.memref_slice %arg6[%arg0, %mul3A_45, %dma_start3A] : memref<2x10000x128xf32, #tpu.memory_space<hbm>> -> memref<1x624x128xf32, #tpu.memory_space<hbm>>
      %dma_start3A_52 = tpu.memref_squeeze %dma_start3A_51 : memref<1x624x128xf32, #tpu.memory_space<hbm>> -> memref<624x128xf32, #tpu.memory_space<hbm>>
      %dma_start3A_53 = arith.constant 0 : i32
      %dma_start3A_54 = tpu.memref_slice %arg12[%mul3A_43, %dma_start3A_53] : memref<10000x128xf32, #tpu.memory_space<vmem_shared>> -> memref<624x128xf32, #tpu.memory_space<vmem_shared>>
      tpu.enqueue_dma source(%dma_start3A_54 : memref<624x128xf32, #tpu.memory_space<vmem_shared>>) target(%dma_start3A_52 : memref<624x128xf32, #tpu.memory_space<hbm>>) target_semaphore(%run_scoped3A : memref<!tpu.dma_semaphore, #tpu.memory_space<semaphore_mem>>)
      %dma_wait3A_55 = arith.constant 0 : i32
      %dma_wait3A_56 = tpu.memref_slice %arg6[%arg0, %mul3A_45, %dma_wait3A_55] : memref<2x10000x128xf32, #tpu.memory_space<hbm>> -> memref<1x624x128xf32, #tpu.memory_space<hbm>>
      %dma_wait3A_57 = tpu.memref_squeeze %dma_wait3A_56 : memref<1x624x128xf32, #tpu.memory_space<hbm>> -> memref<624x128xf32, #tpu.memory_space<hbm>>
      %dma_wait3A_58 = arith.constant 0 : i32
      %dma_wait3A_59 = tpu.memref_slice %arg12[%mul3A_43, %dma_wait3A_58] : memref<10000x128xf32, #tpu.memory_space<vmem_shared>> -> memref<624x128xf32, #tpu.memory_space<vmem_shared>>
      tpu.wait_dma2 semaphore(%run_scoped3A : memref<!tpu.dma_semaphore, #tpu.memory_space<semaphore_mem>>) src(%dma_wait3A_59 : memref<624x128xf32, #tpu.memory_space<vmem_shared>>) dst(%dma_wait3A_57 : memref<624x128xf32, #tpu.memory_space<hbm>>)
      tpu.yield
    }) : () -> ()
    %eq3A_46 = arith.constant 0 : i32
    %eq3A_47 = arith.cmpi eq, %arg1, %eq3A_46 : i32
    %convert_element_type3A_48 = arith.extui %eq3A_47 : i1 to i32
    %cond3A_49 = arith.constant 0 : i32
    %cond3A_50 = arith.cmpi ne, %convert_element_type3A_48, %cond3A_49 : i32
    scf.if %cond3A_50 {
      "tpu.region"() ({
        %run_scoped3A = tpu.sem_alloc : memref<!tpu.dma_semaphore, #tpu.memory_space<semaphore_mem>>
        %dma_start3A = arith.constant 9984 : i32
        %dma_start3A_51 = arith.constant 0 : i32
        %dma_start3A_52 = tpu.memref_slice %arg6[%arg0, %dma_start3A, %dma_start3A_51] : memref<2x10000x128xf32, #tpu.memory_space<hbm>> -> memref<1x16x128xf32, #tpu.memory_space<hbm>>
        %dma_start3A_53 = tpu.memref_squeeze %dma_start3A_52 : memref<1x16x128xf32, #tpu.memory_space<hbm>> -> memref<16x128xf32, #tpu.memory_space<hbm>>
        %dma_start3A_54 = arith.constant 9984 : i32
        %dma_start3A_55 = arith.constant 0 : i32
        %dma_start3A_56 = tpu.memref_slice %arg12[%dma_start3A_54, %dma_start3A_55] : memref<10000x128xf32, #tpu.memory_space<vmem_shared>> -> memref<16x128xf32, #tpu.memory_space<vmem_shared>>
        tpu.enqueue_dma source(%dma_start3A_56 : memref<16x128xf32, #tpu.memory_space<vmem_shared>>) target(%dma_start3A_53 : memref<16x128xf32, #tpu.memory_space<hbm>>) target_semaphore(%run_scoped3A : memref<!tpu.dma_semaphore, #tpu.memory_space<semaphore_mem>>)
        %dma_wait3A_57 = arith.constant 9984 : i32
        %dma_wait3A_58 = arith.constant 0 : i32
        %dma_wait3A_59 = tpu.memref_slice %arg6[%arg0, %dma_wait3A_57, %dma_wait3A_58] : memref<2x10000x128xf32, #tpu.memory_space<hbm>> -> memref<1x16x128xf32, #tpu.memory_space<hbm>>
        %dma_wait3A_60 = tpu.memref_squeeze %dma_wait3A_59 : memref<1x16x128xf32, #tpu.memory_space<hbm>> -> memref<16x128xf32, #tpu.memory_space<hbm>>
        %dma_wait3A_61 = arith.constant 9984 : i32
        %dma_wait3A_62 = arith.constant 0 : i32
        %dma_wait3A_63 = tpu.memref_slice %arg12[%dma_wait3A_61, %dma_wait3A_62] : memref<10000x128xf32, #tpu.memory_space<vmem_shared>> -> memref<16x128xf32, #tpu.memory_space<vmem_shared>>
        tpu.wait_dma2 semaphore(%run_scoped3A : memref<!tpu.dma_semaphore, #tpu.memory_space<semaphore_mem>>) src(%dma_wait3A_63 : memref<16x128xf32, #tpu.memory_space<vmem_shared>>) dst(%dma_wait3A_60 : memref<16x128xf32, #tpu.memory_space<hbm>>)
        tpu.yield
      }) : () -> ()
    } else {
    }
    return
  }
}

module attributes {stable_mosaic.version = 14 : i64} {
  func.func @body(%arg0: i32, %arg1: memref<1x2000x8xf32, #tpu.memory_space<vmem>>, %arg2: memref<1x2000x8xf32, #tpu.memory_space<vmem>>, %arg3: memref<2000x128xf32, #tpu.memory_space<vmem>>, %arg4: memref<128x128xf32, #tpu.memory_space<vmem>>, %arg5: memref<2000x128xf32, #tpu.memory_space<vmem>>) attributes {dimension_semantics = [#tpu.dimension_semantics<arbitrary>], iteration_bounds = array<i64: 5>, scalar_prefetch = 0 : i64, scratch_operands = 0 : i64, tpu.core_type = #tpu.core_type<tc>, window_params = [{transform_indices = @transform_0, window_bounds = array<i64: 1, 2000, 8>}, {transform_indices = @transform_1, window_bounds = array<i64: 1, 2000, 8>}, {transform_indices = @transform_2, window_bounds = array<i64: 2000, 128>}, {pipeline_mode = #tpu.pipeline_mode<synchronous>, transform_indices = @transform_3, window_bounds = array<i64: 128, 128>}, {transform_indices = @transform_4, window_bounds = array<i64: 2000, 128>}]} {
    %get3A = arith.constant 0 : index
    %get3A_0 = arith.constant 0 : index
    %get3A_1 = arith.constant 0 : index
    %get3A_2 = vector.load %arg1[%get3A, %get3A_0, %get3A_1] : memref<1x2000x8xf32, #tpu.memory_space<vmem>>, vector<1x2000x8xf32>
    %get3A_3 = arith.constant 0 : index
    %get3A_4 = arith.constant 0 : index
    %get3A_5 = arith.constant 0 : index
    %get3A_6 = vector.load %arg2[%get3A_3, %get3A_4, %get3A_5] : memref<1x2000x8xf32, #tpu.memory_space<vmem>>, vector<1x2000x8xf32>
    %slice3A = vector.extract_strided_slice %get3A_2 {offsets = [0, 0, 0], sizes = [1, 2000, 1], strides = [1, 1, 1]} : vector<1x2000x8xf32> to vector<1x2000x1xf32>
    %squeeze3A = vector.shape_cast %slice3A : vector<1x2000x1xf32> to vector<2000x1xf32>
    %add3A = arith.constant 1.000000e+00 : f32
    %add3A_7 = vector.broadcast %add3A : f32 to vector<2000x1xf32>
    %add3A_8 = arith.addf %add3A_7, %squeeze3A : vector<2000x1xf32>
    %slice3A_9 = vector.extract_strided_slice %get3A_6 {offsets = [0, 0, 0], sizes = [1, 2000, 1], strides = [1, 1, 1]} : vector<1x2000x8xf32> to vector<1x2000x1xf32>
    %squeeze3A_10 = vector.shape_cast %slice3A_9 : vector<1x2000x1xf32> to vector<2000x1xf32>
    %add3A_11 = arith.addf %add3A_8, %squeeze3A_10 : vector<2000x1xf32>
    %rsqrt3A = math.rsqrt %add3A_11 : vector<2000x1xf32>
    %get3A_12 = arith.constant 0 : index
    %get3A_13 = arith.constant 0 : index
    %get3A_14 = vector.load %arg3[%get3A_12, %get3A_13] : memref<2000x128xf32, #tpu.memory_space<vmem>>, vector<2000x128xf32>
    %get3A_15 = arith.constant 0 : index
    %get3A_16 = arith.constant 0 : index
    %get3A_17 = vector.load %arg4[%get3A_15, %get3A_16] : memref<128x128xf32, #tpu.memory_space<vmem>>, vector<128x128xf32>
    %dot_general3A = arith.constant dense<0.000000e+00> : vector<2000x128xf32>
    %dot_general3A_18 = tpu.matmul %get3A_14, %get3A_17, %dot_general3A {dimension_numbers = #tpu.dot_dimension_numbers<[1], [0], [0], [1], [0, 0, 1, 1], [], []>, transpose_lhs_hint = false} : vector<2000x128xf32>, vector<128x128xf32>, vector<2000x128xf32> -> vector<2000x128xf32>
    %mul3A = vector.broadcast %rsqrt3A : vector<2000x1xf32> to vector<2000x128xf32>
    %mul3A_19 = arith.mulf %mul3A, %dot_general3A_18 : vector<2000x128xf32>
    %swap3A = arith.constant 0 : index
    %swap3A_20 = arith.constant 0 : index
    %swap3A_21 = vector.load %arg5[%swap3A, %swap3A_20] : memref<2000x128xf32, #tpu.memory_space<vmem>>, vector<2000x128xf32>
    tpu.vector_store %arg5[%swap3A, %swap3A_20], %mul3A_19 {strides = array<i32>} : memref<2000x128xf32, #tpu.memory_space<vmem>>, vector<2000x128xf32>,
    return
  }
  func.func @transform_0(%arg0: i32) -> (i32, i32, i32) {
    %c0_i32 = arith.constant 0 : i32
    %c0_i32_0 = arith.constant 0 : i32
    %c0_i32_1 = arith.constant 0 : i32
    return %c0_i32, %arg0, %c0_i32_0 : i32, i32, i32
  }
  func.func @transform_1(%arg0: i32) -> (i32, i32, i32) {
    %c1_i32 = arith.constant 1 : i32
    %c0_i32 = arith.constant 0 : i32
    %c0_i32_0 = arith.constant 0 : i32
    return %c1_i32, %arg0, %c0_i32 : i32, i32, i32
  }
  func.func @transform_2(%arg0: i32) -> (i32, i32) {
    %c0_i32 = arith.constant 0 : i32
    %c0_i32_0 = arith.constant 0 : i32
    return %arg0, %c0_i32 : i32, i32
  }
  func.func @transform_3(%arg0: i32) -> (i32, i32) {
    %c0_i32 = arith.constant 0 : i32
    %c0_i32_0 = arith.constant 0 : i32
    %c0_i32_1 = arith.constant 0 : i32
    return %c0_i32, %c0_i32_0 : i32, i32
  }
  func.func @transform_4(%arg0: i32) -> (i32, i32) {
    %c0_i32 = arith.constant 0 : i32
    %c0_i32_0 = arith.constant 0 : i32
    return %arg0, %c0_i32 : i32, i32
  }
}

module attributes {stable_mosaic.version = 14 : i64} {
  func.func @body(%arg0: i32, %arg1: memref<1x2000x8xf32, #tpu.memory_space<vmem>>, %arg2: memref<1x2000x8xf32, #tpu.memory_space<vmem>>, %arg3: memref<1x2000x128xf32, #tpu.memory_space<vmem>>, %arg4: memref<1x2000x128xf32, #tpu.memory_space<vmem>>, %arg5: memref<1x128xf32, #tpu.memory_space<vmem>>, %arg6: memref<1x128xf32, #tpu.memory_space<vmem>>, %arg7: memref<1x128xf32, #tpu.memory_space<vmem>>, %arg8: memref<128x128xf32, #tpu.memory_space<vmem>>, %arg9: memref<2000x128xf32, #tpu.memory_space<vmem>>) attributes {dimension_semantics = [#tpu.dimension_semantics<arbitrary>], iteration_bounds = array<i64: 5>, scalar_prefetch = 0 : i64, scratch_operands = 0 : i64, tpu.core_type = #tpu.core_type<tc>, window_params = [{transform_indices = @transform_0, window_bounds = array<i64: 1, 2000, 8>}, {transform_indices = @transform_1, window_bounds = array<i64: 1, 2000, 8>}, {transform_indices = @transform_2, window_bounds = array<i64: 1, 2000, 128>}, {transform_indices = @transform_3, window_bounds = array<i64: 1, 2000, 128>}, {pipeline_mode = #tpu.pipeline_mode<synchronous>, transform_indices = @transform_4, window_bounds = array<i64: 1, 128>}, {pipeline_mode = #tpu.pipeline_mode<synchronous>, transform_indices = @transform_5, window_bounds = array<i64: 1, 128>}, {pipeline_mode = #tpu.pipeline_mode<synchronous>, transform_indices = @transform_6, window_bounds = array<i64: 1, 128>}, {pipeline_mode = #tpu.pipeline_mode<synchronous>, transform_indices = @transform_7, window_bounds = array<i64: 128, 128>}, {transform_indices = @transform_8, window_bounds = array<i64: 2000, 128>}]} {
    %get3A = arith.constant 0 : index
    %get3A_0 = arith.constant 0 : index
    %get3A_1 = arith.constant 0 : index
    %get3A_2 = vector.load %arg1[%get3A, %get3A_0, %get3A_1] : memref<1x2000x8xf32, #tpu.memory_space<vmem>>, vector<1x2000x8xf32>
    %get3A_3 = arith.constant 0 : index
    %get3A_4 = arith.constant 0 : index
    %get3A_5 = arith.constant 0 : index
    %get3A_6 = vector.load %arg2[%get3A_3, %get3A_4, %get3A_5] : memref<1x2000x8xf32, #tpu.memory_space<vmem>>, vector<1x2000x8xf32>
    %slice3A = vector.extract_strided_slice %get3A_2 {offsets = [0, 0, 0], sizes = [1, 2000, 1], strides = [1, 1, 1]} : vector<1x2000x8xf32> to vector<1x2000x1xf32>
    %squeeze3A = vector.shape_cast %slice3A : vector<1x2000x1xf32> to vector<2000x1xf32>
    %add3A = arith.constant 1.000000e+00 : f32
    %add3A_7 = vector.broadcast %add3A : f32 to vector<2000x1xf32>
    %add3A_8 = arith.addf %add3A_7, %squeeze3A : vector<2000x1xf32>
    %slice3A_9 = vector.extract_strided_slice %get3A_6 {offsets = [0, 0, 0], sizes = [1, 2000, 1], strides = [1, 1, 1]} : vector<1x2000x8xf32> to vector<1x2000x1xf32>
    %squeeze3A_10 = vector.shape_cast %slice3A_9 : vector<1x2000x1xf32> to vector<2000x1xf32>
    %add3A_11 = arith.addf %add3A_8, %squeeze3A_10 : vector<2000x1xf32>
    %rsqrt3A = math.rsqrt %add3A_11 : vector<2000x1xf32>
    %get3A_12 = arith.constant 0 : index
    %get3A_13 = arith.constant 0 : index
    %get3A_14 = arith.constant 0 : index
    %get3A_15 = vector.load %arg3[%get3A_12, %get3A_13, %get3A_14] : memref<1x2000x128xf32, #tpu.memory_space<vmem>>, vector<1x2000x128xf32>
    %get3A_16 = vector.shape_cast %get3A_15 : vector<1x2000x128xf32> to vector<2000x128xf32>
    %get3A_17 = arith.constant 0 : index
    %get3A_18 = arith.constant 0 : index
    %get3A_19 = arith.constant 0 : index
    %get3A_20 = vector.load %arg4[%get3A_17, %get3A_18, %get3A_19] : memref<1x2000x128xf32, #tpu.memory_space<vmem>>, vector<1x2000x128xf32>
    %get3A_21 = vector.shape_cast %get3A_20 : vector<1x2000x128xf32> to vector<2000x128xf32>
    %add3A_22 = arith.addf %get3A_16, %get3A_21 : vector<2000x128xf32>
    %mul3A = vector.broadcast %rsqrt3A : vector<2000x1xf32> to vector<2000x128xf32>
    %mul3A_23 = arith.mulf %mul3A, %add3A_22 : vector<2000x128xf32>
    %get3A_24 = arith.constant 0 : index
    %get3A_25 = arith.constant 0 : index
    %get3A_26 = vector.load %arg5[%get3A_24, %get3A_25] : memref<1x128xf32, #tpu.memory_space<vmem>>, vector<1x128xf32>
    %add3A_27 = vector.broadcast %get3A_26 : vector<1x128xf32> to vector<2000x128xf32>
    %add3A_28 = arith.addf %mul3A_23, %add3A_27 : vector<2000x128xf32>
    %max3A = arith.constant 0.000000e+00 : f32
    %max3A_29 = vector.broadcast %max3A : f32 to vector<2000x128xf32>
    %max3A_30 = arith.maximumf %add3A_28, %max3A_29 : vector<2000x128xf32>
    %reduce_sum3A = arith.constant dense<0.000000e+00> : vector<2000xf32>
    %reduce_sum3A_31 = vector.multi_reduction <add>, %max3A_30, %reduce_sum3A [1] : vector<2000x128xf32> to vector<2000xf32>
    %broadcast_in_dim3A = vector.shape_cast %reduce_sum3A_31 : vector<2000xf32> to vector<2000x1xf32>
    %div3A = arith.constant 1.280000e+02 : f32
    %div3A_32 = vector.broadcast %div3A : f32 to vector<2000x1xf32>
    %div3A_33 = arith.divf %broadcast_in_dim3A, %div3A_32 : vector<2000x1xf32>
    %sub3A = vector.broadcast %div3A_33 : vector<2000x1xf32> to vector<2000x128xf32>
    %sub3A_34 = arith.subf %max3A_30, %sub3A : vector<2000x128xf32>
    %integer_pow3A = arith.mulf %sub3A_34, %sub3A_34 : vector<2000x128xf32>
    %reduce_sum3A_35 = arith.constant dense<0.000000e+00> : vector<2000xf32>
    %reduce_sum3A_36 = vector.multi_reduction <add>, %integer_pow3A, %reduce_sum3A_35 [1] : vector<2000x128xf32> to vector<2000xf32>
    %broadcast_in_dim3A_37 = vector.shape_cast %reduce_sum3A_36 : vector<2000xf32> to vector<2000x1xf32>
    %div3A_38 = arith.constant 1.280000e+02 : f32
    %div3A_39 = vector.broadcast %div3A_38 : f32 to vector<2000x1xf32>
    %div3A_40 = arith.divf %broadcast_in_dim3A_37, %div3A_39 : vector<2000x1xf32>
    %sub3A_41 = vector.broadcast %div3A_33 : vector<2000x1xf32> to vector<2000x128xf32>
    %sub3A_42 = arith.subf %max3A_30, %sub3A_41 : vector<2000x128xf32>
    %add3A_43 = arith.constant 9.99999974E-6 : f32
    %add3A_44 = vector.broadcast %add3A_43 : f32 to vector<2000x1xf32>
    %add3A_45 = arith.addf %div3A_40, %add3A_44 : vector<2000x1xf32>
    %rsqrt3A_46 = math.rsqrt %add3A_45 : vector<2000x1xf32>
    %mul3A_47 = vector.broadcast %rsqrt3A_46 : vector<2000x1xf32> to vector<2000x128xf32>
    %mul3A_48 = arith.mulf %sub3A_42, %mul3A_47 : vector<2000x128xf32>
    %get3A_49 = arith.constant 0 : index
    %get3A_50 = arith.constant 0 : index
    %get3A_51 = vector.load %arg6[%get3A_49, %get3A_50] : memref<1x128xf32, #tpu.memory_space<vmem>>, vector<1x128xf32>
    %mul3A_52 = vector.broadcast %get3A_51 : vector<1x128xf32> to vector<2000x128xf32>
    %mul3A_53 = arith.mulf %mul3A_48, %mul3A_52 : vector<2000x128xf32>
    %get3A_54 = arith.constant 0 : index
    %get3A_55 = arith.constant 0 : index
    %get3A_56 = vector.load %arg7[%get3A_54, %get3A_55] : memref<1x128xf32, #tpu.memory_space<vmem>>, vector<1x128xf32>
    %add3A_57 = vector.broadcast %get3A_56 : vector<1x128xf32> to vector<2000x128xf32>
    %add3A_58 = arith.addf %mul3A_53, %add3A_57 : vector<2000x128xf32>
    %get3A_59 = arith.constant 0 : index
    %get3A_60 = arith.constant 0 : index
    %get3A_61 = vector.load %arg8[%get3A_59, %get3A_60] : memref<128x128xf32, #tpu.memory_space<vmem>>, vector<128x128xf32>
    %dot_general3A = arith.constant dense<0.000000e+00> : vector<2000x128xf32>
    %dot_general3A_62 = tpu.matmul %add3A_58, %get3A_61, %dot_general3A {dimension_numbers = #tpu.dot_dimension_numbers<[1], [0], [0], [1], [0, 0, 1, 1], [], []>, transpose_lhs_hint = false} : vector<2000x128xf32>, vector<128x128xf32>, vector<2000x128xf32> -> vector<2000x128xf32>
    %mul3A_63 = vector.broadcast %rsqrt3A : vector<2000x1xf32> to vector<2000x128xf32>
    %mul3A_64 = arith.mulf %mul3A_63, %dot_general3A_62 : vector<2000x128xf32>
    %swap3A = arith.constant 0 : index
    %swap3A_65 = arith.constant 0 : index
    %swap3A_66 = vector.load %arg9[%swap3A, %swap3A_65] : memref<2000x128xf32, #tpu.memory_space<vmem>>, vector<2000x128xf32>
    tpu.vector_store %arg9[%swap3A, %swap3A_65], %mul3A_64 {strides = array<i32>} : memref<2000x128xf32, #tpu.memory_space<vmem>>, vector<2000x128xf32>,
    return
  }
  func.func @transform_0(%arg0: i32) -> (i32, i32, i32) {
    %c0_i32 = arith.constant 0 : i32
    %c0_i32_0 = arith.constant 0 : i32
    %c0_i32_1 = arith.constant 0 : i32
    return %c0_i32, %arg0, %c0_i32_0 : i32, i32, i32
  }
  func.func @transform_1(%arg0: i32) -> (i32, i32, i32) {
    %c1_i32 = arith.constant 1 : i32
    %c0_i32 = arith.constant 0 : i32
    %c0_i32_0 = arith.constant 0 : i32
    return %c1_i32, %arg0, %c0_i32 : i32, i32, i32
  }
  func.func @transform_2(%arg0: i32) -> (i32, i32, i32) {
    %c0_i32 = arith.constant 0 : i32
    %c0_i32_0 = arith.constant 0 : i32
    %c0_i32_1 = arith.constant 0 : i32
    return %c0_i32, %arg0, %c0_i32_0 : i32, i32, i32
  }
  func.func @transform_3(%arg0: i32) -> (i32, i32, i32) {
    %c1_i32 = arith.constant 1 : i32
    %c0_i32 = arith.constant 0 : i32
    %c0_i32_0 = arith.constant 0 : i32
    return %c1_i32, %arg0, %c0_i32 : i32, i32, i32
  }
  func.func @transform_4(%arg0: i32) -> (i32, i32) {
    %c0_i32 = arith.constant 0 : i32
    %c0_i32_0 = arith.constant 0 : i32
    %c0_i32_1 = arith.constant 0 : i32
    return %c0_i32, %c0_i32_0 : i32, i32
  }
  func.func @transform_5(%arg0: i32) -> (i32, i32) {
    %c0_i32 = arith.constant 0 : i32
    %c0_i32_0 = arith.constant 0 : i32
    %c0_i32_1 = arith.constant 0 : i32
    return %c0_i32, %c0_i32_0 : i32, i32
  }
  func.func @transform_6(%arg0: i32) -> (i32, i32) {
    %c0_i32 = arith.constant 0 : i32
    %c0_i32_0 = arith.constant 0 : i32
    %c0_i32_1 = arith.constant 0 : i32
    return %c0_i32, %c0_i32_0 : i32, i32
  }
  func.func @transform_7(%arg0: i32) -> (i32, i32) {
    %c0_i32 = arith.constant 0 : i32
    %c0_i32_0 = arith.constant 0 : i32
    %c0_i32_1 = arith.constant 0 : i32
    return %c0_i32, %c0_i32_0 : i32, i32
  }
  func.func @transform_8(%arg0: i32) -> (i32, i32) {
    %c0_i32 = arith.constant 0 : i32
    %c0_i32_0 = arith.constant 0 : i32
    return %arg0, %c0_i32 : i32, i32
  }
}

module attributes {stable_mosaic.version = 14 : i64} {
  func.func @body(%arg0: i32, %arg1: memref<1x2000x8xf32, #tpu.memory_space<vmem>>, %arg2: memref<1x2000x8xf32, #tpu.memory_space<vmem>>, %arg3: memref<1x2000x128xf32, #tpu.memory_space<vmem>>, %arg4: memref<1x2000x128xf32, #tpu.memory_space<vmem>>, %arg5: memref<1x128xf32, #tpu.memory_space<vmem>>, %arg6: memref<128x128xf32, #tpu.memory_space<vmem>>, %arg7: memref<1x128xf32, #tpu.memory_space<vmem>>, %arg8: memref<128x40xf32, #tpu.memory_space<vmem>>, %arg9: memref<1x40xf32, #tpu.memory_space<vmem>>, %arg10: memref<2000x40xf32, #tpu.memory_space<vmem>>) attributes {dimension_semantics = [#tpu.dimension_semantics<arbitrary>], iteration_bounds = array<i64: 5>, scalar_prefetch = 0 : i64, scratch_operands = 0 : i64, tpu.core_type = #tpu.core_type<tc>, window_params = [{transform_indices = @transform_0, window_bounds = array<i64: 1, 2000, 8>}, {transform_indices = @transform_1, window_bounds = array<i64: 1, 2000, 8>}, {transform_indices = @transform_2, window_bounds = array<i64: 1, 2000, 128>}, {transform_indices = @transform_3, window_bounds = array<i64: 1, 2000, 128>}, {pipeline_mode = #tpu.pipeline_mode<synchronous>, transform_indices = @transform_4, window_bounds = array<i64: 1, 128>}, {pipeline_mode = #tpu.pipeline_mode<synchronous>, transform_indices = @transform_5, window_bounds = array<i64: 128, 128>}, {pipeline_mode = #tpu.pipeline_mode<synchronous>, transform_indices = @transform_6, window_bounds = array<i64: 1, 128>}, {pipeline_mode = #tpu.pipeline_mode<synchronous>, transform_indices = @transform_7, window_bounds = array<i64: 128, 40>}, {pipeline_mode = #tpu.pipeline_mode<synchronous>, transform_indices = @transform_8, window_bounds = array<i64: 1, 40>}, {transform_indices = @transform_9, window_bounds = array<i64: 2000, 40>}]} {
    %get3A = arith.constant 0 : index
    %get3A_0 = arith.constant 0 : index
    %get3A_1 = arith.constant 0 : index
    %get3A_2 = vector.load %arg1[%get3A, %get3A_0, %get3A_1] : memref<1x2000x8xf32, #tpu.memory_space<vmem>>, vector<1x2000x8xf32>
    %get3A_3 = arith.constant 0 : index
    %get3A_4 = arith.constant 0 : index
    %get3A_5 = arith.constant 0 : index
    %get3A_6 = vector.load %arg2[%get3A_3, %get3A_4, %get3A_5] : memref<1x2000x8xf32, #tpu.memory_space<vmem>>, vector<1x2000x8xf32>
    %slice3A = vector.extract_strided_slice %get3A_2 {offsets = [0, 0, 0], sizes = [1, 2000, 1], strides = [1, 1, 1]} : vector<1x2000x8xf32> to vector<1x2000x1xf32>
    %squeeze3A = vector.shape_cast %slice3A : vector<1x2000x1xf32> to vector<2000x1xf32>
    %add3A = arith.constant 1.000000e+00 : f32
    %add3A_7 = vector.broadcast %add3A : f32 to vector<2000x1xf32>
    %add3A_8 = arith.addf %add3A_7, %squeeze3A : vector<2000x1xf32>
    %slice3A_9 = vector.extract_strided_slice %get3A_6 {offsets = [0, 0, 0], sizes = [1, 2000, 1], strides = [1, 1, 1]} : vector<1x2000x8xf32> to vector<1x2000x1xf32>
    %squeeze3A_10 = vector.shape_cast %slice3A_9 : vector<1x2000x1xf32> to vector<2000x1xf32>
    %add3A_11 = arith.addf %add3A_8, %squeeze3A_10 : vector<2000x1xf32>
    %rsqrt3A = math.rsqrt %add3A_11 : vector<2000x1xf32>
    %get3A_12 = arith.constant 0 : index
    %get3A_13 = arith.constant 0 : index
    %get3A_14 = arith.constant 0 : index
    %get3A_15 = vector.load %arg3[%get3A_12, %get3A_13, %get3A_14] : memref<1x2000x128xf32, #tpu.memory_space<vmem>>, vector<1x2000x128xf32>
    %get3A_16 = vector.shape_cast %get3A_15 : vector<1x2000x128xf32> to vector<2000x128xf32>
    %get3A_17 = arith.constant 0 : index
    %get3A_18 = arith.constant 0 : index
    %get3A_19 = arith.constant 0 : index
    %get3A_20 = vector.load %arg4[%get3A_17, %get3A_18, %get3A_19] : memref<1x2000x128xf32, #tpu.memory_space<vmem>>, vector<1x2000x128xf32>
    %get3A_21 = vector.shape_cast %get3A_20 : vector<1x2000x128xf32> to vector<2000x128xf32>
    %add3A_22 = arith.addf %get3A_16, %get3A_21 : vector<2000x128xf32>
    %mul3A = vector.broadcast %rsqrt3A : vector<2000x1xf32> to vector<2000x128xf32>
    %mul3A_23 = arith.mulf %mul3A, %add3A_22 : vector<2000x128xf32>
    %get3A_24 = arith.constant 0 : index
    %get3A_25 = arith.constant 0 : index
    %get3A_26 = vector.load %arg5[%get3A_24, %get3A_25] : memref<1x128xf32, #tpu.memory_space<vmem>>, vector<1x128xf32>
    %add3A_27 = vector.broadcast %get3A_26 : vector<1x128xf32> to vector<2000x128xf32>
    %add3A_28 = arith.addf %mul3A_23, %add3A_27 : vector<2000x128xf32>
    %max3A = arith.constant 0.000000e+00 : f32
    %max3A_29 = vector.broadcast %max3A : f32 to vector<2000x128xf32>
    %max3A_30 = arith.maximumf %add3A_28, %max3A_29 : vector<2000x128xf32>
    %get3A_31 = arith.constant 0 : index
    %get3A_32 = arith.constant 0 : index
    %get3A_33 = vector.load %arg6[%get3A_31, %get3A_32] : memref<128x128xf32, #tpu.memory_space<vmem>>, vector<128x128xf32>
    %dot_general3A = arith.constant dense<0.000000e+00> : vector<2000x128xf32>
    %dot_general3A_34 = tpu.matmul %max3A_30, %get3A_33, %dot_general3A {dimension_numbers = #tpu.dot_dimension_numbers<[1], [0], [0], [1], [0, 0, 1, 1], [], []>, transpose_lhs_hint = false} : vector<2000x128xf32>, vector<128x128xf32>, vector<2000x128xf32> -> vector<2000x128xf32>
    %get3A_35 = arith.constant 0 : index
    %get3A_36 = arith.constant 0 : index
    %get3A_37 = vector.load %arg7[%get3A_35, %get3A_36] : memref<1x128xf32, #tpu.memory_space<vmem>>, vector<1x128xf32>
    %add3A_38 = vector.broadcast %get3A_37 : vector<1x128xf32> to vector<2000x128xf32>
    %add3A_39 = arith.addf %dot_general3A_34, %add3A_38 : vector<2000x128xf32>
    %get3A_40 = arith.constant 0 : index
    %get3A_41 = arith.constant 0 : index
    %get3A_42 = vector.load %arg8[%get3A_40, %get3A_41] : memref<128x40xf32, #tpu.memory_space<vmem>>, vector<128x40xf32>
    %dot_general3A_43 = arith.constant dense<0.000000e+00> : vector<2000x40xf32>
    %dot_general3A_44 = tpu.matmul %add3A_39, %get3A_42, %dot_general3A_43 {dimension_numbers = #tpu.dot_dimension_numbers<[1], [0], [0], [1], [0, 0, 1, 1], [], []>, transpose_lhs_hint = false} : vector<2000x128xf32>, vector<128x40xf32>, vector<2000x40xf32> -> vector<2000x40xf32>
    %get3A_45 = arith.constant 0 : index
    %get3A_46 = arith.constant 0 : index
    %get3A_47 = vector.load %arg9[%get3A_45, %get3A_46] : memref<1x40xf32, #tpu.memory_space<vmem>>, vector<1x40xf32>
    %add3A_48 = vector.broadcast %get3A_47 : vector<1x40xf32> to vector<2000x40xf32>
    %add3A_49 = arith.addf %dot_general3A_44, %add3A_48 : vector<2000x40xf32>
    %logistic3A = arith.negf %add3A_49 : vector<2000x40xf32>
    %logistic3A_50 = math.exp %logistic3A : vector<2000x40xf32>
    %logistic3A_51 = arith.constant 1.000000e+00 : f32
    %logistic3A_52 = vector.broadcast %logistic3A_51 : f32 to vector<2000x40xf32>
    %logistic3A_53 = arith.addf %logistic3A_52, %logistic3A_50 : vector<2000x40xf32>
    %logistic3A_54 = arith.divf %logistic3A_52, %logistic3A_53 : vector<2000x40xf32>
    %swap3A = arith.constant 0 : index
    %swap3A_55 = arith.constant 0 : index
    %swap3A_56 = vector.load %arg10[%swap3A, %swap3A_55] : memref<2000x40xf32, #tpu.memory_space<vmem>>, vector<2000x40xf32>
    tpu.vector_store %arg10[%swap3A, %swap3A_55], %logistic3A_54 {strides = array<i32>} : memref<2000x40xf32, #tpu.memory_space<vmem>>, vector<2000x40xf32>,
    return
  }
  func.func @transform_0(%arg0: i32) -> (i32, i32, i32) {
    %c0_i32 = arith.constant 0 : i32
    %c0_i32_0 = arith.constant 0 : i32
    %c0_i32_1 = arith.constant 0 : i32
    return %c0_i32, %arg0, %c0_i32_0 : i32, i32, i32
  }
  func.func @transform_1(%arg0: i32) -> (i32, i32, i32) {
    %c1_i32 = arith.constant 1 : i32
    %c0_i32 = arith.constant 0 : i32
    %c0_i32_0 = arith.constant 0 : i32
    return %c1_i32, %arg0, %c0_i32 : i32, i32, i32
  }
  func.func @transform_2(%arg0: i32) -> (i32, i32, i32) {
    %c0_i32 = arith.constant 0 : i32
    %c0_i32_0 = arith.constant 0 : i32
    %c0_i32_1 = arith.constant 0 : i32
    return %c0_i32, %arg0, %c0_i32_0 : i32, i32, i32
  }
  func.func @transform_3(%arg0: i32) -> (i32, i32, i32) {
    %c1_i32 = arith.constant 1 : i32
    %c0_i32 = arith.constant 0 : i32
    %c0_i32_0 = arith.constant 0 : i32
    return %c1_i32, %arg0, %c0_i32 : i32, i32, i32
  }
  func.func @transform_4(%arg0: i32) -> (i32, i32) {
    %c0_i32 = arith.constant 0 : i32
    %c0_i32_0 = arith.constant 0 : i32
    %c0_i32_1 = arith.constant 0 : i32
    return %c0_i32, %c0_i32_0 : i32, i32
  }
  func.func @transform_5(%arg0: i32) -> (i32, i32) {
    %c0_i32 = arith.constant 0 : i32
    %c0_i32_0 = arith.constant 0 : i32
    %c0_i32_1 = arith.constant 0 : i32
    return %c0_i32, %c0_i32_0 : i32, i32
  }
  func.func @transform_6(%arg0: i32) -> (i32, i32) {
    %c0_i32 = arith.constant 0 : i32
    %c0_i32_0 = arith.constant 0 : i32
    %c0_i32_1 = arith.constant 0 : i32
    return %c0_i32, %c0_i32_0 : i32, i32
  }
  func.func @transform_7(%arg0: i32) -> (i32, i32) {
    %c0_i32 = arith.constant 0 : i32
    %c0_i32_0 = arith.constant 0 : i32
    %c0_i32_1 = arith.constant 0 : i32
    return %c0_i32, %c0_i32_0 : i32, i32
  }
  func.func @transform_8(%arg0: i32) -> (i32, i32) {
    %c0_i32 = arith.constant 0 : i32
    %c0_i32_0 = arith.constant 0 : i32
    %c0_i32_1 = arith.constant 0 : i32
    return %c0_i32, %c0_i32_0 : i32, i32
  }
  func.func @transform_9(%arg0: i32) -> (i32, i32) {
    %c0_i32 = arith.constant 0 : i32
    %c0_i32_0 = arith.constant 0 : i32
    return %arg0, %c0_i32 : i32, i32
  }
}

</mosaic_0001>

<sc_bundles>
// kernel: kernel.10.cloned.1.call-start
scs
__scs_entry_jumppad:
0x0: {  	(pc) =	sbr.rel $0x88, $3  }
0x1: {  	(tag) =	ssettag $0x0;
	lr =	simm.s32 $0x1  }
0x2: {  	[smem:$0x3F91] =	sst lr;
	_ =	strace $0xD0000000  }
0x3: {  	_ = 	snop  }
0x4: {  	_ = 	snop  }
0x5: {  	_ = 	snop  }
0x6: {  	_ = 	snop  }
0x7: {  	_ = 	snop  }
__scs_overlays_trampoline_lowered:
0x8: {  	[smem:$0x3FA0] =	sst s0  }
0x9: {  	[smem:$0x3FA1] =	sst s1  }
0xa: {  	[smem:$0x3FA2] =	sst s2  }
0xb: {  	[smem:$0x3FA3] =	sst s3  }
0xc: {  	[smem:$0x3FA4] =	sst s4  }
0xd: {  	[smem:$0x3FA5] =	sst s5  }
0xe: {  	[smem:$0x3FA6] =	sst s6  }
0xf: {  	[smem:$0x3FA7] =	sst s7  }
0x10: {  	[smem:$0x3FA8] =	sst s8  }
0x11: {  	[smem:$0x3FA9] =	sst s9;
	s0 =	simm.s32 @!p0 $0x0  }
0x12: {  	s1 =	sld [smem:$0x3F8F];
	s0 =	simm.s32 @p0 $0x1  }
0x13: {  	[smem:$0x3FAA] =	sst s0;
	s0 =	simm.s32 @!p1 $0x0  }
0x14: {  	s2 =	sld [smem:$0x3F8E];
	s0 =	simm.s32 @p1 $0x1  }
0x15: {  	[smem:$0x3FAB] =	sst s0;
	s0 =	simm.s32 @!p2 $0x0  }
0x16: {  	s3 =	sld [smem:$0x3FDB];
	s0 =	simm.s32 @p2 $0x1  }
0x17: {  	s4 =	simm.s32 $0x1BF5;
	[smem:$0x3FAD] =	sst s0  }
0x18: {  	s0 =	sld [smem:$0x3F90];
	_ =	swait.ge [sflag:s4], $0x0  }
0x19: {  	s7 =	sld [smem:$0x3F91]  }
0x1a: {  	s8 =	sadd.s32 $0xFFFFE003, lr  }
0x1b: {  	s9 =	sadd.s32 $0xFFFFFEF7, lr;
	s5 =	simm.s32 $0xFFFFFFFF;
	p2 =	slt.u32 s8, $0xFFFFF086  }
0x1c: {  	p1 =	slt.u32 s9, $0xF7A;
	s5 =	simm.s32 @!p2 $0x0  }
0x1d: {  	s5 =	simm.s32 @p1 $0x1;
	p0 =	seq.s32 s7, s2  }
0x1e: {  	s7 =	smul.u32 @!p0 $0xF7A, s2;
	p2 =	seq.s32 @!p0 s5, $0x0  }
0x1f: {  	s9 =	smul.u32 $0xF7A, s1;
	s8 =	simm.s32 @!p0 $0x1BF5;
	p2 =	por !p2, p0  }
0x20: {  	[sflag:s8] =	ssyncset.s32 @!p0 $0xFFFFF086;
	s6 =	sadd.s32 @!p0 s3, s7;
	s7 =	simm.s32 @!p0 $0x108  }
0x21: {  	s3 =	sadd.s32 s3, s9;
	s6 =	sadd.s32 @!p0 $0x88, s6;
	s7 =	simm.s32 @p2 $0x1082  }
0x22: {  	[simem:s7], [sflag:s8] =	dma.local @!p0 [hbm:s6], $0xF7A  }
0x23: {  	s9 =	sor.u32 $0xD0000000, s2;
	s6 =	simm.s32 $0x108;
	_ =	swait.ge @!p0 [sflag:s8], $0x0  }
0x24: {  	s3 =	sadd.s32 $0x88, s3;
	s6 =	simm.s32 @!p1 $0x1082;
	[sflag:s4] =	ssyncset.s32 $0xFFFFF086  }
0x25: {  	[simem:s6], [sflag:s4] =	dma.local [hbm:s3], $0xF7A  }
0x26: {  	[smem:$0x3F91] =	sst s1;
	(tag) =	ssettag s2;
	_ =	strace s9  }
0x27: {  	s1 =	sld [smem:$0x3FA1]  }
0x28: {  	s2 =	sld [smem:$0x3FA2]  }
0x29: {  	s4 =	sld [smem:$0x3FA4]  }
0x2a: {  	p0 =	seq.s32 s5, $0x0;
	s5 =	sld [smem:$0x3FA5]  }
0x2b: {  	s6 =	sld [smem:$0x3FA6]  }
0x2c: {  	s7 =	sld [smem:$0x3FA7]  }
0x2d: {  	s3 =	simm.s32 $0x108;
	s8 =	sld [smem:$0x3FA8]  }
0x2e: {  	s3 =	simm.s32 @!p0 $0x1082;
	s9 =	sld [smem:$0x3FA9]  }
0x2f: {  	lr =	sadd.s32 s0, s3;
	s0 =	sld [smem:$0x3FA0]  }
0x30: {  	s3 =	sld [smem:$0x3FA3]  }
0x31: {  	[smem:$0x3FAC] =	sst s10  }
0x32: {  	s10 =	sld [smem:$0x3FAA];
	_ =	sdelay $0x3  }
0x33: {  	p0 =	seq.s32 s10, $0x1;
	s10 =	sld [smem:$0x3FAC];
	_ =	sdelay $0x3  }
0x34: {  	[smem:$0x3FAC] =	sst s10  }
0x35: {  	s10 =	sld [smem:$0x3FAB];
	_ =	sdelay $0x3  }
0x36: {  	p1 =	seq.s32 s10, $0x1;
	s10 =	sld [smem:$0x3FAC];
	_ =	sdelay $0x3  }
0x37: {  	[smem:$0x3FAC] =	sst s10  }
0x38: {  	s10 =	sld [smem:$0x3FAD]  }
0x39: {  	_ = 	snop;
	(pc) =	sbr.ind lr, $3  }
0x3a: {  	_ = 	snop  }
0x3b: {  	_ = 	snop  }
0x3c: {  	p2 =	seq.s32 s10, $0x1;
	s10 =	sld [smem:$0x3FAC]  }
0x3d: {  	_ =	shalt  }
0x3e: {  	_ =	shalt  }
0x3f: {  	_ =	shalt  }
0x40: {  	_ =	shalt  }
0x41: {  	_ =	shalt  }
0x42: {  	_ =	shalt  }
0x43: {  	_ =	shalt  }
0x44: {  	_ =	shalt  }
0x45: {  	_ =	shalt  }
0x46: {  	_ =	shalt  }
0x47: {  	_ =	shalt  }
0x48: {  	_ =	shalt  }
0x49: {  	_ =	shalt  }
0x4a: {  	_ =	shalt  }
0x4b: {  	_ =	shalt  }
0x4c: {  	_ =	shalt  }
0x4d: {  	_ =	shalt  }
0x4e: {  	_ =	shalt  }
0x4f: {  	_ =	shalt  }
0x50: {  	_ =	shalt  }
0x51: {  	_ =	shalt  }
0x52: {  	_ =	shalt  }
0x53: {  	_ =	shalt  }
0x54: {  	_ =	shalt  }
0x55: {  	_ =	shalt  }
0x56: {  	_ =	shalt  }
0x57: {  	_ =	shalt  }
0x58: {  	_ =	shalt  }
0x59: {  	_ =	shalt  }
0x5a: {  	_ =	shalt  }
0x5b: {  	_ =	shalt  }
0x5c: {  	_ =	shalt  }
0x5d: {  	_ =	shalt  }
0x5e: {  	_ =	shalt  }
0x5f: {  	_ =	shalt  }
0x60: {  	_ =	shalt  }
0x61: {  	_ =	shalt  }
0x62: {  	_ =	shalt  }
0x63: {  	_ =	shalt  }
0x64: {  	_ =	shalt  }
0x65: {  	_ =	shalt  }
0x66: {  	_ =	shalt  }
0x67: {  	_ =	shalt  }
0x68: {  	_ =	shalt  }
0x69: {  	_ =	shalt  }
0x6a: {  	_ =	shalt  }
0x6b: {  	_ =	shalt  }
0x6c: {  	_ =	shalt  }
0x6d: {  	_ =	shalt  }
0x6e: {  	_ =	shalt  }
0x6f: {  	_ =	shalt  }
0x70: {  	_ =	shalt  }
0x71: {  	_ =	shalt  }
0x72: {  	_ =	shalt  }
0x73: {  	_ =	shalt  }
0x74: {  	_ =	shalt  }
0x75: {  	_ =	shalt  }
0x76: {  	_ =	shalt  }
0x77: {  	_ =	shalt  }
0x78: {  	_ =	shalt  }
0x79: {  	_ =	shalt  }
0x7a: {  	_ =	shalt  }
0x7b: {  	_ =	shalt  }
0x7c: {  	_ =	shalt  }
0x7d: {  	_ =	shalt  }
0x7e: {  	_ =	shalt  }
0x7f: {  	_ =	shalt  }
0x80: {  	_ =	shalt  }
0x81: {  	_ =	shalt  }
0x82: {  	_ =	shalt  }
0x83: {  	_ =	shalt  }
0x84: {  	_ =	shalt  }
0x85: {  	_ =	shalt  }
0x86: {  	_ =	shalt  }
0x87: {  	_ =	shalt  }
.Lfunc_end0:
.L_simem_size_0:
called_computation_lowered:
.L_overlay_start_0:
0x88: {  	s2 =	sld [smem:$0x3FD9]  }
0x89: {  	s3 =	sld [smem:$0x3FFE];
	_ =	sdelay $0x1  }
0x8a: {  	s1 =	srdreg.scid  }
0x8b: {  	s0 =	sand.u32 $0x1, s1  }
0x8c: {  	s17 =	sshll.u32 s0, $0xA;
	s2 =	sadd.s32 s3, s2  }
0x8d: {  	s2 =	sadd.s32 s2, s17  }
0x8e: {  	[smem:$0x3FB8] =	sst s2  }
0x8f: {  	_ = 	snop  }
0x90: {  	s2 =	sld [smem:$0x3FD0];
	(tm) =	ssettm $0x1  }
0x91: {  	s18 =	sld [smem:$0x3FFB];
	_ =	sdelay $0x3  }
0x92: {  	_ =	strace s18  }
0x93: {  	s3 =	sld [smem:$0x3FFC];
	_ =	sdelay $0x3  }
0x94: {  	_ =	strace s3  }
0x95: {  	s3 =	sld [smem:$0x3FFD];
	_ =	sdelay $0x3  }
0x96: {  	_ =	strace s3  }
0x97: {  	_ =	strace $0x8FFFFFFF  }
0x98: {  	s19 =	sld [smem:$0x3FDB];
	_ =	sdelay $0x1  }
0x99: {  	s4 =	simm.s32 $_scs_section_size  }
0x9a: {  	s5 =	simm.s32 $_size__tile_overlayer_lowered;
	s6 =	simm.s32 $_tile_overlayer_lowered  }
0x9b: {  	s22 =	simm.s32 $0x1BFF;
	s21 =	sshll.u32 s6, $0x1;
	s3 =	sadd.s32 s4, s19  }
0x9c: {  	s7 =	simm.s32 $0x0;
	s20 =	sshll.u32 s5, $0x1;
	s5 =	sadd.s32 s21, s3  }
0x9d: {  	[timem:s7], [sflag:s22] =	dma.local [hbm:s5], s20  }
0x9e: {  	_ =	swait.ge [sflag:s22], s20  }
0x9f: {  	s4 =	ssub.s32 $0x0, s20;
	[sflag:s22] =	ssyncset.done $0x0  }
0xa0: {  	[sflag:s22] =	ssyncadd.s32 s4;
	_ =	sdelay $0x1  }
0xa1: {  	s23 =	simm.s32 $0x1B8B  }
0xa2: {  	_ =	swait.ge [sflag:s23], $0x1  }
0xa3: {  	[sflag:s23] =	ssyncset.done $0x0  }
0xa4: {  	s25 =	simm.s32 $0x1B8E;
	s24 =	sld [smem:$0x3FFE];
	[sflag:s23] =	ssyncadd.s32 $0xFFFFFFFF  }
0xa5: {  	s26 =	simm.s32 $execute0_lowered;
	[smem:$0x3FD2] =	sst s25  }
0xa6: {  	s5 =	sshll.u32 s26, $0x1;
	_ =	strace $0x80000046;
	[dreg:$0x1] =	wrdreg $0xFFFFFFFF  }
0xa7: {  	s28 =	simm.s32 $_size_execute0_lowered;
	s3 =	sadd.s32 s3, s5;
	[dreg:$0x0] =	wrdreg $0x0  }
0xa8: {  	s5 =	sshll.u32 s28, $0x1;
	[dreg:$0x2] =	wrdreg s3  }
0xa9: {  	[dreg:$0x3] =	wrdreg s5  }
0xaa: {  	[dreg:$0x4] =	wrdreg $0xC0  }
0xab: {  	_ =	task [dreg:s7], $0x5FFFF  }
0xac: {  	[dreg:$0x1] =	wrdreg $0xFFFFFFFF  }
0xad: {  	[dreg:$0x0] =	wrdreg $0x60  }
0xae: {  	[dreg:$0x2] =	wrdreg s2  }
0xaf: {  	[dreg:$0x3] =	wrdreg s24  }
0xb0: {  	[dreg:$0x4] =	wrdreg $0x68000  }
0xb1: {  	[dreg:$0x5] =	wrdreg $0x9  }
0xb2: {  	_ =	task.clear_ibuf [dreg:s7], $0x6FFFF;
	_ =	strace $0x90000046  }
0xb3: {  	s29 =	simm.s32 $0x9;
	_ =	strace $0x80000048  }
0xb4: {  	_ =	swait.ge [sflag:s29], $0x1  }
0xb5: {  	[sflag:s29] =	ssyncadd.s32 $0xFFFFFFFF  }
0xb6: {  	_ =	strace $0x90000048  }
0xb7: {  	_ =	sfence  }
0xb8: {  	s30 =	sld [smem:$0x0];
	_ =	sdelay $0x2  }
0xb9: {  	s31 =	sshll.u32 s1, $0xD;
	s1 =	sshrl.u32 s1, $0x2  }
0xba: {  	s3 =	sand.u32 $0x4000, s31;
	s1 =	sadd.s32 s1, s30  }
0xbb: {  	s0 =	sor.u32 s3, s0;
	s1 =	sshll.u32 s1, $0x11  }
0xbc: {  	s0 =	sor.u32 s1, s0  }
0xbd: {  	s0 =	sadd.s32 $0x8F2B, s0  }
0xbe: {  	[sflag:s0] =	ssyncadd.remote.s32 $0x1  }
0xbf: {  	_ =	sfence.sel $0xFFFF  }
0xc0: {  	[dreg:$0x0] =	wrdreg $0xFFFFFFFF;
	(pc) =	sbr.abs _section_cstart, $3  }
0xc1: {  	[dreg:$0x1] =	wrdreg $0xFFFFFFFF  }
0xc2: {  	_ =	task.clear_ibuf [dreg:s7], $0x2FFFF;
	_ =	strace $0x9FFFFFFF  }
0xc3: {  	(tm) =	ssettm $0x7FFFFFFF  }
tec
execute0_lowered:
.L_overlay_start_1:
0x0: {  	(tag) =	ssettag $0x1  }
0x1: {  	s4 =	rddreg [dreg:$0x0]  }
0x2: {  	s6 =	rddreg [dreg:$0x1]  }
0x3: {  	s1 =	rddreg [dreg:$0x2]  }
0x4: {  	s0 =	rddreg [dreg:$0x3]  }
0x5: {  	s3 =	srdreg.scid;
	s2 =	simm.s32 $0x0;
	s12 =	stileid.u32  }
0x6: {  	s17 =	simm.s32 $0x0;
	s5 =	sand.u32 $0x1, s3;
	s7 =	smul.u32 $0x13800, s12  }
0x7: {  	[smem:$0x7FF] =	sst s2;
	s11 =	smul.u32 $0x4E000, s12;
	s13 =	sadd.s32 $0x2AE00, s6  }
0x8: {  	s16 =	sadd.s32 $0x138000, s1;
	p0 =	sne.s32 s12, $0x0;
	s3 =	sshll.u32 s5, $0x4  }
0x9: {  	_ =	strace $0x80000047;
	s10 =	ssub.s32 $0x2, s5;
	s15 =	smul.u32 $0x138800, s5  }
0xa: {  	s8 =	sor.u32 s12, s3;
	s3 =	sadd.s32 $0x2A600, s6;
	s9 =	sshrl.u32 s7, $0x3  }
0xb: {  	s14 =	sshrl.u32 s10, $0x1;
	s29 =	sshrl.u32 s11, $0x2;
	s11 =	simm.s32 $0x2800  }
0xc: {  	s12 =	sshll.u32 s12, $0x6;
	s8 =	smul.u32 $0x500, s8;
	s9 =	sadd.s32 s9, s6  }
0xd: {  	s10 =	ssub.s32 s10, s14;
	s30 =	sadd.s32 s29, s1;
	s7 =	sadd.s32 s7, s15  }
0xe: {  	s31 =	sshrl.u32 s15, $0x3;
	s6 =	sadd.s32 $0x2A400, s6;
	s12 =	sor.u32 $0x1C02, s12  }
0xf: {  	s14 =	sshrl.u32 @!p0 s16, $0x3;
	s15 =	simm.s32 $0x7D;
	s16 =	simm.s32 $0x1  }
0x10: {  	s5 =	sadd.s32 $0x3400, s9;
	s7 =	sshrl.u32 s7, $0x3;
	s9 =	smax.u32 s10, $0x1  }
0x11: {  	s10 =	simm.s32 $0x2;
	s4 =	sadd.s32 s4, s8;
	s8 =	sadd.s32 s13, s31  }
0x12: {  	s7 =	sadd.s32 s13, s7;
	s13 =	sshrl.u32 s30, $0x3;
	s8 =	sadd.s32 $0x27000, s8  }
.LBB2_1:
0x13: {  	[tilespmem:s2], [sflag:$0x2] =	stream.linear.gather [hbm4b:s4+s2], $0x2800, $0x38;
	[tilespmem:$0x1A080] =	vst v63  }
0x14: {  	_ =	swait.ge [sflag:s10], $0x2800  }
0x15: {  	[sflag:s10] =	ssyncset.done $0x0  }
0x16: {  	[sflag:s10] =	ssyncadd.s32 $0xFFFFD800  }
0x17: {  	[tilespmem:s11], [sflag:$0x2] =	stream.linear.gather [hbm4b:s3+s2], $0x3E80, $0x38;
	[tilespmem:$0x1A080] =	vst v63  }
0x18: {  	_ =	swait.ge [sflag:s10], $0x3E80  }
0x19: {  	[sflag:s10] =	ssyncset.done $0x0  }
0x1a: {  	[sflag:s10] =	ssyncadd.s32 $0xFFFFC180  }
0x1b: {  	[spmem:s13], [sflag:s12] =	dma.local [hbm:s5], $0x2700  }
0x1c: {  	_ =	swait.ge [sflag:s10], $0x2700  }
0x1d: {  	[sflag:s10] =	ssyncset.done $0x0  }
0x1e: {  	s18 =	simm.s32 @!p0 $0x2;
	[sflag:s10] =	ssyncadd.s32 $0xFFFFD900  }
0x1f: {  	[spmem:s14], [sflag:s12] =	dma.local @!p0 [hbm:s6], $0x100  }
0x20: {  	_ =	swait.ge @!p0 [sflag:s18], $0x100  }
0x21: {  	[sflag:s18] =	ssyncset.done @!p0 $0x0  }
0x22: {  	[sflag:s18] =	ssyncadd.s32 @!p0 $0xFFFFFF00  }
0x23: {  	s18 =	simm.s32 $0x0;
	[bflag:$0x0] =	sbarrier.arrive $0xFFFF  }
.LBB2_2:
0x24: {  	p1 =	sne.s32 s18, $0x9E00  }
.Ltmp0:
0x25: {  	_ = 	snop;
	(pc) =	sbr.rel @p1 .LBB2_2-.Ltmp0, $3  }
0x26: {  	_ =	sdelay $0x1  }
0x27: {  	s19 =	sshra.s32 s18, $0x2;
	s18 =	sadd.s32 $0x200, s18  }
0x28: {  	[spmem:s1] =	stream.indirect.scatter.add.f32 [tilespmem:s11], [sflag:$0x1], $0x80, s19, s15, $0xb8;
	[tilespmem:$0x1A080] =	vst v63  }
0x29: {  	_ =	swait.ge [sflag:s16], $0x3E80  }
0x2a: {  	s18 =	simm.s32 $0x4F;
	[sflag:s16] =	ssyncset.done $0x0  }
.LBB2_4:
0x2b: {  	p1 =	sne.s32 s18, $0x1;
	s18 =	sadd.s32 $0xFFFFFFFF, s18;
	[sflag:s16] =	ssyncadd.s32 $0xFFFFC180  }
.Ltmp1:
0x2c: {  	(pc) =	sbr.rel @p1 .LBB2_4-.Ltmp1, $3  }
0x2d: {  	_ =	sdelay $0x1  }
0x2e: {  	_ =	swait.ge [sflag:s16], $0x3E80  }
0x2f: {  	[sflag:s16] =	ssyncset.done $0x0  }
0x30: {  	[sflag:s16] =	ssyncadd.s32 $0xFFFFC180  }
0x31: {  	[bflag:$0x0] =	sbarrier.arrive $0xFFFF  }
0x32: {  	[hbm:s7], [sflag:s12] =	dma.local [spmem:s13], $0x2700  }
0x33: {  	s17 =	sadd.s32 $0x1, s17;
	_ =	swait.ge [sflag:s10], $0x2700  }
0x34: {  	p1 =	sne.s32 s17, s9;
	[sflag:s10] =	ssyncset.done $0x0  }
.Ltmp2:
0x35: {  	s18 =	simm.s32 @!p0 $0x2;
	[sflag:s10] =	ssyncadd.s32 $0xFFFFD900;
	(pc) =	sbr.rel @p1 .LBB2_1-.Ltmp2, $4  }
0x36: {  	[hbm:s8], [sflag:s12] =	dma.local @!p0 [spmem:s14], $0x100  }
0x37: {  	_ =	swait.ge @!p0 [sflag:s18], $0x100  }
0x38: {  	[sflag:s18] =	ssyncset.done @!p0 $0x0  }
0x39: {  	[sflag:s18] =	ssyncadd.s32 @!p0 $0xFFFFFF00  }
0x3a: {  	_ =	sfence.sel $0x180000  }
0x3b: {  	[bflag:$0x0] =	sbarrier.arrive $0xFFFF  }
0x3c: {  	_ =	strace $0x90000047  }
0x3d: {  	s0 =	sadd.s32 @!p0 $0x100000, s0;
	[bflag:$0x2] =	sbarrier.arrive $0xFFFF  }
0x3e: {  	[sflag:s0] =	ssyncadd.tile.s32 @!p0 $0x1;
	_ =	shalt  }
.Lfunc_end2:
_tile_overlayer_lowered:
.L_overlay_start_2:
0x3f: {  	(tag) =	ssettag $0x2  }
0x40: {  	s0 =	rddreg [dreg:$0x0];
	s2 =	stileid.u32  }
0x41: {  	s1 =	rddreg [dreg:$0x1];
	p0 =	sne.s32 s2, $0x0  }
0x42: {  	s3 =	rddreg [dreg:$0x2];
	[bflag:$0x3] =	sbarrier.arrive $0xFFFF;
	s2 =	simm.s32 @!p0 $0x1C02  }
0x43: {  	[timem:s3], [sflag:s2] =	dma.local @!p0 [hbm:s0], s1  }
0x44: {  	s0 =	simm.s32 @!p0 $0x2  }
0x45: {  	_ =	swait.ge @!p0 [sflag:s0], s1  }
0x46: {  	s1 =	ssub.s32 @!p0 $0x0, s1;
	[sflag:s0] =	ssyncset.done @!p0 $0x0  }
0x47: {  	[sflag:s0] =	ssyncadd.s32 @!p0 s1  }
0x48: {  	[bflag:$0x3] =	sbarrier.arrive $0xFFFF  }
0x49: {  	_ =	shalt  }

// kernel: kernel.13.cloned.1.call-start
scs
__scs_entry_jumppad:
0x0: {  	(pc) =	sbr.rel $0x88, $3  }
0x1: {  	(tag) =	ssettag $0x0;
	lr =	simm.s32 $0x1  }
0x2: {  	[smem:$0x3F91] =	sst lr;
	_ =	strace $0xD0000000  }
0x3: {  	_ = 	snop  }
0x4: {  	_ = 	snop  }
0x5: {  	_ = 	snop  }
0x6: {  	_ = 	snop  }
0x7: {  	_ = 	snop  }
__scs_overlays_trampoline_lowered:
0x8: {  	[smem:$0x3FA0] =	sst s0  }
0x9: {  	[smem:$0x3FA1] =	sst s1  }
0xa: {  	[smem:$0x3FA2] =	sst s2  }
0xb: {  	[smem:$0x3FA3] =	sst s3  }
0xc: {  	[smem:$0x3FA4] =	sst s4  }
0xd: {  	[smem:$0x3FA5] =	sst s5  }
0xe: {  	[smem:$0x3FA6] =	sst s6  }
0xf: {  	[smem:$0x3FA7] =	sst s7  }
0x10: {  	[smem:$0x3FA8] =	sst s8  }
0x11: {  	[smem:$0x3FA9] =	sst s9;
	s0 =	simm.s32 @!p0 $0x0  }
0x12: {  	s1 =	sld [smem:$0x3F8F];
	s0 =	simm.s32 @p0 $0x1  }
0x13: {  	[smem:$0x3FAA] =	sst s0;
	s0 =	simm.s32 @!p1 $0x0  }
0x14: {  	s2 =	sld [smem:$0x3F8E];
	s0 =	simm.s32 @p1 $0x1  }
0x15: {  	[smem:$0x3FAB] =	sst s0;
	s0 =	simm.s32 @!p2 $0x0  }
0x16: {  	s3 =	sld [smem:$0x3FDB];
	s0 =	simm.s32 @p2 $0x1  }
0x17: {  	s4 =	simm.s32 $0x1BF5;
	[smem:$0x3FAD] =	sst s0  }
0x18: {  	s0 =	sld [smem:$0x3F90];
	_ =	swait.ge [sflag:s4], $0x0  }
0x19: {  	s7 =	sld [smem:$0x3F91]  }
0x1a: {  	s8 =	sadd.s32 $0xFFFFE003, lr  }
0x1b: {  	s9 =	sadd.s32 $0xFFFFFEF7, lr;
	s5 =	simm.s32 $0xFFFFFFFF;
	p2 =	slt.u32 s8, $0xFFFFF086  }
0x1c: {  	p1 =	slt.u32 s9, $0xF7A;
	s5 =	simm.s32 @!p2 $0x0  }
0x1d: {  	s5 =	simm.s32 @p1 $0x1;
	p0 =	seq.s32 s7, s2  }
0x1e: {  	s7 =	smul.u32 @!p0 $0xF7A, s2;
	p2 =	seq.s32 @!p0 s5, $0x0  }
0x1f: {  	s9 =	smul.u32 $0xF7A, s1;
	s8 =	simm.s32 @!p0 $0x1BF5;
	p2 =	por !p2, p0  }
0x20: {  	[sflag:s8] =	ssyncset.s32 @!p0 $0xFFFFF086;
	s6 =	sadd.s32 @!p0 s3, s7;
	s7 =	simm.s32 @!p0 $0x108  }
0x21: {  	s3 =	sadd.s32 s3, s9;
	s6 =	sadd.s32 @!p0 $0x88, s6;
	s7 =	simm.s32 @p2 $0x1082  }
0x22: {  	[simem:s7], [sflag:s8] =	dma.local @!p0 [hbm:s6], $0xF7A  }
0x23: {  	s9 =	sor.u32 $0xD0000000, s2;
	s6 =	simm.s32 $0x108;
	_ =	swait.ge @!p0 [sflag:s8], $0x0  }
0x24: {  	s3 =	sadd.s32 $0x88, s3;
	s6 =	simm.s32 @!p1 $0x1082;
	[sflag:s4] =	ssyncset.s32 $0xFFFFF086  }
0x25: {  	[simem:s6], [sflag:s4] =	dma.local [hbm:s3], $0xF7A  }
0x26: {  	[smem:$0x3F91] =	sst s1;
	(tag) =	ssettag s2;
	_ =	strace s9  }
0x27: {  	s1 =	sld [smem:$0x3FA1]  }
0x28: {  	s2 =	sld [smem:$0x3FA2]  }
0x29: {  	s4 =	sld [smem:$0x3FA4]  }
0x2a: {  	p0 =	seq.s32 s5, $0x0;
	s5 =	sld [smem:$0x3FA5]  }
0x2b: {  	s6 =	sld [smem:$0x3FA6]  }
0x2c: {  	s7 =	sld [smem:$0x3FA7]  }
0x2d: {  	s3 =	simm.s32 $0x108;
	s8 =	sld [smem:$0x3FA8]  }
0x2e: {  	s3 =	simm.s32 @!p0 $0x1082;
	s9 =	sld [smem:$0x3FA9]  }
0x2f: {  	lr =	sadd.s32 s0, s3;
	s0 =	sld [smem:$0x3FA0]  }
0x30: {  	s3 =	sld [smem:$0x3FA3]  }
0x31: {  	[smem:$0x3FAC] =	sst s10  }
0x32: {  	s10 =	sld [smem:$0x3FAA];
	_ =	sdelay $0x3  }
0x33: {  	p0 =	seq.s32 s10, $0x1;
	s10 =	sld [smem:$0x3FAC];
	_ =	sdelay $0x3  }
0x34: {  	[smem:$0x3FAC] =	sst s10  }
0x35: {  	s10 =	sld [smem:$0x3FAB];
	_ =	sdelay $0x3  }
0x36: {  	p1 =	seq.s32 s10, $0x1;
	s10 =	sld [smem:$0x3FAC];
	_ =	sdelay $0x3  }
0x37: {  	[smem:$0x3FAC] =	sst s10  }
0x38: {  	s10 =	sld [smem:$0x3FAD]  }
0x39: {  	_ = 	snop;
	(pc) =	sbr.ind lr, $3  }
0x3a: {  	_ = 	snop  }
0x3b: {  	_ = 	snop  }
0x3c: {  	p2 =	seq.s32 s10, $0x1;
	s10 =	sld [smem:$0x3FAC]  }
0x3d: {  	_ =	shalt  }
0x3e: {  	_ =	shalt  }
0x3f: {  	_ =	shalt  }
0x40: {  	_ =	shalt  }
0x41: {  	_ =	shalt  }
0x42: {  	_ =	shalt  }
0x43: {  	_ =	shalt  }
0x44: {  	_ =	shalt  }
0x45: {  	_ =	shalt  }
0x46: {  	_ =	shalt  }
0x47: {  	_ =	shalt  }
0x48: {  	_ =	shalt  }
0x49: {  	_ =	shalt  }
0x4a: {  	_ =	shalt  }
0x4b: {  	_ =	shalt  }
0x4c: {  	_ =	shalt  }
0x4d: {  	_ =	shalt  }
0x4e: {  	_ =	shalt  }
0x4f: {  	_ =	shalt  }
0x50: {  	_ =	shalt  }
0x51: {  	_ =	shalt  }
0x52: {  	_ =	shalt  }
0x53: {  	_ =	shalt  }
0x54: {  	_ =	shalt  }
0x55: {  	_ =	shalt  }
0x56: {  	_ =	shalt  }
0x57: {  	_ =	shalt  }
0x58: {  	_ =	shalt  }
0x59: {  	_ =	shalt  }
0x5a: {  	_ =	shalt  }
0x5b: {  	_ =	shalt  }
0x5c: {  	_ =	shalt  }
0x5d: {  	_ =	shalt  }
0x5e: {  	_ =	shalt  }
0x5f: {  	_ =	shalt  }
0x60: {  	_ =	shalt  }
0x61: {  	_ =	shalt  }
0x62: {  	_ =	shalt  }
0x63: {  	_ =	shalt  }
0x64: {  	_ =	shalt  }
0x65: {  	_ =	shalt  }
0x66: {  	_ =	shalt  }
0x67: {  	_ =	shalt  }
0x68: {  	_ =	shalt  }
0x69: {  	_ =	shalt  }
0x6a: {  	_ =	shalt  }
0x6b: {  	_ =	shalt  }
0x6c: {  	_ =	shalt  }
0x6d: {  	_ =	shalt  }
0x6e: {  	_ =	shalt  }
0x6f: {  	_ =	shalt  }
0x70: {  	_ =	shalt  }
0x71: {  	_ =	shalt  }
0x72: {  	_ =	shalt  }
0x73: {  	_ =	shalt  }
0x74: {  	_ =	shalt  }
0x75: {  	_ =	shalt  }
0x76: {  	_ =	shalt  }
0x77: {  	_ =	shalt  }
0x78: {  	_ =	shalt  }
0x79: {  	_ =	shalt  }
0x7a: {  	_ =	shalt  }
0x7b: {  	_ =	shalt  }
0x7c: {  	_ =	shalt  }
0x7d: {  	_ =	shalt  }
0x7e: {  	_ =	shalt  }
0x7f: {  	_ =	shalt  }
0x80: {  	_ =	shalt  }
0x81: {  	_ =	shalt  }
0x82: {  	_ =	shalt  }
0x83: {  	_ =	shalt  }
0x84: {  	_ =	shalt  }
0x85: {  	_ =	shalt  }
0x86: {  	_ =	shalt  }
0x87: {  	_ =	shalt  }
.Lfunc_end0:
.L_simem_size_0:
called_computation.1_lowered:
.L_overlay_start_0:
0x88: {  	s2 =	sld [smem:$0x3FD9]  }
0x89: {  	s3 =	sld [smem:$0x3FFE];
	_ =	sdelay $0x1  }
0x8a: {  	s1 =	srdreg.scid  }
0x8b: {  	s0 =	sand.u32 $0x1, s1  }
0x8c: {  	s16 =	sshll.u32 s0, $0xA;
	s2 =	sadd.s32 s3, s2  }
0x8d: {  	s2 =	sadd.s32 s2, s16  }
0x8e: {  	[smem:$0x3FB8] =	sst s2  }
0x8f: {  	_ = 	snop  }
0x90: {  	(tm) =	ssettm $0x1  }
0x91: {  	s17 =	sld [smem:$0x3FFB];
	_ =	sdelay $0x3  }
0x92: {  	_ =	strace s17  }
0x93: {  	s2 =	sld [smem:$0x3FFC];
	_ =	sdelay $0x3  }
0x94: {  	_ =	strace s2  }
0x95: {  	s2 =	sld [smem:$0x3FFD];
	_ =	sdelay $0x3  }
0x96: {  	_ =	strace s2  }
0x97: {  	_ =	strace $0x8FFFFFFF  }
0x98: {  	s18 =	sld [smem:$0x3FDB];
	_ =	sdelay $0x1  }
0x99: {  	s19 =	simm.s32 $_scs_section_size  }
0x9a: {  	s4 =	simm.s32 $_size__tile_overlayer_lowered;
	s5 =	simm.s32 $_tile_overlayer_lowered  }
0x9b: {  	s22 =	simm.s32 $0x1BFF;
	s21 =	sshll.u32 s5, $0x1;
	s2 =	sadd.s32 s19, s18  }
0x9c: {  	s6 =	simm.s32 $0x0;
	s20 =	sshll.u32 s4, $0x1;
	s4 =	sadd.s32 s21, s2  }
0x9d: {  	[timem:s6], [sflag:s22] =	dma.local [hbm:s4], s20  }
0x9e: {  	_ =	swait.ge [sflag:s22], s20  }
0x9f: {  	s3 =	ssub.s32 $0x0, s20;
	[sflag:s22] =	ssyncset.done $0x0  }
0xa0: {  	[sflag:s22] =	ssyncadd.s32 s3;
	_ =	sdelay $0x1  }
0xa1: {  	s23 =	simm.s32 $0x1B8B  }
0xa2: {  	_ =	swait.ge [sflag:s23], $0x1  }
0xa3: {  	[sflag:s23] =	ssyncset.done $0x0  }
0xa4: {  	s25 =	simm.s32 $0x1B8E;
	s24 =	sld [smem:$0x3FFE];
	[sflag:s23] =	ssyncadd.s32 $0xFFFFFFFF  }
0xa5: {  	s26 =	simm.s32 $execute0_lowered;
	[smem:$0x3FD2] =	sst s25  }
0xa6: {  	s4 =	sshll.u32 s26, $0x1;
	_ =	strace $0x80000049;
	[dreg:$0x1] =	wrdreg $0xFFFFFFFF  }
0xa7: {  	s28 =	simm.s32 $_size_execute0_lowered;
	s2 =	sadd.s32 s2, s4;
	[dreg:$0x0] =	wrdreg $0x0  }
0xa8: {  	s4 =	sshll.u32 s28, $0x1;
	[dreg:$0x2] =	wrdreg s2  }
0xa9: {  	[dreg:$0x3] =	wrdreg s4  }
0xaa: {  	[dreg:$0x4] =	wrdreg $0xC0  }
0xab: {  	_ =	task [dreg:s6], $0x5FFFF  }
0xac: {  	[dreg:$0x1] =	wrdreg $0xFFFFFFFF  }
0xad: {  	[dreg:$0x0] =	wrdreg $0x60  }
0xae: {  	[dreg:$0x2] =	wrdreg s24  }
0xaf: {  	[dreg:$0x3] =	wrdreg $0xB0000  }
0xb0: {  	[dreg:$0x4] =	wrdreg $0x9  }
0xb1: {  	_ =	task.clear_ibuf [dreg:s6], $0x5FFFF;
	_ =	strace $0x90000049  }
0xb2: {  	s29 =	simm.s32 $0x9;
	_ =	strace $0x8000004B  }
0xb3: {  	_ =	swait.ge [sflag:s29], $0x1  }
0xb4: {  	[sflag:s29] =	ssyncadd.s32 $0xFFFFFFFF  }
0xb5: {  	_ =	strace $0x9000004B  }
0xb6: {  	_ =	sfence  }
0xb7: {  	s30 =	sld [smem:$0x0];
	_ =	sdelay $0x2  }
0xb8: {  	s31 =	sshll.u32 s1, $0xD;
	s1 =	sshrl.u32 s1, $0x2  }
0xb9: {  	s3 =	sand.u32 $0x4000, s31;
	s1 =	sadd.s32 s1, s30  }
0xba: {  	s0 =	sor.u32 s3, s0;
	s1 =	sshll.u32 s1, $0x11  }
0xbb: {  	s0 =	sor.u32 s1, s0  }
0xbc: {  	s0 =	sadd.s32 $0x8F2B, s0  }
0xbd: {  	[sflag:s0] =	ssyncadd.remote.s32 $0x1  }
0xbe: {  	_ =	sfence.sel $0xFFFF  }
0xbf: {  	[dreg:$0x0] =	wrdreg $0xFFFFFFFF;
	(pc) =	sbr.abs _section_cstart, $3  }
0xc0: {  	[dreg:$0x1] =	wrdreg $0xFFFFFFFF  }
0xc1: {  	_ =	task.clear_ibuf [dreg:s6], $0x2FFFF;
	_ =	strace $0x9FFFFFFF  }
0xc2: {  	(tm) =	ssettm $0x7FFFFFFF  }
0xc3: {  	_ =	shalt  }
tec
execute0_lowered:
.L_overlay_start_1:
0x0: {  	(tag) =	ssettag $0x1  }
0x1: {  	s5 =	rddreg [dreg:$0x0]  }
0x2: {  	s0 =	srdreg.scid;
	s1 =	rddreg [dreg:$0x1]  }
0x3: {  	s2 =	stileid.u32;
	s3 =	simm.s32 $0x0;
	s29 =	simm.s32 $0x7000  }
0x4: {  	s30 =	simm.s32 $0x2;
	s31 =	simm.s32 $0x4;
	s28 =	simm.s32 $0x6  }
0x5: {  	s0 =	sand.u32 $0x1, s0;
	[smem:$0x7FF] =	sst s3;
	s8 =	smul.u32 $0x2700, s2  }
0x6: {  	s10 =	smul.u32 $0x4E000, s2;
	s18 =	sadd.s32 $0x79000, s5;
	s13 =	sadd.s32 $0x8D000, s5  }
0x7: {  	p1 =	seq.s32 s2, $0x0;
	s21 =	smul.u32 $0x13800, s2;
	s22 =	sadd.s32 $0x51600, s5  }
0x8: {  	s16 =	smul.u32 $0x2800, s2;
	p4 =	sne.s32 s2, $0x0;
	s4 =	sshll.u32 s0, $0x4  }
0x9: {  	_ =	strace $0x8000004A;
	s9 =	ssub.s32 $0x2, s0;
	s20 =	smul.u32 $0x138800, s0  }
0xa: {  	p0 =	seq.s32 s0, $0x1;
	[dreg:$0x6] =	wrdreg s22;
	s15 =	smul.u32 $0x28000, s0  }
0xb: {  	p3 =	sne.s32 s0, $0x0;
	s22 =	simm.s32 $0x7D;
	s4 =	sor.u32 s2, s4  }
0xc: {  	s11 =	sadd.s32 s8, s5;
	s12 =	sshrl.u32 s9, $0x1;
	s17 =	sshrl.u32 s10, $0x2  }
0xd: {  	p1 =	por !p1, !p0;
	s6 =	smul.u32 $0x2800, s4;
	s4 =	sadd.s32 $0x2A600, s5  }
0xe: {  	s14 =	ssub.s32 s9, s12;
	s19 =	sadd.s32 $0x3400, s11;
	s9 =	sadd.s32 $0x138000, s1  }
0xf: {  	p1 =	por !p1, !p1;
	s11 =	sadd.s32 s21, s20;
	s25 =	sadd.s32 s16, s15  }
0x10: {  	s21 =	simm.s32 $0x2800;
	s8 =	sadd.s32 s4, s8;
	[dreg:$0x5] =	wrdreg s19  }
0x11: {  	s19 =	sor.u32 s0, s2;
	s23 =	sshrl.u32 s11, $0x3;
	s14 =	smax.u32 s14, $0x1  }
0x12: {  	s26 =	sor.u32 $0x180, s25;
	s7 =	sshrl.u32 s6, $0x3;
	[dreg:$0x4] =	wrdreg s8  }
0x13: {  	s8 =	sshrl.u32 s20, $0x3;
	s12 =	sadd.s32 s13, s23;
	p2 =	sne.s32 s19, $0x0  }
0x14: {  	s19 =	simm.s32 $0x7;
	s23 =	simm.s32 $0x3000;
	s6 =	sadd.s32 s7, s5  }
0x15: {  	s5 =	sadd.s32 $0x2A400, s5;
	s24 =	sadd.s32 s13, s8;
	s15 =	sadd.s32 s18, s7  }
0x16: {  	s7 =	sshrl.u32 s26, $0x3;
	s0 =	sshll.u32 @!p2 s2, $0x6;
	s26 =	simm.s32 $0x2C00  }
0x17: {  	s6 =	sadd.s32 $0x83000, s6;
	[dreg:$0x7] =	wrdreg s5;
	s13 =	sadd.s32 $0x27000, s24  }
0x18: {  	s5 =	sor.u32 $0x100, s25;
	s16 =	sadd.s32 $0x10, s15;
	s20 =	sor.u32 @!p2 $0x1C07, s0  }
0x19: {  	s24 =	simm.s32 $0x1;
	s25 =	simm.s32 $0x3;
	s0 =	simm.s32 $0x5  }
0x1a: {  	[dreg:$0x3] =	wrdreg s6;
	s6 =	sadd.s32 s17, s1;
	s5 =	sshrl.u32 s5, $0x3  }
0x1b: {  	s17 =	sadd.s32 s7, s18;
	s18 =	sadd.s32 s5, s18;
	s5 =	simm.s32 $0x0  }
.LBB2_1:
0x1c: {  	s7 =	rddreg [dreg:$0x3]  }
0x1d: {  	[tilespmem:s3], [sflag:$0x7] =	stream.linear.gather [hbm4b:s7+s3], $0x2800, $0x38;
	[tilespmem:$0x1E880] =	vst v63  }
0x1e: {  	_ =	swait.ge [sflag:s19], $0x2800  }
0x1f: {  	s8 =	sshrl.u32 @!p3 s6, $0x3;
	s7 =	sshll.u32 @!p3 s2, $0x6;
	[sflag:s19] =	ssyncset.done $0x0  }
0x20: {  	s7 =	sor.u32 @!p3 $0x1C07, s7;
	s10 =	rddreg [dreg:$0x4];
	[sflag:s19] =	ssyncadd.s32 $0xFFFFD800  }
0x21: {  	[spmem:s8], [sflag:s7] =	dma.local @!p3 [hbm:s10], $0x2700  }
0x22: {  	s7 =	simm.s32 @!p3 $0x7  }
0x23: {  	_ =	swait.ge @!p3 [sflag:s7], $0x2700  }
0x24: {  	s8 =	sshll.u32 @p0 s2, $0x6;
	[sflag:s7] =	ssyncset.done @!p3 $0x0;
	s10 =	rddreg [dreg:$0x5]  }
0x25: {  	[sflag:s7] =	ssyncadd.s32 @!p3 $0xFFFFD900;
	s7 =	sor.u32 @p0 $0x1C07, s8;
	s8 =	sshrl.u32 @p0 s6, $0x3  }
0x26: {  	[spmem:s8], [sflag:s7] =	dma.local @p0 [hbm:s10], $0x2700  }
0x27: {  	s7 =	simm.s32 @p0 $0x7  }
0x28: {  	_ =	swait.ge @p0 [sflag:s7], $0x2700  }
0x29: {  	[sflag:s7] =	ssyncset.done @p0 $0x0  }
0x2a: {  	s8 =	rddreg [dreg:$0x6];
	[sflag:s7] =	ssyncadd.s32 @p0 $0xFFFFD900;
	s7 =	sshrl.u32 @!p2 s9, $0x3  }
0x2b: {  	[spmem:s7], [sflag:s20] =	dma.local @!p2 [hbm:s8], $0x100  }
0x2c: {  	s7 =	simm.s32 @!p2 $0x7  }
0x2d: {  	_ =	swait.ge @!p2 [sflag:s7], $0x100  }
0x2e: {  	s8 =	simm.s32 @p1 $0x1C07;
	[sflag:s7] =	ssyncset.done @!p2 $0x0  }
0x2f: {  	s10 =	rddreg [dreg:$0x7];
	[sflag:s7] =	ssyncadd.s32 @!p2 $0xFFFFFF00;
	s7 =	sshrl.u32 @p1 s9, $0x3  }
0x30: {  	[spmem:s7], [sflag:s8] =	dma.local @p1 [hbm:s10], $0x100  }
0x31: {  	s7 =	simm.s32 @p1 $0x7  }
0x32: {  	_ =	swait.ge @p1 [sflag:s7], $0x100  }
0x33: {  	[sflag:s7] =	ssyncset.done @p1 $0x0  }
0x34: {  	[sflag:s7] =	ssyncadd.s32 @p1 $0xFFFFFF00  }
0x35: {  	[bflag:$0x0] =	sbarrier.arrive $0xFFFF  }
0x36: {  	[tilespmem:s21], [sflag:$0x1] =	stream.linear.gather [hbm4b:s15+s3], $0x80, $0x38;
	[tilespmem:$0x1E880] =	vst v63  }
0x37: {  	_ = 	snop  }
0x38: {  	[tilespmem:s23], [sflag:$0x3] =	stream.indirect.gather [hbm4b:s4+s22], $0x80, s3, s22, $0xb8;
	[tilespmem:$0x1E880] =	vst v63  }
0x39: {  	_ =	swait.ge [sflag:s24], $0x80  }
0x3a: {  	[sflag:s24] =	ssyncset.done $0x0  }
0x3b: {  	[sflag:s24] =	ssyncadd.s32 $0xFFFFFF80  }
0x3c: {  	_ =	swait.ge [sflag:s25], $0x3E80  }
0x3d: {  	[sflag:s25] =	ssyncset.done $0x0  }
0x3e: {  	[sflag:s25] =	ssyncadd.s32 $0xFFFFC180  }
0x3f: {  	[spmem:s1] =	stream.indirect.scatter.add.f32 [tilespmem:s23], [sflag:$0x5], $0x80, s21, s22, $0xb8;
	[tilespmem:$0x1E880] =	vst v63  }
0x40: {  	_ = 	snop  }
0x41: {  	[tilespmem:s26], [sflag:$0x2] =	stream.linear.gather [hbm4b:s16+s3], $0x80, $0x38;
	[tilespmem:$0x1E880] =	vst v63  }
0x42: {  	s10 =	simm.s32 $0x80  }
0x43: {  	[tilespmem:s29], [sflag:$0x4] =	stream.indirect.gather [hbm4b:s4+s22], $0x80, s10, s22, $0xb8;
	[tilespmem:$0x1E880] =	vst v63  }
0x44: {  	_ =	swait.ge [sflag:s30], $0x80  }
0x45: {  	[sflag:s30] =	ssyncset.done $0x0  }
0x46: {  	[sflag:s30] =	ssyncadd.s32 $0xFFFFFF80  }
0x47: {  	_ =	swait.ge [sflag:s31], $0x3E80  }
0x48: {  	[sflag:s31] =	ssyncset.done $0x0  }
0x49: {  	[sflag:s31] =	ssyncadd.s32 $0xFFFFC180  }
0x4a: {  	[spmem:s1] =	stream.indirect.scatter.add.f32 [tilespmem:s29], [sflag:$0x6], $0x80, s26, s22, $0xb8;
	[tilespmem:$0x1E880] =	vst v63  }
0x4b: {  	_ =	swait.ge [sflag:s0], $0x3E80  }
0x4c: {  	[sflag:s0] =	ssyncset.done $0x0  }
0x4d: {  	s11 =	sadd.s32 $0x0, s18;
	[sflag:s0] =	ssyncadd.s32 $0xFFFFC180  }
0x4e: {  	[tilespmem:s21], [sflag:$0x1] =	stream.linear.gather [hbm4b:s11+s3], $0x80, $0x38;
	[tilespmem:$0x1E880] =	vst v63  }
0x4f: {  	s8 =	simm.s32 $0x100  }
0x50: {  	[tilespmem:s23], [sflag:$0x3] =	stream.indirect.gather [hbm4b:s4+s22], $0x80, s8, s22, $0xb8;
	[tilespmem:$0x1E880] =	vst v63  }
0x51: {  	_ =	swait.ge [sflag:s24], $0x80  }
0x52: {  	[sflag:s24] =	ssyncset.done $0x0  }
0x53: {  	[sflag:s24] =	ssyncadd.s32 $0xFFFFFF80  }
0x54: {  	_ =	swait.ge [sflag:s25], $0x3E80  }
0x55: {  	[sflag:s25] =	ssyncset.done $0x0  }
0x56: {  	[sflag:s25] =	ssyncadd.s32 $0xFFFFC180  }
0x57: {  	[spmem:s1] =	stream.indirect.scatter.add.f32 [tilespmem:s23], [sflag:$0x5], $0x80, s21, s22, $0xb8;
	[tilespmem:$0x1E880] =	vst v63  }
0x58: {  	_ =	swait.ge [sflag:s28], $0x3E80  }
0x59: {  	[sflag:s28] =	ssyncset.done $0x0  }
0x5a: {  	s10 =	sadd.s32 $0x0, s17;
	[sflag:s28] =	ssyncadd.s32 $0xFFFFC180  }
0x5b: {  	[tilespmem:s26], [sflag:$0x2] =	stream.linear.gather [hbm4b:s10+s3], $0x80, $0x38;
	[tilespmem:$0x1E880] =	vst v63  }
0x5c: {  	s11 =	simm.s32 $0x180  }
0x5d: {  	[tilespmem:s29], [sflag:$0x4] =	stream.indirect.gather [hbm4b:s4+s22], $0x80, s11, s22, $0xb8;
	[tilespmem:$0x1E880] =	vst v63  }
0x5e: {  	_ =	swait.ge [sflag:s30], $0x80  }
0x5f: {  	[sflag:s30] =	ssyncset.done $0x0  }
0x60: {  	[sflag:s30] =	ssyncadd.s32 $0xFFFFFF80  }
0x61: {  	_ =	swait.ge [sflag:s31], $0x3E80  }
0x62: {  	[sflag:s31] =	ssyncset.done $0x0  }
0x63: {  	s7 =	simm.s32 $0x20;
	s8 =	simm.s32 $0x280;
	[sflag:s31] =	ssyncadd.s32 $0xFFFFC180  }
.LBB2_2:
0x64: {  	[spmem:s1] =	stream.indirect.scatter.add.f32 [tilespmem:s29], [sflag:$0x6], $0x80, s26, s22, $0xb8;
	[tilespmem:$0x1E880] =	vst v63  }
0x65: {  	s10 =	smov.u32 s7  }
0x66: {  	p5 =	sne.s32 s7, $0x4C0;
	s7 =	sadd.s32 $0x20, s7;
	_ =	swait.ge [sflag:s0], $0x3E80  }
0x67: {  	[sflag:s0] =	ssyncset.done $0x0  }
0x68: {  	s11 =	sadd.s32 s10, s18;
	[sflag:s0] =	ssyncadd.s32 $0xFFFFC180  }
0x69: {  	[tilespmem:s21], [sflag:$0x1] =	stream.linear.gather [hbm4b:s11+s3], $0x80, $0x38;
	[tilespmem:$0x1E880] =	vst v63  }
0x6a: {  	s11 =	sadd.s32 $0xFFFFFF80, s8  }
0x6b: {  	[tilespmem:s23], [sflag:$0x3] =	stream.indirect.gather [hbm4b:s4+s22], $0x80, s11, s22, $0xb8;
	[tilespmem:$0x1E880] =	vst v63  }
0x6c: {  	_ =	swait.ge [sflag:s24], $0x80  }
0x6d: {  	[sflag:s24] =	ssyncset.done $0x0  }
0x6e: {  	[sflag:s24] =	ssyncadd.s32 $0xFFFFFF80  }
0x6f: {  	_ =	swait.ge [sflag:s25], $0x3E80  }
0x70: {  	[sflag:s25] =	ssyncset.done $0x0  }
0x71: {  	[sflag:s25] =	ssyncadd.s32 $0xFFFFC180  }
0x72: {  	[spmem:s1] =	stream.indirect.scatter.add.f32 [tilespmem:s23], [sflag:$0x5], $0x80, s21, s22, $0xb8;
	[tilespmem:$0x1E880] =	vst v63  }
0x73: {  	_ =	swait.ge [sflag:s28], $0x3E80  }
0x74: {  	[sflag:s28] =	ssyncset.done $0x0  }
0x75: {  	s10 =	sadd.s32 s10, s17;
	[sflag:s28] =	ssyncadd.s32 $0xFFFFC180  }
0x76: {  	[tilespmem:s26], [sflag:$0x2] =	stream.linear.gather [hbm4b:s10+s3], $0x80, $0x38;
	[tilespmem:$0x1E880] =	vst v63  }
0x77: {  	_ = 	snop  }
0x78: {  	[tilespmem:s29], [sflag:$0x4] =	stream.indirect.gather [hbm4b:s4+s22], $0x80, s8, s22, $0xb8;
	[tilespmem:$0x1E880] =	vst v63  }
0x79: {  	_ =	swait.ge [sflag:s30], $0x80  }
.Ltmp0:
0x7a: {  	[sflag:s30] =	ssyncset.done $0x0;
	(pc) =	sbr.rel @p5 .LBB2_2-.Ltmp0, $4  }
0x7b: {  	[sflag:s30] =	ssyncadd.s32 $0xFFFFFF80  }
0x7c: {  	_ =	swait.ge [sflag:s31], $0x3E80  }
0x7d: {  	[sflag:s31] =	ssyncset.done $0x0  }
0x7e: {  	s8 =	sadd.s32 $0x100, s8;
	[sflag:s31] =	ssyncadd.s32 $0xFFFFC180  }
0x7f: {  	[spmem:s1] =	stream.indirect.scatter.add.f32 [tilespmem:s29], [sflag:$0x6], $0x80, s26, s22, $0xb8;
	[tilespmem:$0x1E880] =	vst v63  }
0x80: {  	_ =	swait.ge [sflag:s0], $0x3E80  }
0x81: {  	[sflag:s0] =	ssyncset.done $0x0  }
0x82: {  	[sflag:s0] =	ssyncadd.s32 $0xFFFFC180  }
0x83: {  	_ =	swait.ge [sflag:s28], $0x3E80  }
0x84: {  	[sflag:s28] =	ssyncset.done $0x0  }
0x85: {  	s7 =	sshll.u32 s2, $0x6;
	[sflag:s28] =	ssyncadd.s32 $0xFFFFC180  }
0x86: {  	s8 =	sshrl.u32 s6, $0x3;
	s7 =	sor.u32 $0x1C07, s7;
	[bflag:$0x0] =	sbarrier.arrive $0xFFFF  }
0x87: {  	[hbm:s12], [sflag:s7] =	dma.local [spmem:s8], $0x2700  }
0x88: {  	_ =	swait.ge [sflag:s19], $0x2700  }
0x89: {  	s5 =	sadd.s32 $0x1, s5;
	[sflag:s19] =	ssyncset.done $0x0  }
0x8a: {  	p5 =	sne.s32 s5, s14;
	s8 =	sshrl.u32 @!p4 s9, $0x3;
	[sflag:s19] =	ssyncadd.s32 $0xFFFFD900  }
0x8b: {  	[hbm:s13], [sflag:s7] =	dma.local @!p4 [spmem:s8], $0x100  }
.Ltmp1:
0x8c: {  	_ = 	snop;
	(pc) =	sbr.rel @p5 .LBB2_1-.Ltmp1, $4  }
0x8d: {  	s7 =	simm.s32 @!p4 $0x7  }
0x8e: {  	_ =	swait.ge @!p4 [sflag:s7], $0x100  }
0x8f: {  	[sflag:s7] =	ssyncset.done @!p4 $0x0  }
0x90: {  	[sflag:s7] =	ssyncadd.s32 @!p4 $0xFFFFFF00  }
0x91: {  	_ =	sfence.sel $0x180000  }
0x92: {  	[bflag:$0x0] =	sbarrier.arrive $0xFFFF  }
0x93: {  	_ =	strace $0x9000004A  }
0x94: {  	[bflag:$0x2] =	sbarrier.arrive $0xFFFF  }
0x95: {  	s0 =	rddreg [dreg:$0x2]  }
0x96: {  	s0 =	sadd.s32 @!p4 $0x100000, s0  }
0x97: {  	[sflag:s0] =	ssyncadd.tile.s32 @!p4 $0x1;
	_ =	shalt  }
.Lfunc_end2:
_tile_overlayer_lowered:
.L_overlay_start_2:
0x98: {  	(tag) =	ssettag $0x2  }
0x99: {  	s0 =	rddreg [dreg:$0x0];
	s2 =	stileid.u32  }
0x9a: {  	s1 =	rddreg [dreg:$0x1];
	p0 =	sne.s32 s2, $0x0  }
0x9b: {  	s3 =	rddreg [dreg:$0x2];
	[bflag:$0x3] =	sbarrier.arrive $0xFFFF;
	s2 =	simm.s32 @!p0 $0x1C07  }
0x9c: {  	[timem:s3], [sflag:s2] =	dma.local @!p0 [hbm:s0], s1  }
0x9d: {  	s0 =	simm.s32 @!p0 $0x7  }
0x9e: {  	_ =	swait.ge @!p0 [sflag:s0], s1  }
0x9f: {  	s1 =	ssub.s32 @!p0 $0x0, s1;
	[sflag:s0] =	ssyncset.done @!p0 $0x0  }
0xa0: {  	[sflag:s0] =	ssyncadd.s32 @!p0 s1  }
0xa1: {  	[bflag:$0x3] =	sbarrier.arrive $0xFFFF  }
0xa2: {  	_ =	shalt  }

// kernel: kernel.16.cloned.1.call-start
scs
__scs_entry_jumppad:
0x0: {  	(pc) =	sbr.rel $0x88, $3  }
0x1: {  	(tag) =	ssettag $0x0;
	lr =	simm.s32 $0x1  }
0x2: {  	[smem:$0x3F91] =	sst lr;
	_ =	strace $0xD0000000  }
0x3: {  	_ = 	snop  }
0x4: {  	_ = 	snop  }
0x5: {  	_ = 	snop  }
0x6: {  	_ = 	snop  }
0x7: {  	_ = 	snop  }
__scs_overlays_trampoline_lowered:
0x8: {  	[smem:$0x3FA0] =	sst s0  }
0x9: {  	[smem:$0x3FA1] =	sst s1  }
0xa: {  	[smem:$0x3FA2] =	sst s2  }
0xb: {  	[smem:$0x3FA3] =	sst s3  }
0xc: {  	[smem:$0x3FA4] =	sst s4  }
0xd: {  	[smem:$0x3FA5] =	sst s5  }
0xe: {  	[smem:$0x3FA6] =	sst s6  }
0xf: {  	[smem:$0x3FA7] =	sst s7  }
0x10: {  	[smem:$0x3FA8] =	sst s8  }
0x11: {  	[smem:$0x3FA9] =	sst s9;
	s0 =	simm.s32 @!p0 $0x0  }
0x12: {  	s1 =	sld [smem:$0x3F8F];
	s0 =	simm.s32 @p0 $0x1  }
0x13: {  	[smem:$0x3FAA] =	sst s0;
	s0 =	simm.s32 @!p1 $0x0  }
0x14: {  	s2 =	sld [smem:$0x3F8E];
	s0 =	simm.s32 @p1 $0x1  }
0x15: {  	[smem:$0x3FAB] =	sst s0;
	s0 =	simm.s32 @!p2 $0x0  }
0x16: {  	s3 =	sld [smem:$0x3FDB];
	s0 =	simm.s32 @p2 $0x1  }
0x17: {  	s4 =	simm.s32 $0x1BF5;
	[smem:$0x3FAD] =	sst s0  }
0x18: {  	s0 =	sld [smem:$0x3F90];
	_ =	swait.ge [sflag:s4], $0x0  }
0x19: {  	s7 =	sld [smem:$0x3F91]  }
0x1a: {  	s8 =	sadd.s32 $0xFFFFE003, lr  }
0x1b: {  	s9 =	sadd.s32 $0xFFFFFEF7, lr;
	s5 =	simm.s32 $0xFFFFFFFF;
	p2 =	slt.u32 s8, $0xFFFFF086  }
0x1c: {  	p1 =	slt.u32 s9, $0xF7A;
	s5 =	simm.s32 @!p2 $0x0  }
0x1d: {  	s5 =	simm.s32 @p1 $0x1;
	p0 =	seq.s32 s7, s2  }
0x1e: {  	s7 =	smul.u32 @!p0 $0xF7A, s2;
	p2 =	seq.s32 @!p0 s5, $0x0  }
0x1f: {  	s9 =	smul.u32 $0xF7A, s1;
	s8 =	simm.s32 @!p0 $0x1BF5;
	p2 =	por !p2, p0  }
0x20: {  	[sflag:s8] =	ssyncset.s32 @!p0 $0xFFFFF086;
	s6 =	sadd.s32 @!p0 s3, s7;
	s7 =	simm.s32 @!p0 $0x108  }
0x21: {  	s3 =	sadd.s32 s3, s9;
	s6 =	sadd.s32 @!p0 $0x88, s6;
	s7 =	simm.s32 @p2 $0x1082  }
0x22: {  	[simem:s7], [sflag:s8] =	dma.local @!p0 [hbm:s6], $0xF7A  }
0x23: {  	s9 =	sor.u32 $0xD0000000, s2;
	s6 =	simm.s32 $0x108;
	_ =	swait.ge @!p0 [sflag:s8], $0x0  }
0x24: {  	s3 =	sadd.s32 $0x88, s3;
	s6 =	simm.s32 @!p1 $0x1082;
	[sflag:s4] =	ssyncset.s32 $0xFFFFF086  }
0x25: {  	[simem:s6], [sflag:s4] =	dma.local [hbm:s3], $0xF7A  }
0x26: {  	[smem:$0x3F91] =	sst s1;
	(tag) =	ssettag s2;
	_ =	strace s9  }
0x27: {  	s1 =	sld [smem:$0x3FA1]  }
0x28: {  	s2 =	sld [smem:$0x3FA2]  }
0x29: {  	s4 =	sld [smem:$0x3FA4]  }
0x2a: {  	p0 =	seq.s32 s5, $0x0;
	s5 =	sld [smem:$0x3FA5]  }
0x2b: {  	s6 =	sld [smem:$0x3FA6]  }
0x2c: {  	s7 =	sld [smem:$0x3FA7]  }
0x2d: {  	s3 =	simm.s32 $0x108;
	s8 =	sld [smem:$0x3FA8]  }
0x2e: {  	s3 =	simm.s32 @!p0 $0x1082;
	s9 =	sld [smem:$0x3FA9]  }
0x2f: {  	lr =	sadd.s32 s0, s3;
	s0 =	sld [smem:$0x3FA0]  }
0x30: {  	s3 =	sld [smem:$0x3FA3]  }
0x31: {  	[smem:$0x3FAC] =	sst s10  }
0x32: {  	s10 =	sld [smem:$0x3FAA];
	_ =	sdelay $0x3  }
0x33: {  	p0 =	seq.s32 s10, $0x1;
	s10 =	sld [smem:$0x3FAC];
	_ =	sdelay $0x3  }
0x34: {  	[smem:$0x3FAC] =	sst s10  }
0x35: {  	s10 =	sld [smem:$0x3FAB];
	_ =	sdelay $0x3  }
0x36: {  	p1 =	seq.s32 s10, $0x1;
	s10 =	sld [smem:$0x3FAC];
	_ =	sdelay $0x3  }
0x37: {  	[smem:$0x3FAC] =	sst s10  }
0x38: {  	s10 =	sld [smem:$0x3FAD]  }
0x39: {  	_ = 	snop;
	(pc) =	sbr.ind lr, $3  }
0x3a: {  	_ = 	snop  }
0x3b: {  	_ = 	snop  }
0x3c: {  	p2 =	seq.s32 s10, $0x1;
	s10 =	sld [smem:$0x3FAC]  }
0x3d: {  	_ =	shalt  }
0x3e: {  	_ =	shalt  }
0x3f: {  	_ =	shalt  }
0x40: {  	_ =	shalt  }
0x41: {  	_ =	shalt  }
0x42: {  	_ =	shalt  }
0x43: {  	_ =	shalt  }
0x44: {  	_ =	shalt  }
0x45: {  	_ =	shalt  }
0x46: {  	_ =	shalt  }
0x47: {  	_ =	shalt  }
0x48: {  	_ =	shalt  }
0x49: {  	_ =	shalt  }
0x4a: {  	_ =	shalt  }
0x4b: {  	_ =	shalt  }
0x4c: {  	_ =	shalt  }
0x4d: {  	_ =	shalt  }
0x4e: {  	_ =	shalt  }
0x4f: {  	_ =	shalt  }
0x50: {  	_ =	shalt  }
0x51: {  	_ =	shalt  }
0x52: {  	_ =	shalt  }
0x53: {  	_ =	shalt  }
0x54: {  	_ =	shalt  }
0x55: {  	_ =	shalt  }
0x56: {  	_ =	shalt  }
0x57: {  	_ =	shalt  }
0x58: {  	_ =	shalt  }
0x59: {  	_ =	shalt  }
0x5a: {  	_ =	shalt  }
0x5b: {  	_ =	shalt  }
0x5c: {  	_ =	shalt  }
0x5d: {  	_ =	shalt  }
0x5e: {  	_ =	shalt  }
0x5f: {  	_ =	shalt  }
0x60: {  	_ =	shalt  }
0x61: {  	_ =	shalt  }
0x62: {  	_ =	shalt  }
0x63: {  	_ =	shalt  }
0x64: {  	_ =	shalt  }
0x65: {  	_ =	shalt  }
0x66: {  	_ =	shalt  }
0x67: {  	_ =	shalt  }
0x68: {  	_ =	shalt  }
0x69: {  	_ =	shalt  }
0x6a: {  	_ =	shalt  }
0x6b: {  	_ =	shalt  }
0x6c: {  	_ =	shalt  }
0x6d: {  	_ =	shalt  }
0x6e: {  	_ =	shalt  }
0x6f: {  	_ =	shalt  }
0x70: {  	_ =	shalt  }
0x71: {  	_ =	shalt  }
0x72: {  	_ =	shalt  }
0x73: {  	_ =	shalt  }
0x74: {  	_ =	shalt  }
0x75: {  	_ =	shalt  }
0x76: {  	_ =	shalt  }
0x77: {  	_ =	shalt  }
0x78: {  	_ =	shalt  }
0x79: {  	_ =	shalt  }
0x7a: {  	_ =	shalt  }
0x7b: {  	_ =	shalt  }
0x7c: {  	_ =	shalt  }
0x7d: {  	_ =	shalt  }
0x7e: {  	_ =	shalt  }
0x7f: {  	_ =	shalt  }
0x80: {  	_ =	shalt  }
0x81: {  	_ =	shalt  }
0x82: {  	_ =	shalt  }
0x83: {  	_ =	shalt  }
0x84: {  	_ =	shalt  }
0x85: {  	_ =	shalt  }
0x86: {  	_ =	shalt  }
0x87: {  	_ =	shalt  }
.Lfunc_end0:
.L_simem_size_0:
called_computation.2_lowered:
.L_overlay_start_0:
0x88: {  	s2 =	sld [smem:$0x3FD9]  }
0x89: {  	s3 =	sld [smem:$0x3FFE];
	_ =	sdelay $0x1  }
0x8a: {  	s1 =	srdreg.scid  }
0x8b: {  	s0 =	sand.u32 $0x1, s1  }
0x8c: {  	s16 =	sshll.u32 s0, $0xA;
	s2 =	sadd.s32 s3, s2  }
0x8d: {  	s2 =	sadd.s32 s2, s16  }
0x8e: {  	[smem:$0x3FB8] =	sst s2  }
0x8f: {  	_ = 	snop  }
0x90: {  	(tm) =	ssettm $0x1  }
0x91: {  	s17 =	sld [smem:$0x3FFB];
	_ =	sdelay $0x3  }
0x92: {  	_ =	strace s17  }
0x93: {  	s2 =	sld [smem:$0x3FFC];
	_ =	sdelay $0x3  }
0x94: {  	_ =	strace s2  }
0x95: {  	s2 =	sld [smem:$0x3FFD];
	_ =	sdelay $0x3  }
0x96: {  	_ =	strace s2  }
0x97: {  	_ =	strace $0x8FFFFFFF  }
0x98: {  	s18 =	sld [smem:$0x3FDB];
	_ =	sdelay $0x1  }
0x99: {  	s19 =	simm.s32 $_scs_section_size  }
0x9a: {  	s4 =	simm.s32 $_size__tile_overlayer_lowered;
	s5 =	simm.s32 $_tile_overlayer_lowered  }
0x9b: {  	s22 =	simm.s32 $0x1BFF;
	s21 =	sshll.u32 s5, $0x1;
	s2 =	sadd.s32 s19, s18  }
0x9c: {  	s6 =	simm.s32 $0x0;
	s20 =	sshll.u32 s4, $0x1;
	s4 =	sadd.s32 s21, s2  }
0x9d: {  	[timem:s6], [sflag:s22] =	dma.local [hbm:s4], s20  }
0x9e: {  	_ =	swait.ge [sflag:s22], s20  }
0x9f: {  	s3 =	ssub.s32 $0x0, s20;
	[sflag:s22] =	ssyncset.done $0x0  }
0xa0: {  	[sflag:s22] =	ssyncadd.s32 s3;
	_ =	sdelay $0x1  }
0xa1: {  	s23 =	simm.s32 $0x1B8B  }
0xa2: {  	_ =	swait.ge [sflag:s23], $0x1  }
0xa3: {  	[sflag:s23] =	ssyncset.done $0x0  }
0xa4: {  	s25 =	simm.s32 $0x1B8E;
	s24 =	sld [smem:$0x3FFE];
	[sflag:s23] =	ssyncadd.s32 $0xFFFFFFFF  }
0xa5: {  	s26 =	simm.s32 $execute0_lowered;
	[smem:$0x3FD2] =	sst s25  }
0xa6: {  	s4 =	sshll.u32 s26, $0x1;
	_ =	strace $0x8000004C;
	[dreg:$0x1] =	wrdreg $0xFFFFFFFF  }
0xa7: {  	s28 =	simm.s32 $_size_execute0_lowered;
	s2 =	sadd.s32 s2, s4;
	[dreg:$0x0] =	wrdreg $0x0  }
0xa8: {  	s4 =	sshll.u32 s28, $0x1;
	[dreg:$0x2] =	wrdreg s2  }
0xa9: {  	[dreg:$0x3] =	wrdreg s4  }
0xaa: {  	[dreg:$0x4] =	wrdreg $0xC0  }
0xab: {  	_ =	task [dreg:s6], $0x5FFFF  }
0xac: {  	[dreg:$0x1] =	wrdreg $0xFFFFFFFF  }
0xad: {  	[dreg:$0x0] =	wrdreg $0x60  }
0xae: {  	[dreg:$0x2] =	wrdreg s24  }
0xaf: {  	[dreg:$0x3] =	wrdreg $0xB0000  }
0xb0: {  	[dreg:$0x4] =	wrdreg $0x9  }
0xb1: {  	_ =	task.clear_ibuf [dreg:s6], $0x5FFFF;
	_ =	strace $0x9000004C  }
0xb2: {  	s29 =	simm.s32 $0x9;
	_ =	strace $0x8000004E  }
0xb3: {  	_ =	swait.ge [sflag:s29], $0x1  }
0xb4: {  	[sflag:s29] =	ssyncadd.s32 $0xFFFFFFFF  }
0xb5: {  	_ =	strace $0x9000004E  }
0xb6: {  	_ =	sfence  }
0xb7: {  	s30 =	sld [smem:$0x0];
	_ =	sdelay $0x2  }
0xb8: {  	s31 =	sshll.u32 s1, $0xD;
	s1 =	sshrl.u32 s1, $0x2  }
0xb9: {  	s3 =	sand.u32 $0x4000, s31;
	s1 =	sadd.s32 s1, s30  }
0xba: {  	s0 =	sor.u32 s3, s0;
	s1 =	sshll.u32 s1, $0x11  }
0xbb: {  	s0 =	sor.u32 s1, s0  }
0xbc: {  	s0 =	sadd.s32 $0x8F2B, s0  }
0xbd: {  	[sflag:s0] =	ssyncadd.remote.s32 $0x1  }
0xbe: {  	_ =	sfence.sel $0xFFFF  }
0xbf: {  	[dreg:$0x0] =	wrdreg $0xFFFFFFFF;
	(pc) =	sbr.abs _section_cstart, $3  }
0xc0: {  	[dreg:$0x1] =	wrdreg $0xFFFFFFFF  }
0xc1: {  	_ =	task.clear_ibuf [dreg:s6], $0x2FFFF;
	_ =	strace $0x9FFFFFFF  }
0xc2: {  	(tm) =	ssettm $0x7FFFFFFF  }
0xc3: {  	_ =	shalt  }
tec
execute0_lowered:
.L_overlay_start_1:
0x0: {  	(tag) =	ssettag $0x1  }
0x1: {  	s5 =	rddreg [dreg:$0x0]  }
0x2: {  	s0 =	srdreg.scid;
	s1 =	rddreg [dreg:$0x1]  }
0x3: {  	s2 =	stileid.u32;
	s3 =	simm.s32 $0x0;
	s29 =	simm.s32 $0x7000  }
0x4: {  	s30 =	simm.s32 $0x2;
	s31 =	simm.s32 $0x4;
	s28 =	simm.s32 $0x6  }
0x5: {  	s0 =	sand.u32 $0x1, s0;
	[smem:$0x7FF] =	sst s3;
	s8 =	smul.u32 $0x2700, s2  }
0x6: {  	s10 =	smul.u32 $0x4E000, s2;
	s18 =	sadd.s32 $0x79000, s5;
	s13 =	sadd.s32 $0x8D000, s5  }
0x7: {  	p1 =	seq.s32 s2, $0x0;
	s21 =	smul.u32 $0x13800, s2;
	s22 =	sadd.s32 $0x51600, s5  }
0x8: {  	s16 =	smul.u32 $0x2800, s2;
	p4 =	sne.s32 s2, $0x0;
	s4 =	sshll.u32 s0, $0x4  }
0x9: {  	_ =	strace $0x8000004D;
	s9 =	ssub.s32 $0x2, s0;
	s20 =	smul.u32 $0x138800, s0  }
0xa: {  	p0 =	seq.s32 s0, $0x1;
	[dreg:$0x6] =	wrdreg s22;
	s15 =	smul.u32 $0x28000, s0  }
0xb: {  	p3 =	sne.s32 s0, $0x0;
	s22 =	simm.s32 $0x7D;
	s4 =	sor.u32 s2, s4  }
0xc: {  	s11 =	sadd.s32 s8, s5;
	s12 =	sshrl.u32 s9, $0x1;
	s17 =	sshrl.u32 s10, $0x2  }
0xd: {  	p1 =	por !p1, !p0;
	s6 =	smul.u32 $0x2800, s4;
	s4 =	sadd.s32 $0x2A600, s5  }
0xe: {  	s14 =	ssub.s32 s9, s12;
	s19 =	sadd.s32 $0x3400, s11;
	s9 =	sadd.s32 $0x138000, s1  }
0xf: {  	p1 =	por !p1, !p1;
	s11 =	sadd.s32 s21, s20;
	s25 =	sadd.s32 s16, s15  }
0x10: {  	s21 =	simm.s32 $0x2800;
	s8 =	sadd.s32 s4, s8;
	[dreg:$0x5] =	wrdreg s19  }
0x11: {  	s19 =	sor.u32 s0, s2;
	s23 =	sshrl.u32 s11, $0x3;
	s14 =	smax.u32 s14, $0x1  }
0x12: {  	s26 =	sor.u32 $0x180, s25;
	s7 =	sshrl.u32 s6, $0x3;
	[dreg:$0x4] =	wrdreg s8  }
0x13: {  	s8 =	sshrl.u32 s20, $0x3;
	s12 =	sadd.s32 s13, s23;
	p2 =	sne.s32 s19, $0x0  }
0x14: {  	s19 =	simm.s32 $0x7;
	s23 =	simm.s32 $0x3000;
	s6 =	sadd.s32 s7, s5  }
0x15: {  	s5 =	sadd.s32 $0x2A400, s5;
	s24 =	sadd.s32 s13, s8;
	s15 =	sadd.s32 s18, s7  }
0x16: {  	s7 =	sshrl.u32 s26, $0x3;
	s0 =	sshll.u32 @!p2 s2, $0x6;
	s26 =	simm.s32 $0x2C00  }
0x17: {  	s6 =	sadd.s32 $0x83000, s6;
	[dreg:$0x7] =	wrdreg s5;
	s13 =	sadd.s32 $0x27000, s24  }
0x18: {  	s5 =	sor.u32 $0x100, s25;
	s16 =	sadd.s32 $0x10, s15;
	s20 =	sor.u32 @!p2 $0x1C07, s0  }
0x19: {  	s24 =	simm.s32 $0x1;
	s25 =	simm.s32 $0x3;
	s0 =	simm.s32 $0x5  }
0x1a: {  	[dreg:$0x3] =	wrdreg s6;
	s6 =	sadd.s32 s17, s1;
	s5 =	sshrl.u32 s5, $0x3  }
0x1b: {  	s17 =	sadd.s32 s7, s18;
	s18 =	sadd.s32 s5, s18;
	s5 =	simm.s32 $0x0  }
.LBB2_1:
0x1c: {  	s7 =	rddreg [dreg:$0x3]  }
0x1d: {  	[tilespmem:s3], [sflag:$0x7] =	stream.linear.gather [hbm4b:s7+s3], $0x2800, $0x38;
	[tilespmem:$0x1E880] =	vst v63  }
0x1e: {  	_ =	swait.ge [sflag:s19], $0x2800  }
0x1f: {  	s8 =	sshrl.u32 @!p3 s6, $0x3;
	s7 =	sshll.u32 @!p3 s2, $0x6;
	[sflag:s19] =	ssyncset.done $0x0  }
0x20: {  	s7 =	sor.u32 @!p3 $0x1C07, s7;
	s10 =	rddreg [dreg:$0x4];
	[sflag:s19] =	ssyncadd.s32 $0xFFFFD800  }
0x21: {  	[spmem:s8], [sflag:s7] =	dma.local @!p3 [hbm:s10], $0x2700  }
0x22: {  	s7 =	simm.s32 @!p3 $0x7  }
0x23: {  	_ =	swait.ge @!p3 [sflag:s7], $0x2700  }
0x24: {  	s8 =	sshll.u32 @p0 s2, $0x6;
	[sflag:s7] =	ssyncset.done @!p3 $0x0;
	s10 =	rddreg [dreg:$0x5]  }
0x25: {  	[sflag:s7] =	ssyncadd.s32 @!p3 $0xFFFFD900;
	s7 =	sor.u32 @p0 $0x1C07, s8;
	s8 =	sshrl.u32 @p0 s6, $0x3  }
0x26: {  	[spmem:s8], [sflag:s7] =	dma.local @p0 [hbm:s10], $0x2700  }
0x27: {  	s7 =	simm.s32 @p0 $0x7  }
0x28: {  	_ =	swait.ge @p0 [sflag:s7], $0x2700  }
0x29: {  	[sflag:s7] =	ssyncset.done @p0 $0x0  }
0x2a: {  	s8 =	rddreg [dreg:$0x6];
	[sflag:s7] =	ssyncadd.s32 @p0 $0xFFFFD900;
	s7 =	sshrl.u32 @!p2 s9, $0x3  }
0x2b: {  	[spmem:s7], [sflag:s20] =	dma.local @!p2 [hbm:s8], $0x100  }
0x2c: {  	s7 =	simm.s32 @!p2 $0x7  }
0x2d: {  	_ =	swait.ge @!p2 [sflag:s7], $0x100  }
0x2e: {  	s8 =	simm.s32 @p1 $0x1C07;
	[sflag:s7] =	ssyncset.done @!p2 $0x0  }
0x2f: {  	s10 =	rddreg [dreg:$0x7];
	[sflag:s7] =	ssyncadd.s32 @!p2 $0xFFFFFF00;
	s7 =	sshrl.u32 @p1 s9, $0x3  }
0x30: {  	[spmem:s7], [sflag:s8] =	dma.local @p1 [hbm:s10], $0x100  }
0x31: {  	s7 =	simm.s32 @p1 $0x7  }
0x32: {  	_ =	swait.ge @p1 [sflag:s7], $0x100  }
0x33: {  	[sflag:s7] =	ssyncset.done @p1 $0x0  }
0x34: {  	[sflag:s7] =	ssyncadd.s32 @p1 $0xFFFFFF00  }
0x35: {  	[bflag:$0x0] =	sbarrier.arrive $0xFFFF  }
0x36: {  	[tilespmem:s21], [sflag:$0x1] =	stream.linear.gather [hbm4b:s15+s3], $0x80, $0x38;
	[tilespmem:$0x1E880] =	vst v63  }
0x37: {  	_ = 	snop  }
0x38: {  	[tilespmem:s23], [sflag:$0x3] =	stream.indirect.gather [hbm4b:s4+s22], $0x80, s3, s22, $0xb8;
	[tilespmem:$0x1E880] =	vst v63  }
0x39: {  	_ =	swait.ge [sflag:s24], $0x80  }
0x3a: {  	[sflag:s24] =	ssyncset.done $0x0  }
0x3b: {  	[sflag:s24] =	ssyncadd.s32 $0xFFFFFF80  }
0x3c: {  	_ =	swait.ge [sflag:s25], $0x3E80  }
0x3d: {  	[sflag:s25] =	ssyncset.done $0x0  }
0x3e: {  	[sflag:s25] =	ssyncadd.s32 $0xFFFFC180  }
0x3f: {  	[spmem:s1] =	stream.indirect.scatter.add.f32 [tilespmem:s23], [sflag:$0x5], $0x80, s21, s22, $0xb8;
	[tilespmem:$0x1E880] =	vst v63  }
0x40: {  	_ = 	snop  }
0x41: {  	[tilespmem:s26], [sflag:$0x2] =	stream.linear.gather [hbm4b:s16+s3], $0x80, $0x38;
	[tilespmem:$0x1E880] =	vst v63  }
0x42: {  	s10 =	simm.s32 $0x80  }
0x43: {  	[tilespmem:s29], [sflag:$0x4] =	stream.indirect.gather [hbm4b:s4+s22], $0x80, s10, s22, $0xb8;
	[tilespmem:$0x1E880] =	vst v63  }
0x44: {  	_ =	swait.ge [sflag:s30], $0x80  }
0x45: {  	[sflag:s30] =	ssyncset.done $0x0  }
0x46: {  	[sflag:s30] =	ssyncadd.s32 $0xFFFFFF80  }
0x47: {  	_ =	swait.ge [sflag:s31], $0x3E80  }
0x48: {  	[sflag:s31] =	ssyncset.done $0x0  }
0x49: {  	[sflag:s31] =	ssyncadd.s32 $0xFFFFC180  }
0x4a: {  	[spmem:s1] =	stream.indirect.scatter.add.f32 [tilespmem:s29], [sflag:$0x6], $0x80, s26, s22, $0xb8;
	[tilespmem:$0x1E880] =	vst v63  }
0x4b: {  	_ =	swait.ge [sflag:s0], $0x3E80  }
0x4c: {  	[sflag:s0] =	ssyncset.done $0x0  }
0x4d: {  	s11 =	sadd.s32 $0x0, s18;
	[sflag:s0] =	ssyncadd.s32 $0xFFFFC180  }
0x4e: {  	[tilespmem:s21], [sflag:$0x1] =	stream.linear.gather [hbm4b:s11+s3], $0x80, $0x38;
	[tilespmem:$0x1E880] =	vst v63  }
0x4f: {  	s8 =	simm.s32 $0x100  }
0x50: {  	[tilespmem:s23], [sflag:$0x3] =	stream.indirect.gather [hbm4b:s4+s22], $0x80, s8, s22, $0xb8;
	[tilespmem:$0x1E880] =	vst v63  }
0x51: {  	_ =	swait.ge [sflag:s24], $0x80  }
0x52: {  	[sflag:s24] =	ssyncset.done $0x0  }
0x53: {  	[sflag:s24] =	ssyncadd.s32 $0xFFFFFF80  }
0x54: {  	_ =	swait.ge [sflag:s25], $0x3E80  }
0x55: {  	[sflag:s25] =	ssyncset.done $0x0  }
0x56: {  	[sflag:s25] =	ssyncadd.s32 $0xFFFFC180  }
0x57: {  	[spmem:s1] =	stream.indirect.scatter.add.f32 [tilespmem:s23], [sflag:$0x5], $0x80, s21, s22, $0xb8;
	[tilespmem:$0x1E880] =	vst v63  }
0x58: {  	_ =	swait.ge [sflag:s28], $0x3E80  }
0x59: {  	[sflag:s28] =	ssyncset.done $0x0  }
0x5a: {  	s10 =	sadd.s32 $0x0, s17;
	[sflag:s28] =	ssyncadd.s32 $0xFFFFC180  }
0x5b: {  	[tilespmem:s26], [sflag:$0x2] =	stream.linear.gather [hbm4b:s10+s3], $0x80, $0x38;
	[tilespmem:$0x1E880] =	vst v63  }
0x5c: {  	s11 =	simm.s32 $0x180  }
0x5d: {  	[tilespmem:s29], [sflag:$0x4] =	stream.indirect.gather [hbm4b:s4+s22], $0x80, s11, s22, $0xb8;
	[tilespmem:$0x1E880] =	vst v63  }
0x5e: {  	_ =	swait.ge [sflag:s30], $0x80  }
0x5f: {  	[sflag:s30] =	ssyncset.done $0x0  }
0x60: {  	[sflag:s30] =	ssyncadd.s32 $0xFFFFFF80  }
0x61: {  	_ =	swait.ge [sflag:s31], $0x3E80  }
0x62: {  	[sflag:s31] =	ssyncset.done $0x0  }
0x63: {  	s7 =	simm.s32 $0x20;
	s8 =	simm.s32 $0x280;
	[sflag:s31] =	ssyncadd.s32 $0xFFFFC180  }
.LBB2_2:
0x64: {  	[spmem:s1] =	stream.indirect.scatter.add.f32 [tilespmem:s29], [sflag:$0x6], $0x80, s26, s22, $0xb8;
	[tilespmem:$0x1E880] =	vst v63  }
0x65: {  	s10 =	smov.u32 s7  }
0x66: {  	p5 =	sne.s32 s7, $0x4C0;
	s7 =	sadd.s32 $0x20, s7;
	_ =	swait.ge [sflag:s0], $0x3E80  }
0x67: {  	[sflag:s0] =	ssyncset.done $0x0  }
0x68: {  	s11 =	sadd.s32 s10, s18;
	[sflag:s0] =	ssyncadd.s32 $0xFFFFC180  }
0x69: {  	[tilespmem:s21], [sflag:$0x1] =	stream.linear.gather [hbm4b:s11+s3], $0x80, $0x38;
	[tilespmem:$0x1E880] =	vst v63  }
0x6a: {  	s11 =	sadd.s32 $0xFFFFFF80, s8  }
0x6b: {  	[tilespmem:s23], [sflag:$0x3] =	stream.indirect.gather [hbm4b:s4+s22], $0x80, s11, s22, $0xb8;
	[tilespmem:$0x1E880] =	vst v63  }
0x6c: {  	_ =	swait.ge [sflag:s24], $0x80  }
0x6d: {  	[sflag:s24] =	ssyncset.done $0x0  }
0x6e: {  	[sflag:s24] =	ssyncadd.s32 $0xFFFFFF80  }
0x6f: {  	_ =	swait.ge [sflag:s25], $0x3E80  }
0x70: {  	[sflag:s25] =	ssyncset.done $0x0  }
0x71: {  	[sflag:s25] =	ssyncadd.s32 $0xFFFFC180  }
0x72: {  	[spmem:s1] =	stream.indirect.scatter.add.f32 [tilespmem:s23], [sflag:$0x5], $0x80, s21, s22, $0xb8;
	[tilespmem:$0x1E880] =	vst v63  }
0x73: {  	_ =	swait.ge [sflag:s28], $0x3E80  }
0x74: {  	[sflag:s28] =	ssyncset.done $0x0  }
0x75: {  	s10 =	sadd.s32 s10, s17;
	[sflag:s28] =	ssyncadd.s32 $0xFFFFC180  }
0x76: {  	[tilespmem:s26], [sflag:$0x2] =	stream.linear.gather [hbm4b:s10+s3], $0x80, $0x38;
	[tilespmem:$0x1E880] =	vst v63  }
0x77: {  	_ = 	snop  }
0x78: {  	[tilespmem:s29], [sflag:$0x4] =	stream.indirect.gather [hbm4b:s4+s22], $0x80, s8, s22, $0xb8;
	[tilespmem:$0x1E880] =	vst v63  }
0x79: {  	_ =	swait.ge [sflag:s30], $0x80  }
.Ltmp0:
0x7a: {  	[sflag:s30] =	ssyncset.done $0x0;
	(pc) =	sbr.rel @p5 .LBB2_2-.Ltmp0, $4  }
0x7b: {  	[sflag:s30] =	ssyncadd.s32 $0xFFFFFF80  }
0x7c: {  	_ =	swait.ge [sflag:s31], $0x3E80  }
0x7d: {  	[sflag:s31] =	ssyncset.done $0x0  }
0x7e: {  	s8 =	sadd.s32 $0x100, s8;
	[sflag:s31] =	ssyncadd.s32 $0xFFFFC180  }
0x7f: {  	[spmem:s1] =	stream.indirect.scatter.add.f32 [tilespmem:s29], [sflag:$0x6], $0x80, s26, s22, $0xb8;
	[tilespmem:$0x1E880] =	vst v63  }
0x80: {  	_ =	swait.ge [sflag:s0], $0x3E80  }
0x81: {  	[sflag:s0] =	ssyncset.done $0x0  }
0x82: {  	[sflag:s0] =	ssyncadd.s32 $0xFFFFC180  }
0x83: {  	_ =	swait.ge [sflag:s28], $0x3E80  }
0x84: {  	[sflag:s28] =	ssyncset.done $0x0  }
0x85: {  	s7 =	sshll.u32 s2, $0x6;
	[sflag:s28] =	ssyncadd.s32 $0xFFFFC180  }
0x86: {  	s8 =	sshrl.u32 s6, $0x3;
	s7 =	sor.u32 $0x1C07, s7;
	[bflag:$0x0] =	sbarrier.arrive $0xFFFF  }
0x87: {  	[hbm:s12], [sflag:s7] =	dma.local [spmem:s8], $0x2700  }
0x88: {  	_ =	swait.ge [sflag:s19], $0x2700  }
0x89: {  	s5 =	sadd.s32 $0x1, s5;
	[sflag:s19] =	ssyncset.done $0x0  }
0x8a: {  	p5 =	sne.s32 s5, s14;
	s8 =	sshrl.u32 @!p4 s9, $0x3;
	[sflag:s19] =	ssyncadd.s32 $0xFFFFD900  }
0x8b: {  	[hbm:s13], [sflag:s7] =	dma.local @!p4 [spmem:s8], $0x100  }
.Ltmp1:
0x8c: {  	_ = 	snop;
	(pc) =	sbr.rel @p5 .LBB2_1-.Ltmp1, $4  }
0x8d: {  	s7 =	simm.s32 @!p4 $0x7  }
0x8e: {  	_ =	swait.ge @!p4 [sflag:s7], $0x100  }
0x8f: {  	[sflag:s7] =	ssyncset.done @!p4 $0x0  }
0x90: {  	[sflag:s7] =	ssyncadd.s32 @!p4 $0xFFFFFF00  }
0x91: {  	_ =	sfence.sel $0x180000  }
0x92: {  	[bflag:$0x0] =	sbarrier.arrive $0xFFFF  }
0x93: {  	_ =	strace $0x9000004D  }
0x94: {  	[bflag:$0x2] =	sbarrier.arrive $0xFFFF  }
0x95: {  	s0 =	rddreg [dreg:$0x2]  }
0x96: {  	s0 =	sadd.s32 @!p4 $0x100000, s0  }
0x97: {  	[sflag:s0] =	ssyncadd.tile.s32 @!p4 $0x1;
	_ =	shalt  }
.Lfunc_end2:
_tile_overlayer_lowered:
.L_overlay_start_2:
0x98: {  	(tag) =	ssettag $0x2  }
0x99: {  	s0 =	rddreg [dreg:$0x0];
	s2 =	stileid.u32  }
0x9a: {  	s1 =	rddreg [dreg:$0x1];
	p0 =	sne.s32 s2, $0x0  }
0x9b: {  	s3 =	rddreg [dreg:$0x2];
	[bflag:$0x3] =	sbarrier.arrive $0xFFFF;
	s2 =	simm.s32 @!p0 $0x1C07  }
0x9c: {  	[timem:s3], [sflag:s2] =	dma.local @!p0 [hbm:s0], s1  }
0x9d: {  	s0 =	simm.s32 @!p0 $0x7  }
0x9e: {  	_ =	swait.ge @!p0 [sflag:s0], s1  }
0x9f: {  	s1 =	ssub.s32 @!p0 $0x0, s1;
	[sflag:s0] =	ssyncset.done @!p0 $0x0  }
0xa0: {  	[sflag:s0] =	ssyncadd.s32 @!p0 s1  }
0xa1: {  	[bflag:$0x3] =	sbarrier.arrive $0xFFFF  }
0xa2: {  	_ =	shalt  }

// kernel: kernel.19.cloned.1.call-start
scs
__scs_entry_jumppad:
0x0: {  	(pc) =	sbr.rel $0x88, $3  }
0x1: {  	(tag) =	ssettag $0x0;
	lr =	simm.s32 $0x1  }
0x2: {  	[smem:$0x3F91] =	sst lr;
	_ =	strace $0xD0000000  }
0x3: {  	_ = 	snop  }
0x4: {  	_ = 	snop  }
0x5: {  	_ = 	snop  }
0x6: {  	_ = 	snop  }
0x7: {  	_ = 	snop  }
__scs_overlays_trampoline_lowered:
0x8: {  	[smem:$0x3FA0] =	sst s0  }
0x9: {  	[smem:$0x3FA1] =	sst s1  }
0xa: {  	[smem:$0x3FA2] =	sst s2  }
0xb: {  	[smem:$0x3FA3] =	sst s3  }
0xc: {  	[smem:$0x3FA4] =	sst s4  }
0xd: {  	[smem:$0x3FA5] =	sst s5  }
0xe: {  	[smem:$0x3FA6] =	sst s6  }
0xf: {  	[smem:$0x3FA7] =	sst s7  }
0x10: {  	[smem:$0x3FA8] =	sst s8  }
0x11: {  	[smem:$0x3FA9] =	sst s9;
	s0 =	simm.s32 @!p0 $0x0  }
0x12: {  	s1 =	sld [smem:$0x3F8F];
	s0 =	simm.s32 @p0 $0x1  }
0x13: {  	[smem:$0x3FAA] =	sst s0;
	s0 =	simm.s32 @!p1 $0x0  }
0x14: {  	s2 =	sld [smem:$0x3F8E];
	s0 =	simm.s32 @p1 $0x1  }
0x15: {  	[smem:$0x3FAB] =	sst s0;
	s0 =	simm.s32 @!p2 $0x0  }
0x16: {  	s3 =	sld [smem:$0x3FDB];
	s0 =	simm.s32 @p2 $0x1  }
0x17: {  	s4 =	simm.s32 $0x1BF5;
	[smem:$0x3FAD] =	sst s0  }
0x18: {  	s0 =	sld [smem:$0x3F90];
	_ =	swait.ge [sflag:s4], $0x0  }
0x19: {  	s7 =	sld [smem:$0x3F91]  }
0x1a: {  	s8 =	sadd.s32 $0xFFFFE003, lr  }
0x1b: {  	s9 =	sadd.s32 $0xFFFFFEF7, lr;
	s5 =	simm.s32 $0xFFFFFFFF;
	p2 =	slt.u32 s8, $0xFFFFF086  }
0x1c: {  	p1 =	slt.u32 s9, $0xF7A;
	s5 =	simm.s32 @!p2 $0x0  }
0x1d: {  	s5 =	simm.s32 @p1 $0x1;
	p0 =	seq.s32 s7, s2  }
0x1e: {  	s7 =	smul.u32 @!p0 $0xF7A, s2;
	p2 =	seq.s32 @!p0 s5, $0x0  }
0x1f: {  	s9 =	smul.u32 $0xF7A, s1;
	s8 =	simm.s32 @!p0 $0x1BF5;
	p2 =	por !p2, p0  }
0x20: {  	[sflag:s8] =	ssyncset.s32 @!p0 $0xFFFFF086;
	s6 =	sadd.s32 @!p0 s3, s7;
	s7 =	simm.s32 @!p0 $0x108  }
0x21: {  	s3 =	sadd.s32 s3, s9;
	s6 =	sadd.s32 @!p0 $0x88, s6;
	s7 =	simm.s32 @p2 $0x1082  }
0x22: {  	[simem:s7], [sflag:s8] =	dma.local @!p0 [hbm:s6], $0xF7A  }
0x23: {  	s9 =	sor.u32 $0xD0000000, s2;
	s6 =	simm.s32 $0x108;
	_ =	swait.ge @!p0 [sflag:s8], $0x0  }
0x24: {  	s3 =	sadd.s32 $0x88, s3;
	s6 =	simm.s32 @!p1 $0x1082;
	[sflag:s4] =	ssyncset.s32 $0xFFFFF086  }
0x25: {  	[simem:s6], [sflag:s4] =	dma.local [hbm:s3], $0xF7A  }
0x26: {  	[smem:$0x3F91] =	sst s1;
	(tag) =	ssettag s2;
	_ =	strace s9  }
0x27: {  	s1 =	sld [smem:$0x3FA1]  }
0x28: {  	s2 =	sld [smem:$0x3FA2]  }
0x29: {  	s4 =	sld [smem:$0x3FA4]  }
0x2a: {  	p0 =	seq.s32 s5, $0x0;
	s5 =	sld [smem:$0x3FA5]  }
0x2b: {  	s6 =	sld [smem:$0x3FA6]  }
0x2c: {  	s7 =	sld [smem:$0x3FA7]  }
0x2d: {  	s3 =	simm.s32 $0x108;
	s8 =	sld [smem:$0x3FA8]  }
0x2e: {  	s3 =	simm.s32 @!p0 $0x1082;
	s9 =	sld [smem:$0x3FA9]  }
0x2f: {  	lr =	sadd.s32 s0, s3;
	s0 =	sld [smem:$0x3FA0]  }
0x30: {  	s3 =	sld [smem:$0x3FA3]  }
0x31: {  	[smem:$0x3FAC] =	sst s10  }
0x32: {  	s10 =	sld [smem:$0x3FAA];
	_ =	sdelay $0x3  }
0x33: {  	p0 =	seq.s32 s10, $0x1;
	s10 =	sld [smem:$0x3FAC];
	_ =	sdelay $0x3  }
0x34: {  	[smem:$0x3FAC] =	sst s10  }
0x35: {  	s10 =	sld [smem:$0x3FAB];
	_ =	sdelay $0x3  }
0x36: {  	p1 =	seq.s32 s10, $0x1;
	s10 =	sld [smem:$0x3FAC];
	_ =	sdelay $0x3  }
0x37: {  	[smem:$0x3FAC] =	sst s10  }
0x38: {  	s10 =	sld [smem:$0x3FAD]  }
0x39: {  	_ = 	snop;
	(pc) =	sbr.ind lr, $3  }
0x3a: {  	_ = 	snop  }
0x3b: {  	_ = 	snop  }
0x3c: {  	p2 =	seq.s32 s10, $0x1;
	s10 =	sld [smem:$0x3FAC]  }
0x3d: {  	_ =	shalt  }
0x3e: {  	_ =	shalt  }
0x3f: {  	_ =	shalt  }
0x40: {  	_ =	shalt  }
0x41: {  	_ =	shalt  }
0x42: {  	_ =	shalt  }
0x43: {  	_ =	shalt  }
0x44: {  	_ =	shalt  }
0x45: {  	_ =	shalt  }
0x46: {  	_ =	shalt  }
0x47: {  	_ =	shalt  }
0x48: {  	_ =	shalt  }
0x49: {  	_ =	shalt  }
0x4a: {  	_ =	shalt  }
0x4b: {  	_ =	shalt  }
0x4c: {  	_ =	shalt  }
0x4d: {  	_ =	shalt  }
0x4e: {  	_ =	shalt  }
0x4f: {  	_ =	shalt  }
0x50: {  	_ =	shalt  }
0x51: {  	_ =	shalt  }
0x52: {  	_ =	shalt  }
0x53: {  	_ =	shalt  }
0x54: {  	_ =	shalt  }
0x55: {  	_ =	shalt  }
0x56: {  	_ =	shalt  }
0x57: {  	_ =	shalt  }
0x58: {  	_ =	shalt  }
0x59: {  	_ =	shalt  }
0x5a: {  	_ =	shalt  }
0x5b: {  	_ =	shalt  }
0x5c: {  	_ =	shalt  }
0x5d: {  	_ =	shalt  }
0x5e: {  	_ =	shalt  }
0x5f: {  	_ =	shalt  }
0x60: {  	_ =	shalt  }
0x61: {  	_ =	shalt  }
0x62: {  	_ =	shalt  }
0x63: {  	_ =	shalt  }
0x64: {  	_ =	shalt  }
0x65: {  	_ =	shalt  }
0x66: {  	_ =	shalt  }
0x67: {  	_ =	shalt  }
0x68: {  	_ =	shalt  }
0x69: {  	_ =	shalt  }
0x6a: {  	_ =	shalt  }
0x6b: {  	_ =	shalt  }
0x6c: {  	_ =	shalt  }
0x6d: {  	_ =	shalt  }
0x6e: {  	_ =	shalt  }
0x6f: {  	_ =	shalt  }
0x70: {  	_ =	shalt  }
0x71: {  	_ =	shalt  }
0x72: {  	_ =	shalt  }
0x73: {  	_ =	shalt  }
0x74: {  	_ =	shalt  }
0x75: {  	_ =	shalt  }
0x76: {  	_ =	shalt  }
0x77: {  	_ =	shalt  }
0x78: {  	_ =	shalt  }
0x79: {  	_ =	shalt  }
0x7a: {  	_ =	shalt  }
0x7b: {  	_ =	shalt  }
0x7c: {  	_ =	shalt  }
0x7d: {  	_ =	shalt  }
0x7e: {  	_ =	shalt  }
0x7f: {  	_ =	shalt  }
0x80: {  	_ =	shalt  }
0x81: {  	_ =	shalt  }
0x82: {  	_ =	shalt  }
0x83: {  	_ =	shalt  }
0x84: {  	_ =	shalt  }
0x85: {  	_ =	shalt  }
0x86: {  	_ =	shalt  }
0x87: {  	_ =	shalt  }
.Lfunc_end0:
.L_simem_size_0:
called_computation.3_lowered:
.L_overlay_start_0:
0x88: {  	s2 =	sld [smem:$0x3FD9]  }
0x89: {  	s3 =	sld [smem:$0x3FFE];
	_ =	sdelay $0x1  }
0x8a: {  	s1 =	srdreg.scid  }
0x8b: {  	s0 =	sand.u32 $0x1, s1  }
0x8c: {  	s16 =	sshll.u32 s0, $0xA;
	s2 =	sadd.s32 s3, s2  }
0x8d: {  	s2 =	sadd.s32 s2, s16  }
0x8e: {  	[smem:$0x3FB8] =	sst s2  }
0x8f: {  	_ = 	snop  }
0x90: {  	(tm) =	ssettm $0x1  }
0x91: {  	s17 =	sld [smem:$0x3FFB];
	_ =	sdelay $0x3  }
0x92: {  	_ =	strace s17  }
0x93: {  	s2 =	sld [smem:$0x3FFC];
	_ =	sdelay $0x3  }
0x94: {  	_ =	strace s2  }
0x95: {  	s2 =	sld [smem:$0x3FFD];
	_ =	sdelay $0x3  }
0x96: {  	_ =	strace s2  }
0x97: {  	_ =	strace $0x8FFFFFFF  }
0x98: {  	s18 =	sld [smem:$0x3FDB];
	_ =	sdelay $0x1  }
0x99: {  	s19 =	simm.s32 $_scs_section_size  }
0x9a: {  	s4 =	simm.s32 $_size__tile_overlayer_lowered;
	s5 =	simm.s32 $_tile_overlayer_lowered  }
0x9b: {  	s22 =	simm.s32 $0x1BFF;
	s21 =	sshll.u32 s5, $0x1;
	s2 =	sadd.s32 s19, s18  }
0x9c: {  	s6 =	simm.s32 $0x0;
	s20 =	sshll.u32 s4, $0x1;
	s4 =	sadd.s32 s21, s2  }
0x9d: {  	[timem:s6], [sflag:s22] =	dma.local [hbm:s4], s20  }
0x9e: {  	_ =	swait.ge [sflag:s22], s20  }
0x9f: {  	s3 =	ssub.s32 $0x0, s20;
	[sflag:s22] =	ssyncset.done $0x0  }
0xa0: {  	[sflag:s22] =	ssyncadd.s32 s3;
	_ =	sdelay $0x1  }
0xa1: {  	s23 =	simm.s32 $0x1B8B  }
0xa2: {  	_ =	swait.ge [sflag:s23], $0x1  }
0xa3: {  	[sflag:s23] =	ssyncset.done $0x0  }
0xa4: {  	s25 =	simm.s32 $0x1B8E;
	s24 =	sld [smem:$0x3FFE];
	[sflag:s23] =	ssyncadd.s32 $0xFFFFFFFF  }
0xa5: {  	s26 =	simm.s32 $execute0_lowered;
	[smem:$0x3FD2] =	sst s25  }
0xa6: {  	s4 =	sshll.u32 s26, $0x1;
	_ =	strace $0x8000004F;
	[dreg:$0x1] =	wrdreg $0xFFFFFFFF  }
0xa7: {  	s28 =	simm.s32 $_size_execute0_lowered;
	s2 =	sadd.s32 s2, s4;
	[dreg:$0x0] =	wrdreg $0x0  }
0xa8: {  	s4 =	sshll.u32 s28, $0x1;
	[dreg:$0x2] =	wrdreg s2  }
0xa9: {  	[dreg:$0x3] =	wrdreg s4  }
0xaa: {  	[dreg:$0x4] =	wrdreg $0xC0  }
0xab: {  	_ =	task [dreg:s6], $0x5FFFF  }
0xac: {  	[dreg:$0x1] =	wrdreg $0xFFFFFFFF  }
0xad: {  	[dreg:$0x0] =	wrdreg $0x60  }
0xae: {  	[dreg:$0x2] =	wrdreg s24  }
0xaf: {  	[dreg:$0x3] =	wrdreg $0xB0000  }
0xb0: {  	[dreg:$0x4] =	wrdreg $0x9  }
0xb1: {  	_ =	task.clear_ibuf [dreg:s6], $0x5FFFF;
	_ =	strace $0x9000004F  }
0xb2: {  	s29 =	simm.s32 $0x9;
	_ =	strace $0x80000051  }
0xb3: {  	_ =	swait.ge [sflag:s29], $0x1  }
0xb4: {  	[sflag:s29] =	ssyncadd.s32 $0xFFFFFFFF  }
0xb5: {  	_ =	strace $0x90000051  }
0xb6: {  	_ =	sfence  }
0xb7: {  	s30 =	sld [smem:$0x0];
	_ =	sdelay $0x2  }
0xb8: {  	s31 =	sshll.u32 s1, $0xD;
	s1 =	sshrl.u32 s1, $0x2  }
0xb9: {  	s3 =	sand.u32 $0x4000, s31;
	s1 =	sadd.s32 s1, s30  }
0xba: {  	s0 =	sor.u32 s3, s0;
	s1 =	sshll.u32 s1, $0x11  }
0xbb: {  	s0 =	sor.u32 s1, s0  }
0xbc: {  	s0 =	sadd.s32 $0x8F2B, s0  }
0xbd: {  	[sflag:s0] =	ssyncadd.remote.s32 $0x1  }
0xbe: {  	_ =	sfence.sel $0xFFFF  }
0xbf: {  	[dreg:$0x0] =	wrdreg $0xFFFFFFFF;
	(pc) =	sbr.abs _section_cstart, $3  }
0xc0: {  	[dreg:$0x1] =	wrdreg $0xFFFFFFFF  }
0xc1: {  	_ =	task.clear_ibuf [dreg:s6], $0x2FFFF;
	_ =	strace $0x9FFFFFFF  }
0xc2: {  	(tm) =	ssettm $0x7FFFFFFF  }
0xc3: {  	_ =	shalt  }
tec
execute0_lowered:
.L_overlay_start_1:
0x0: {  	(tag) =	ssettag $0x1  }
0x1: {  	s5 =	rddreg [dreg:$0x0]  }
0x2: {  	s0 =	srdreg.scid;
	s1 =	rddreg [dreg:$0x1]  }
0x3: {  	s2 =	stileid.u32;
	s3 =	simm.s32 $0x0;
	s29 =	simm.s32 $0x7000  }
0x4: {  	s30 =	simm.s32 $0x2;
	s31 =	simm.s32 $0x4;
	s28 =	simm.s32 $0x6  }
0x5: {  	s0 =	sand.u32 $0x1, s0;
	[smem:$0x7FF] =	sst s3;
	s8 =	smul.u32 $0x2700, s2  }
0x6: {  	s10 =	smul.u32 $0x4E000, s2;
	s18 =	sadd.s32 $0x79000, s5;
	s13 =	sadd.s32 $0x8D000, s5  }
0x7: {  	p1 =	seq.s32 s2, $0x0;
	s21 =	smul.u32 $0x13800, s2;
	s22 =	sadd.s32 $0x51600, s5  }
0x8: {  	s16 =	smul.u32 $0x2800, s2;
	p4 =	sne.s32 s2, $0x0;
	s4 =	sshll.u32 s0, $0x4  }
0x9: {  	_ =	strace $0x80000050;
	s9 =	ssub.s32 $0x2, s0;
	s20 =	smul.u32 $0x138800, s0  }
0xa: {  	p0 =	seq.s32 s0, $0x1;
	[dreg:$0x6] =	wrdreg s22;
	s15 =	smul.u32 $0x28000, s0  }
0xb: {  	p3 =	sne.s32 s0, $0x0;
	s22 =	simm.s32 $0x7D;
	s4 =	sor.u32 s2, s4  }
0xc: {  	s11 =	sadd.s32 s8, s5;
	s12 =	sshrl.u32 s9, $0x1;
	s17 =	sshrl.u32 s10, $0x2  }
0xd: {  	p1 =	por !p1, !p0;
	s6 =	smul.u32 $0x2800, s4;
	s4 =	sadd.s32 $0x2A600, s5  }
0xe: {  	s14 =	ssub.s32 s9, s12;
	s19 =	sadd.s32 $0x3400, s11;
	s9 =	sadd.s32 $0x138000, s1  }
0xf: {  	p1 =	por !p1, !p1;
	s11 =	sadd.s32 s21, s20;
	s25 =	sadd.s32 s16, s15  }
0x10: {  	s21 =	simm.s32 $0x2800;
	s8 =	sadd.s32 s4, s8;
	[dreg:$0x5] =	wrdreg s19  }
0x11: {  	s19 =	sor.u32 s0, s2;
	s23 =	sshrl.u32 s11, $0x3;
	s14 =	smax.u32 s14, $0x1  }
0x12: {  	s26 =	sor.u32 $0x180, s25;
	s7 =	sshrl.u32 s6, $0x3;
	[dreg:$0x4] =	wrdreg s8  }
0x13: {  	s8 =	sshrl.u32 s20, $0x3;
	s12 =	sadd.s32 s13, s23;
	p2 =	sne.s32 s19, $0x0  }
0x14: {  	s19 =	simm.s32 $0x7;
	s23 =	simm.s32 $0x3000;
	s6 =	sadd.s32 s7, s5  }
0x15: {  	s5 =	sadd.s32 $0x2A400, s5;
	s24 =	sadd.s32 s13, s8;
	s15 =	sadd.s32 s18, s7  }
0x16: {  	s7 =	sshrl.u32 s26, $0x3;
	s0 =	sshll.u32 @!p2 s2, $0x6;
	s26 =	simm.s32 $0x2C00  }
0x17: {  	s6 =	sadd.s32 $0x83000, s6;
	[dreg:$0x7] =	wrdreg s5;
	s13 =	sadd.s32 $0x27000, s24  }
0x18: {  	s5 =	sor.u32 $0x100, s25;
	s16 =	sadd.s32 $0x10, s15;
	s20 =	sor.u32 @!p2 $0x1C07, s0  }
0x19: {  	s24 =	simm.s32 $0x1;
	s25 =	simm.s32 $0x3;
	s0 =	simm.s32 $0x5  }
0x1a: {  	[dreg:$0x3] =	wrdreg s6;
	s6 =	sadd.s32 s17, s1;
	s5 =	sshrl.u32 s5, $0x3  }
0x1b: {  	s17 =	sadd.s32 s7, s18;
	s18 =	sadd.s32 s5, s18;
	s5 =	simm.s32 $0x0  }
.LBB2_1:
0x1c: {  	s7 =	rddreg [dreg:$0x3]  }
0x1d: {  	[tilespmem:s3], [sflag:$0x7] =	stream.linear.gather [hbm4b:s7+s3], $0x2800, $0x38;
	[tilespmem:$0x1E880] =	vst v63  }
0x1e: {  	_ =	swait.ge [sflag:s19], $0x2800  }
0x1f: {  	s8 =	sshrl.u32 @!p3 s6, $0x3;
	s7 =	sshll.u32 @!p3 s2, $0x6;
	[sflag:s19] =	ssyncset.done $0x0  }
0x20: {  	s7 =	sor.u32 @!p3 $0x1C07, s7;
	s10 =	rddreg [dreg:$0x4];
	[sflag:s19] =	ssyncadd.s32 $0xFFFFD800  }
0x21: {  	[spmem:s8], [sflag:s7] =	dma.local @!p3 [hbm:s10], $0x2700  }
0x22: {  	s7 =	simm.s32 @!p3 $0x7  }
0x23: {  	_ =	swait.ge @!p3 [sflag:s7], $0x2700  }
0x24: {  	s8 =	sshll.u32 @p0 s2, $0x6;
	[sflag:s7] =	ssyncset.done @!p3 $0x0;
	s10 =	rddreg [dreg:$0x5]  }
0x25: {  	[sflag:s7] =	ssyncadd.s32 @!p3 $0xFFFFD900;
	s7 =	sor.u32 @p0 $0x1C07, s8;
	s8 =	sshrl.u32 @p0 s6, $0x3  }
0x26: {  	[spmem:s8], [sflag:s7] =	dma.local @p0 [hbm:s10], $0x2700  }
0x27: {  	s7 =	simm.s32 @p0 $0x7  }
0x28: {  	_ =	swait.ge @p0 [sflag:s7], $0x2700  }
0x29: {  	[sflag:s7] =	ssyncset.done @p0 $0x0  }
0x2a: {  	s8 =	rddreg [dreg:$0x6];
	[sflag:s7] =	ssyncadd.s32 @p0 $0xFFFFD900;
	s7 =	sshrl.u32 @!p2 s9, $0x3  }
0x2b: {  	[spmem:s7], [sflag:s20] =	dma.local @!p2 [hbm:s8], $0x100  }
0x2c: {  	s7 =	simm.s32 @!p2 $0x7  }
0x2d: {  	_ =	swait.ge @!p2 [sflag:s7], $0x100  }
0x2e: {  	s8 =	simm.s32 @p1 $0x1C07;
	[sflag:s7] =	ssyncset.done @!p2 $0x0  }
0x2f: {  	s10 =	rddreg [dreg:$0x7];
	[sflag:s7] =	ssyncadd.s32 @!p2 $0xFFFFFF00;
	s7 =	sshrl.u32 @p1 s9, $0x3  }
0x30: {  	[spmem:s7], [sflag:s8] =	dma.local @p1 [hbm:s10], $0x100  }
0x31: {  	s7 =	simm.s32 @p1 $0x7  }
0x32: {  	_ =	swait.ge @p1 [sflag:s7], $0x100  }
0x33: {  	[sflag:s7] =	ssyncset.done @p1 $0x0  }
0x34: {  	[sflag:s7] =	ssyncadd.s32 @p1 $0xFFFFFF00  }
0x35: {  	[bflag:$0x0] =	sbarrier.arrive $0xFFFF  }
0x36: {  	[tilespmem:s21], [sflag:$0x1] =	stream.linear.gather [hbm4b:s15+s3], $0x80, $0x38;
	[tilespmem:$0x1E880] =	vst v63  }
0x37: {  	_ = 	snop  }
0x38: {  	[tilespmem:s23], [sflag:$0x3] =	stream.indirect.gather [hbm4b:s4+s22], $0x80, s3, s22, $0xb8;
	[tilespmem:$0x1E880] =	vst v63  }
0x39: {  	_ =	swait.ge [sflag:s24], $0x80  }
0x3a: {  	[sflag:s24] =	ssyncset.done $0x0  }
0x3b: {  	[sflag:s24] =	ssyncadd.s32 $0xFFFFFF80  }
0x3c: {  	_ =	swait.ge [sflag:s25], $0x3E80  }
0x3d: {  	[sflag:s25] =	ssyncset.done $0x0  }
0x3e: {  	[sflag:s25] =	ssyncadd.s32 $0xFFFFC180  }
0x3f: {  	[spmem:s1] =	stream.indirect.scatter.add.f32 [tilespmem:s23], [sflag:$0x5], $0x80, s21, s22, $0xb8;
	[tilespmem:$0x1E880] =	vst v63  }
0x40: {  	_ = 	snop  }
0x41: {  	[tilespmem:s26], [sflag:$0x2] =	stream.linear.gather [hbm4b:s16+s3], $0x80, $0x38;
	[tilespmem:$0x1E880] =	vst v63  }
0x42: {  	s10 =	simm.s32 $0x80  }
0x43: {  	[tilespmem:s29], [sflag:$0x4] =	stream.indirect.gather [hbm4b:s4+s22], $0x80, s10, s22, $0xb8;
	[tilespmem:$0x1E880] =	vst v63  }
0x44: {  	_ =	swait.ge [sflag:s30], $0x80  }
0x45: {  	[sflag:s30] =	ssyncset.done $0x0  }
0x46: {  	[sflag:s30] =	ssyncadd.s32 $0xFFFFFF80  }
0x47: {  	_ =	swait.ge [sflag:s31], $0x3E80  }
0x48: {  	[sflag:s31] =	ssyncset.done $0x0  }
0x49: {  	[sflag:s31] =	ssyncadd.s32 $0xFFFFC180  }
0x4a: {  	[spmem:s1] =	stream.indirect.scatter.add.f32 [tilespmem:s29], [sflag:$0x6], $0x80, s26, s22, $0xb8;
	[tilespmem:$0x1E880] =	vst v63  }
0x4b: {  	_ =	swait.ge [sflag:s0], $0x3E80  }
0x4c: {  	[sflag:s0] =	ssyncset.done $0x0  }
0x4d: {  	s11 =	sadd.s32 $0x0, s18;
	[sflag:s0] =	ssyncadd.s32 $0xFFFFC180  }
0x4e: {  	[tilespmem:s21], [sflag:$0x1] =	stream.linear.gather [hbm4b:s11+s3], $0x80, $0x38;
	[tilespmem:$0x1E880] =	vst v63  }
0x4f: {  	s8 =	simm.s32 $0x100  }
0x50: {  	[tilespmem:s23], [sflag:$0x3] =	stream.indirect.gather [hbm4b:s4+s22], $0x80, s8, s22, $0xb8;
	[tilespmem:$0x1E880] =	vst v63  }
0x51: {  	_ =	swait.ge [sflag:s24], $0x80  }
0x52: {  	[sflag:s24] =	ssyncset.done $0x0  }
0x53: {  	[sflag:s24] =	ssyncadd.s32 $0xFFFFFF80  }
0x54: {  	_ =	swait.ge [sflag:s25], $0x3E80  }
0x55: {  	[sflag:s25] =	ssyncset.done $0x0  }
0x56: {  	[sflag:s25] =	ssyncadd.s32 $0xFFFFC180  }
0x57: {  	[spmem:s1] =	stream.indirect.scatter.add.f32 [tilespmem:s23], [sflag:$0x5], $0x80, s21, s22, $0xb8;
	[tilespmem:$0x1E880] =	vst v63  }
0x58: {  	_ =	swait.ge [sflag:s28], $0x3E80  }
0x59: {  	[sflag:s28] =	ssyncset.done $0x0  }
0x5a: {  	s10 =	sadd.s32 $0x0, s17;
	[sflag:s28] =	ssyncadd.s32 $0xFFFFC180  }
0x5b: {  	[tilespmem:s26], [sflag:$0x2] =	stream.linear.gather [hbm4b:s10+s3], $0x80, $0x38;
	[tilespmem:$0x1E880] =	vst v63  }
0x5c: {  	s11 =	simm.s32 $0x180  }
0x5d: {  	[tilespmem:s29], [sflag:$0x4] =	stream.indirect.gather [hbm4b:s4+s22], $0x80, s11, s22, $0xb8;
	[tilespmem:$0x1E880] =	vst v63  }
0x5e: {  	_ =	swait.ge [sflag:s30], $0x80  }
0x5f: {  	[sflag:s30] =	ssyncset.done $0x0  }
0x60: {  	[sflag:s30] =	ssyncadd.s32 $0xFFFFFF80  }
0x61: {  	_ =	swait.ge [sflag:s31], $0x3E80  }
0x62: {  	[sflag:s31] =	ssyncset.done $0x0  }
0x63: {  	s7 =	simm.s32 $0x20;
	s8 =	simm.s32 $0x280;
	[sflag:s31] =	ssyncadd.s32 $0xFFFFC180  }
.LBB2_2:
0x64: {  	[spmem:s1] =	stream.indirect.scatter.add.f32 [tilespmem:s29], [sflag:$0x6], $0x80, s26, s22, $0xb8;
	[tilespmem:$0x1E880] =	vst v63  }
0x65: {  	s10 =	smov.u32 s7  }
0x66: {  	p5 =	sne.s32 s7, $0x4C0;
	s7 =	sadd.s32 $0x20, s7;
	_ =	swait.ge [sflag:s0], $0x3E80  }
0x67: {  	[sflag:s0] =	ssyncset.done $0x0  }
0x68: {  	s11 =	sadd.s32 s10, s18;
	[sflag:s0] =	ssyncadd.s32 $0xFFFFC180  }
0x69: {  	[tilespmem:s21], [sflag:$0x1] =	stream.linear.gather [hbm4b:s11+s3], $0x80, $0x38;
	[tilespmem:$0x1E880] =	vst v63  }
0x6a: {  	s11 =	sadd.s32 $0xFFFFFF80, s8  }
0x6b: {  	[tilespmem:s23], [sflag:$0x3] =	stream.indirect.gather [hbm4b:s4+s22], $0x80, s11, s22, $0xb8;
	[tilespmem:$0x1E880] =	vst v63  }
0x6c: {  	_ =	swait.ge [sflag:s24], $0x80  }
0x6d: {  	[sflag:s24] =	ssyncset.done $0x0  }
0x6e: {  	[sflag:s24] =	ssyncadd.s32 $0xFFFFFF80  }
0x6f: {  	_ =	swait.ge [sflag:s25], $0x3E80  }
0x70: {  	[sflag:s25] =	ssyncset.done $0x0  }
0x71: {  	[sflag:s25] =	ssyncadd.s32 $0xFFFFC180  }
0x72: {  	[spmem:s1] =	stream.indirect.scatter.add.f32 [tilespmem:s23], [sflag:$0x5], $0x80, s21, s22, $0xb8;
	[tilespmem:$0x1E880] =	vst v63  }
0x73: {  	_ =	swait.ge [sflag:s28], $0x3E80  }
0x74: {  	[sflag:s28] =	ssyncset.done $0x0  }
0x75: {  	s10 =	sadd.s32 s10, s17;
	[sflag:s28] =	ssyncadd.s32 $0xFFFFC180  }
0x76: {  	[tilespmem:s26], [sflag:$0x2] =	stream.linear.gather [hbm4b:s10+s3], $0x80, $0x38;
	[tilespmem:$0x1E880] =	vst v63  }
0x77: {  	_ = 	snop  }
0x78: {  	[tilespmem:s29], [sflag:$0x4] =	stream.indirect.gather [hbm4b:s4+s22], $0x80, s8, s22, $0xb8;
	[tilespmem:$0x1E880] =	vst v63  }
0x79: {  	_ =	swait.ge [sflag:s30], $0x80  }
.Ltmp0:
0x7a: {  	[sflag:s30] =	ssyncset.done $0x0;
	(pc) =	sbr.rel @p5 .LBB2_2-.Ltmp0, $4  }
0x7b: {  	[sflag:s30] =	ssyncadd.s32 $0xFFFFFF80  }
0x7c: {  	_ =	swait.ge [sflag:s31], $0x3E80  }
0x7d: {  	[sflag:s31] =	ssyncset.done $0x0  }
0x7e: {  	s8 =	sadd.s32 $0x100, s8;
	[sflag:s31] =	ssyncadd.s32 $0xFFFFC180  }
0x7f: {  	[spmem:s1] =	stream.indirect.scatter.add.f32 [tilespmem:s29], [sflag:$0x6], $0x80, s26, s22, $0xb8;
	[tilespmem:$0x1E880] =	vst v63  }
0x80: {  	_ =	swait.ge [sflag:s0], $0x3E80  }
0x81: {  	[sflag:s0] =	ssyncset.done $0x0  }
0x82: {  	[sflag:s0] =	ssyncadd.s32 $0xFFFFC180  }
0x83: {  	_ =	swait.ge [sflag:s28], $0x3E80  }
0x84: {  	[sflag:s28] =	ssyncset.done $0x0  }
0x85: {  	s7 =	sshll.u32 s2, $0x6;
	[sflag:s28] =	ssyncadd.s32 $0xFFFFC180  }
0x86: {  	s8 =	sshrl.u32 s6, $0x3;
	s7 =	sor.u32 $0x1C07, s7;
	[bflag:$0x0] =	sbarrier.arrive $0xFFFF  }
0x87: {  	[hbm:s12], [sflag:s7] =	dma.local [spmem:s8], $0x2700  }
0x88: {  	_ =	swait.ge [sflag:s19], $0x2700  }
0x89: {  	s5 =	sadd.s32 $0x1, s5;
	[sflag:s19] =	ssyncset.done $0x0  }
0x8a: {  	p5 =	sne.s32 s5, s14;
	s8 =	sshrl.u32 @!p4 s9, $0x3;
	[sflag:s19] =	ssyncadd.s32 $0xFFFFD900  }
0x8b: {  	[hbm:s13], [sflag:s7] =	dma.local @!p4 [spmem:s8], $0x100  }
.Ltmp1:
0x8c: {  	_ = 	snop;
	(pc) =	sbr.rel @p5 .LBB2_1-.Ltmp1, $4  }
0x8d: {  	s7 =	simm.s32 @!p4 $0x7  }
0x8e: {  	_ =	swait.ge @!p4 [sflag:s7], $0x100  }
0x8f: {  	[sflag:s7] =	ssyncset.done @!p4 $0x0  }
0x90: {  	[sflag:s7] =	ssyncadd.s32 @!p4 $0xFFFFFF00  }
0x91: {  	_ =	sfence.sel $0x180000  }
0x92: {  	[bflag:$0x0] =	sbarrier.arrive $0xFFFF  }
0x93: {  	_ =	strace $0x90000050  }
0x94: {  	[bflag:$0x2] =	sbarrier.arrive $0xFFFF  }
0x95: {  	s0 =	rddreg [dreg:$0x2]  }
0x96: {  	s0 =	sadd.s32 @!p4 $0x100000, s0  }
0x97: {  	[sflag:s0] =	ssyncadd.tile.s32 @!p4 $0x1;
	_ =	shalt  }
.Lfunc_end2:
_tile_overlayer_lowered:
.L_overlay_start_2:
0x98: {  	(tag) =	ssettag $0x2  }
0x99: {  	s0 =	rddreg [dreg:$0x0];
	s2 =	stileid.u32  }
0x9a: {  	s1 =	rddreg [dreg:$0x1];
	p0 =	sne.s32 s2, $0x0  }
0x9b: {  	s3 =	rddreg [dreg:$0x2];
	[bflag:$0x3] =	sbarrier.arrive $0xFFFF;
	s2 =	simm.s32 @!p0 $0x1C07  }
0x9c: {  	[timem:s3], [sflag:s2] =	dma.local @!p0 [hbm:s0], s1  }
0x9d: {  	s0 =	simm.s32 @!p0 $0x7  }
0x9e: {  	_ =	swait.ge @!p0 [sflag:s0], s1  }
0x9f: {  	s1 =	ssub.s32 @!p0 $0x0, s1;
	[sflag:s0] =	ssyncset.done @!p0 $0x0  }
0xa0: {  	[sflag:s0] =	ssyncadd.s32 @!p0 s1  }
0xa1: {  	[bflag:$0x3] =	sbarrier.arrive $0xFFFF  }
0xa2: {  	_ =	shalt  }

</sc_bundles>
